<compile_context>
chip_gen: v7x
topology: tpu7x:2x2x1
jax: 0.10.2.dev20260603
libtpu: 0.0.44.dev20260713+nightly
codegen_flags: <defaults>
</compile_context>

<pallas_src>
import functools

import jax
import jax.numpy as jnp
from jax import lax
from jax.experimental import pallas as pl
from jax.experimental.pallas import tpu as pltpu
from jax.experimental.pallas import tpu_sc as plsc

B, M, L, W, H = 4096, 200, 24, 11, 11
CNN_CH, HID = 128, 512
LP = 128
C_IN = L * LP
NPOS = 9
C_MID = CNN_CH * NPOS
BB = 512
N_COLS = 10 * CNN_CH

NC, NS, NW = 2, 16, 32
SPW = B // NW
G = 8
NG = SPW // G


def _sc_scatter(obs_t):
    mesh = plsc.VectorSubcoreMesh(core_axis_name="c", subcore_axis_name="s")

    @functools.partial(
        pl.kernel,
        out_type=jax.ShapeDtypeStruct((B, C_IN), jnp.float32),
        mesh=mesh,
        scratch_types=[
            pltpu.VMEM((3, M, SPW), jnp.int32),
            pltpu.VMEM((2, G, C_IN), jnp.float32),
            pltpu.SemaphoreType.DMA,
            pltpu.SemaphoreType.DMA,
        ],
        compiler_params=pltpu.CompilerParams(needs_layout_passes=False),
    )
    def sck(obs_hbm, box_hbm, obs_v, box_v, osem0, osem1):
        wid = lax.axis_index("s") * NC + lax.axis_index("c")
        base = wid * SPW
        lane = lax.iota(jnp.int32, 16)
        pat_s = lane & 7
        pat_t = lane >> 3
        fvec = lane * 0
        zv = jnp.zeros((16,), jnp.float32)

        pltpu.sync_copy(obs_hbm.at[:, :, pl.ds(base, SPW)], obs_v)

        def group(g, p, osem, not_first):
            @pl.when(not_first)
            def _():
                pltpu.make_async_copy(
                    box_v.at[p], box_hbm.at[pl.ds(base, G)], osem).wait()

            def zero(i, carry):
                for r in range(G):
                    box_v[p, r, pl.ds(i * 16, 16)] = zv
                return carry

            lax.fori_loop(0, C_IN // 16, zero, 0, unroll=8)
            s0 = g * G

            def token(t, carry):
                tv = pat_t + 2 * t
                sv = pat_s + s0
                cb = plsc.load_gather(obs_v, [fvec, tv, sv])
                at = plsc.load_gather(obs_v, [fvec + 1, tv, sv])
                vl = plsc.load_gather(obs_v, [fvec + 2, tv, sv])
                cb = jnp.where(cb == 255, 0, cb)
                at = jnp.where(at == 255, 0, at)
                vl = jnp.where(vl == 255, 0, vl)
                x = (cb >> 4) & 15
                y = cb & 15
                valid = (x < W) & (y < H) & (at < L)
                c = jnp.where(valid, at * LP + x * W + y, 0)
                plsc.store_scatter(box_v.at[p], [pat_s, c],
                                   vl.astype(jnp.float32), mask=valid)
                return carry

            lax.fori_loop(0, M // 2, token, 0, unroll=4)
            pltpu.make_async_copy(
                box_v.at[p], box_hbm.at[pl.ds(base + g * G, G)], osem).start()

        def pairs(u, carry):
            group(2 * u, 0, osem0, u > 0)
            group(2 * u + 1, 1, osem1, u > 0)
            return carry

        lax.fori_loop(0, NG // 2, pairs, 0, unroll=False)
        pltpu.make_async_copy(
            box_v.at[0], box_hbm.at[pl.ds(base, G)], osem0).wait()
        pltpu.make_async_copy(
            box_v.at[1], box_hbm.at[pl.ds(base, G)], osem1).wait()

    return sck(obs_t)


def _build_wbig(conv1_w, max_vec):
    inv = 1.0 / (max_vec.reshape(L) + 1e-8)
    wt = conv1_w.transpose(1, 2, 3, 0)
    blocks = []
    for i in range(3):
        for j in range(3):
            canvas = jnp.zeros((L, W, H, CNN_CH), jnp.float32)
            canvas = canvas.at[:, 3 * i:3 * i + 5, 3 * j:3 * j + 5, :].set(wt)
            canvas = canvas.reshape(L, W * H, CNN_CH)
            canvas = jnp.pad(canvas, ((0, 0), (0, LP - W * H), (0, 0)))
            blocks.append(canvas.reshape(C_IN, CNN_CH))
    cen = jnp.zeros((C_IN, CNN_CH), jnp.float32)
    cen = cen.at[jnp.arange(L) * LP + 5 * W + 5, jnp.arange(L)].set(
        jnp.ones((L,), jnp.float32))
    blocks.append(cen)
    invr = jnp.repeat(inv, LP)[:, None]
    blocks = [(b * invr).astype(jnp.bfloat16) for b in blocks]
    return jnp.concatenate(blocks, axis=1)


def _dense_body(box_ref, wbig_ref, w2_ref, fc_ref, se_ref,
                b1_ref, b2_ref, bfc_ref, bse_ref,
                a0s_ref, a0c_ref, a1s_ref, a1c_ref, vs_ref, vc_ref,
                a0b_ref, a1b_ref, vb_ref,
                o0_ref, o1_ref, ov_ref):
    f32 = jnp.float32
    box = box_ref[...].astype(jnp.bfloat16)
    acc = jnp.dot(box, wbig_ref[...], preferred_element_type=f32)
    conv1 = jnp.maximum(acc[:, :C_MID] + b1_ref[...], 0.0)
    center = acc[:, C_MID:C_MID + L]
    selff = jnp.maximum(
        jnp.dot(center, se_ref[...], preferred_element_type=f32)
        + bse_ref[...], 0.0)
    h2 = jnp.maximum(
        jnp.dot(conv1, w2_ref[...], preferred_element_type=f32)
        + b2_ref[...], 0.0)
    cnn = jnp.maximum(
        jnp.dot(h2, fc_ref[...], preferred_element_type=f32)
        + bfc_ref[...], 0.0)
    o0_ref[...] = (jnp.dot(selff, a0s_ref[...], preferred_element_type=f32)
                   + jnp.dot(cnn, a0c_ref[...], preferred_element_type=f32)
                   + a0b_ref[...])
    o1_ref[...] = (jnp.dot(selff, a1s_ref[...], preferred_element_type=f32)
                   + jnp.dot(cnn, a1c_ref[...], preferred_element_type=f32)
                   + a1b_ref[...])
    ov_ref[...] = (jnp.dot(selff, vs_ref[...], preferred_element_type=f32)
                   + jnp.dot(cnn, vc_ref[...], preferred_element_type=f32)
                   + vb_ref[...])


def _dense_stage(box, wbig, w2r, fc_t, se_t, b1r, conv2_b, fc_b, se_b,
                 a0s, a0c, a1s, a1c, vs, vc, a0_b, a1_b, v_b, interpret=False):
    nb = B // BB
    full = lambda shp: pl.BlockSpec(shp, lambda i: (0,) * len(shp))
    grid_spec = pl.GridSpec(
        grid=(nb,),
        in_specs=[
            pl.BlockSpec((BB, C_IN), lambda i: (i, 0)),
            full((C_IN, N_COLS)), full((C_MID, CNN_CH)),
            full((CNN_CH, HID // 2)), full((L, HID // 2)),
            full((1, C_MID)), full((1, CNN_CH)), full((1, HID // 2)),
            full((1, HID // 2)),
            full((HID // 2, 128)), full((HID // 2, 128)),
            full((HID // 2, 256)), full((HID // 2, 256)),
            full((HID // 2, 128)), full((HID // 2, 128)),
            full((1, 128)), full((1, 256)), full((1, 128)),
        ],
        out_specs=[
            pl.BlockSpec((BB, 128), lambda i: (i, 0)),
            pl.BlockSpec((BB, 256), lambda i: (i, 0)),
            pl.BlockSpec((BB, 128), lambda i: (i, 0)),
        ],
    )
    o0, o1, ov = pl.pallas_call(
        _dense_body,
        grid_spec=grid_spec,
        out_shape=[
            jax.ShapeDtypeStruct((B, 128), jnp.float32),
            jax.ShapeDtypeStruct((B, 256), jnp.float32),
            jax.ShapeDtypeStruct((B, 128), jnp.float32),
        ],
        compiler_params=pltpu.CompilerParams(
            dimension_semantics=("parallel",)),
        interpret=interpret,
    )(box, wbig, w2r, fc_t, se_t, b1r, conv2_b, fc_b, se_b,
      a0s, a0c, a1s, a1c, vs, vc, a0_b, a1_b, v_b)
    return o0[:, :9], o1, ov[:, :1]


def kernel(observations, conv1_w, conv1_b, conv2_w, conv2_b, fc_w, fc_b,
           se_w, se_b, a0_w, a0_b, a1_w, a1_b, v_w, v_b, max_vec):
    obs_t = jnp.transpose(observations, (2, 1, 0))
    box = _sc_scatter(obs_t)

    wbig = _build_wbig(conv1_w, max_vec)
    w2r = conv2_w.transpose(2, 3, 1, 0).reshape(C_MID, CNN_CH)
    fc_t = fc_w.T
    se_t = se_w.T
    b1r = jnp.tile(conv1_b, NPOS).reshape(1, C_MID)
    pad_h = lambda w, n: jnp.pad(w.T, ((0, 0), (0, n - w.shape[0])))
    a0s, a0c = pad_h(a0_w[:, :256], 128), pad_h(a0_w[:, 256:], 128)
    a1s, a1c = a1_w[:, :256].T, a1_w[:, 256:].T
    vs, vc = pad_h(v_w[:, :256], 128), pad_h(v_w[:, 256:], 128)
    a0b = jnp.pad(a0_b, (0, 128 - 9)).reshape(1, 128)
    a1b = a1_b.reshape(1, 256)
    vb = jnp.pad(v_b, (0, 127)).reshape(1, 128)

    return _dense_stage(box, wbig, w2r, fc_t, se_t, b1r,
                        conv2_b.reshape(1, CNN_CH), fc_b.reshape(1, HID // 2),
                        se_b.reshape(1, HID // 2),
                        a0s, a0c, a1s, a1c, vs, vc, a0b, a1b, vb)

# --- scband reference (transcript-rebuilt; emitter-appended) ---
"""Pipeline reference for scband-puffer-lib-policy-64768106823746 (READ-ONLY COPY).

The authoritative reference and input builder live on the scoring server;
editing this copy changes nothing except your own understanding.
"""

import jax, jax.numpy as jnp
import numpy as np

B, M, L, W, H = 4096, 200, 24, 11, 11
CNN_CH, HID = 128, 512


def setup_inputs(seed: int = 0) -> dict:
    key = jax.random.key(seed)
    ks = jax.random.split(key, 12)
    observations = jax.random.randint(ks[0], (B, M, 3), 0, 256, dtype=jnp.int32)
    conv1_w = jax.random.normal(ks[1], (CNN_CH, L, 5, 5), jnp.float32) * 0.05
    conv1_b = jnp.zeros((CNN_CH,), jnp.float32)
    conv2_w = jax.random.normal(ks[2], (CNN_CH, CNN_CH, 3, 3), jnp.float32) * 0.05
    conv2_b = jnp.zeros((CNN_CH,), jnp.float32)
    fc_w = jax.random.normal(ks[3], (HID // 2, CNN_CH), jnp.float32) * 0.05
    fc_b = jnp.zeros((HID // 2,), jnp.float32)
    se_w = jax.random.normal(ks[4], (HID // 2, L), jnp.float32) * 0.05
    se_b = jnp.zeros((HID // 2,), jnp.float32)
    a0_w = jax.random.normal(ks[5], (9, HID), jnp.float32) * 0.01
    a0_b = jnp.zeros((9,), jnp.float32)
    a1_w = jax.random.normal(ks[6], (256, HID), jnp.float32) * 0.01
    a1_b = jnp.zeros((256,), jnp.float32)
    v_w = jax.random.normal(ks[7], (1, HID), jnp.float32) * 0.05
    v_b = jnp.zeros((1,), jnp.float32)
    max_vec = jnp.maximum(jnp.arange(1, L + 1, dtype=jnp.float32), 1.0).reshape(1, L, 1, 1)
    return {"observations": observations, "conv1_w": conv1_w, "conv1_b": conv1_b,
            "conv2_w": conv2_w, "conv2_b": conv2_b, "fc_w": fc_w, "fc_b": fc_b,
            "se_w": se_w, "se_b": se_b, "a0_w": a0_w, "a0_b": a0_b,
            "a1_w": a1_w, "a1_b": a1_b, "v_w": v_w, "v_b": v_b, "max_vec": max_vec}


def _conv(x, w, b, stride):
    y = jax.lax.conv_general_dilated(x, w, (stride, stride), 'VALID',
                                     dimension_numbers=('NCHW', 'OIHW', 'NCHW'))
    return y + b[None, :, None, None]


def reference(observations, conv1_w, conv1_b, conv2_w, conv2_b, fc_w, fc_b,
              se_w, se_b, a0_w, a0_b, a1_w, a1_b, v_w, v_b, max_vec):
    obs = jnp.where(observations == 255, 0, observations)
    coords_byte = obs[..., 0]
    x_coords = (coords_byte >> 4) & 15
    y_coords = coords_byte & 15
    atr_indices = obs[..., 1]
    atr_values = obs[..., 2].astype(jnp.float32)
    valid = (coords_byte != 255) & (x_coords < W) & (y_coords < H) & (atr_indices < L)
    batch_idx = jnp.broadcast_to(jnp.arange(B)[:, None], (B, M))
    layer_idx = jnp.where(valid, atr_indices, L)  # invalid -> out of bounds, dropped
    box_obs = jnp.zeros((B, L, W, H), jnp.float32).at[batch_idx, layer_idx, x_coords, y_coords].set(atr_values, mode='drop')
    features = box_obs / (max_vec + 1e-08)
    self_features = jax.nn.relu(features[:, :, 5, 5] @ se_w.T + se_b)
    h = jax.nn.relu(_conv(features, conv1_w, conv1_b, 3))
    h = jax.nn.relu(_conv(h, conv2_w, conv2_b, 1))
    h = h.reshape(B, -1)
    cnn_features = jax.nn.relu(h @ fc_w.T + fc_b)
    hidden = jnp.concatenate([self_features, cnn_features], axis=1)
    logits0 = hidden @ a0_w.T + a0_b
    logits1 = hidden @ a1_w.T + a1_b
    value = hidden @ v_w.T + v_b
    return (logits0, logits1, value)

if __name__ == "__main__":
    import jax
    _d = setup_inputs()
    print(jax.jit(kernel)(*tuple(_d.values())))

</pallas_src>

<mosaic_0001>
#map = affine_map<(d0, d1) -> (0, 0, 0)>
#map1 = affine_map<(d0, d1) -> (0, 0)>
module attributes {stable_mosaic.version = 14 : i64} {
  func.func @sck(%arg0: i32, %arg1: i32, %arg2: memref<3x200x4096xi32, #tpu.memory_space<hbm>>, %arg3: memref<4096x3072xf32, #tpu.memory_space<hbm>>, %arg4: memref<3x200x128xi32, #tpu.memory_space<vmem>>, %arg5: memref<2x8x3072xf32, #tpu.memory_space<vmem>>, %arg6: memref<!tpu.dma_semaphore, #tpu.memory_space<semaphore_mem>>, %arg7: memref<!tpu.dma_semaphore, #tpu.memory_space<semaphore_mem>>) attributes {dimension_semantics = [#tpu.dimension_semantics<core_parallel>, #tpu.dimension_semantics<subcore_parallel>], iteration_bounds = array<i64: 2, 16>, scalar_prefetch = 0 : i64, scratch_operands = 4 : i64, tpu.core_type = #tpu.core_type<sc_vector_subcore>, window_params = [{transform_indices = #map}, {transform_indices = #map1}]} {
    %mul3A = arith.constant 2 : i32
    %mul3A_0 = arith.muli %arg1, %mul3A : i32
    %add3A = arith.addi %mul3A_0, %arg0 : i32
    %mul3A_1 = arith.constant 128 : i32
    %mul3A_2 = arith.muli %add3A, %mul3A_1 : i32
    %iota3A = tpu.iota {dimensions = array<i32: 0>} : vector<16xi32>
    %and3A = arith.constant 7 : i32
    %and3A_3 = vector.broadcast %and3A : i32 to vector<16xi32>
    %and3A_4 = arith.andi %iota3A, %and3A_3 : vector<16xi32>
    %shift_right_arithmetic3A = arith.constant 3 : i32
    %shift_right_arithmetic3A_5 = vector.broadcast %shift_right_arithmetic3A : i32 to vector<16xi32>
    %shift_right_arithmetic3A_6 = arith.shrsi %iota3A, %shift_right_arithmetic3A_5 : vector<16xi32>
    %mul3A_7 = arith.constant 0 : i32
    %mul3A_8 = vector.broadcast %mul3A_7 : i32 to vector<16xi32>
    %mul3A_9 = arith.muli %iota3A, %mul3A_8 : vector<16xi32>
    %broadcast_in_dim3A = arith.constant 0.000000e+00 : f32
    %broadcast_in_dim3A_10 = vector.broadcast %broadcast_in_dim3A : f32 to vector<16xf32>
    "tpu.region"() ({
      %run_scoped3A = tpu.sem_alloc : memref<!tpu.dma_semaphore, #tpu.memory_space<semaphore_mem>>
      %dma_start3A = arith.constant 0 : i32
      %dma_start3A_41 = arith.constant 0 : i32
      %dma_start3A_42 = tpu.memref_slice %arg2[%dma_start3A, %dma_start3A_41, %mul3A_2] : memref<3x200x4096xi32, #tpu.memory_space<hbm>> -> memref<3x200x128xi32, #tpu.memory_space<hbm>>
      %dma_start3A_43 = arith.constant 0 : i32
      %dma_start3A_44 = arith.constant 0 : i32
      %dma_start3A_45 = tpu.memref_slice %arg2[%dma_start3A_43, %dma_start3A_44, %mul3A_2] : memref<3x200x4096xi32, #tpu.memory_space<hbm>> -> memref<3x200x128xi32, #tpu.memory_space<hbm>>
      tpu.enqueue_dma source(%dma_start3A_45 : memref<3x200x128xi32, #tpu.memory_space<hbm>>) target(%arg4 : memref<3x200x128xi32, #tpu.memory_space<vmem>>) target_semaphore(%run_scoped3A : memref<!tpu.dma_semaphore, #tpu.memory_space<semaphore_mem>>)
      %dma_wait3A_46 = arith.constant 0 : i32
      %dma_wait3A_47 = arith.constant 0 : i32
      %dma_wait3A_48 = tpu.memref_slice %arg2[%dma_wait3A_46, %dma_wait3A_47, %mul3A_2] : memref<3x200x4096xi32, #tpu.memory_space<hbm>> -> memref<3x200x128xi32, #tpu.memory_space<hbm>>
      %dma_wait3A_49 = arith.constant 0 : i32
      %dma_wait3A_50 = arith.constant 0 : i32
      %dma_wait3A_51 = tpu.memref_slice %arg2[%dma_wait3A_49, %dma_wait3A_50, %mul3A_2] : memref<3x200x4096xi32, #tpu.memory_space<hbm>> -> memref<3x200x128xi32, #tpu.memory_space<hbm>>
      tpu.wait_dma2 semaphore(%run_scoped3A : memref<!tpu.dma_semaphore, #tpu.memory_space<semaphore_mem>>) src(%dma_wait3A_51 : memref<3x200x128xi32, #tpu.memory_space<hbm>>) dst(%arg4 : memref<3x200x128xi32, #tpu.memory_space<vmem>>)
      tpu.yield
    }) : () -> ()
    %scan3A = arith.constant 0 : i32
    %scan3A_11 = arith.constant 0 : i32
    %scan3A_12 = arith.constant 8 : i32
    %scan3A_13 = arith.addi %scan3A_11, %scan3A_12 : i32
    %scan3A_14 = arith.constant 1 : i32
    scf.for %scan3A_41 = %scan3A_11 to %scan3A_13 step %scan3A_14  : i32 {
      %mul3A_42 = arith.constant 2 : i32
      %mul3A_43 = arith.muli %mul3A_42, %scan3A_41 : i32
      %gt3A = arith.constant 0 : i32
      %gt3A_44 = arith.cmpi sgt, %scan3A_41, %gt3A : i32
      %convert_element_type3A = arith.extui %gt3A_44 : i1 to i32
      %cond3A = arith.constant 0 : i32
      %cond3A_45 = arith.cmpi ne, %convert_element_type3A, %cond3A : i32
      scf.if %cond3A_45 {
        %dma_wait3A_114 = arith.constant 0 : i32
        %dma_wait3A_115 = arith.constant 0 : i32
        %dma_wait3A_116 = arith.constant 0 : i32
        %dma_wait3A_117 = tpu.memref_slice %arg5[%dma_wait3A_114, %dma_wait3A_115, %dma_wait3A_116] : memref<2x8x3072xf32, #tpu.memory_space<vmem>> -> memref<1x8x3072xf32, #tpu.memory_space<vmem>>
        %dma_wait3A_118 = tpu.memref_squeeze %dma_wait3A_117 : memref<1x8x3072xf32, #tpu.memory_space<vmem>> -> memref<8x3072xf32, #tpu.memory_space<vmem>>
        %dma_wait3A_119 = arith.constant 0 : i32
        %dma_wait3A_120 = tpu.memref_slice %arg3[%mul3A_2, %dma_wait3A_119] : memref<4096x3072xf32, #tpu.memory_space<hbm>> -> memref<8x3072xf32, #tpu.memory_space<hbm>>
        %dma_wait3A_121 = arith.constant 0 : i32
        %dma_wait3A_122 = tpu.memref_slice %arg3[%mul3A_2, %dma_wait3A_121] : memref<4096x3072xf32, #tpu.memory_space<hbm>> -> memref<8x3072xf32, #tpu.memory_space<hbm>>
        %dma_wait3A_123 = arith.constant 0 : i32
        %dma_wait3A_124 = arith.constant 0 : i32
        %dma_wait3A_125 = tpu.memref_slice %arg5[%dma_wait3A_114, %dma_wait3A_123, %dma_wait3A_124] : memref<2x8x3072xf32, #tpu.memory_space<vmem>> -> memref<1x8x3072xf32, #tpu.memory_space<vmem>>
        %dma_wait3A_126 = tpu.memref_squeeze %dma_wait3A_125 : memref<1x8x3072xf32, #tpu.memory_space<vmem>> -> memref<8x3072xf32, #tpu.memory_space<vmem>>
        tpu.wait_dma2 semaphore(%arg6 : memref<!tpu.dma_semaphore, #tpu.memory_space<semaphore_mem>>) src(%dma_wait3A_126 : memref<8x3072xf32, #tpu.memory_space<vmem>>) dst(%dma_wait3A_122 : memref<8x3072xf32, #tpu.memory_space<hbm>>)
      } else {
      }
      %scan3A_46 = arith.constant 0 : i32
      %scan3A_47 = arith.constant 0 : i32
      %scan3A_48 = arith.constant 192 : i32
      %scan3A_49 = arith.addi %scan3A_47, %scan3A_48 : i32
      %scan3A_50 = arith.constant 8 : i32
      scf.for %scan3A_114 = %scan3A_47 to %scan3A_49 step %scan3A_50  : i32 {
        %mul3A_115 = arith.constant 16 : i32
        %mul3A_116 = arith.muli %scan3A_114, %mul3A_115 : i32
        %swap3A = arith.constant 0 : i32
        %swap3A_117 = arith.constant 0 : i32
        %swap3A_118 = arith.index_cast %swap3A : i32 to index
        %swap3A_119 = arith.index_cast %swap3A_117 : i32 to index
        %swap3A_120 = arith.index_cast %mul3A_116 : i32 to index
        %swap3A_121 = tpu.vector_load %arg5[%swap3A_118, %swap3A_119, %swap3A_120] {strides = array<i32>} : memref<2x8x3072xf32, #tpu.memory_space<vmem>>, vector<16xf32>,
        tpu.vector_store %arg5[%swap3A_118, %swap3A_119, %swap3A_120], %broadcast_in_dim3A_10 {strides = array<i32>} : memref<2x8x3072xf32, #tpu.memory_space<vmem>>, vector<16xf32>,
        %mul3A_122 = arith.constant 16 : i32
        %mul3A_123 = arith.muli %scan3A_114, %mul3A_122 : i32
        %swap3A_124 = arith.constant 0 : i32
        %swap3A_125 = arith.constant 1 : i32
        %swap3A_126 = arith.index_cast %swap3A_124 : i32 to index
        %swap3A_127 = arith.index_cast %swap3A_125 : i32 to index
        %swap3A_128 = arith.index_cast %mul3A_123 : i32 to index
        %swap3A_129 = tpu.vector_load %arg5[%swap3A_126, %swap3A_127, %swap3A_128] {strides = array<i32>} : memref<2x8x3072xf32, #tpu.memory_space<vmem>>, vector<16xf32>,
        tpu.vector_store %arg5[%swap3A_126, %swap3A_127, %swap3A_128], %broadcast_in_dim3A_10 {strides = array<i32>} : memref<2x8x3072xf32, #tpu.memory_space<vmem>>, vector<16xf32>,
        %mul3A_130 = arith.constant 16 : i32
        %mul3A_131 = arith.muli %scan3A_114, %mul3A_130 : i32
        %swap3A_132 = arith.constant 0 : i32
        %swap3A_133 = arith.constant 2 : i32
        %swap3A_134 = arith.index_cast %swap3A_132 : i32 to index
        %swap3A_135 = arith.index_cast %swap3A_133 : i32 to index
        %swap3A_136 = arith.index_cast %mul3A_131 : i32 to index
        %swap3A_137 = tpu.vector_load %arg5[%swap3A_134, %swap3A_135, %swap3A_136] {strides = array<i32>} : memref<2x8x3072xf32, #tpu.memory_space<vmem>>, vector<16xf32>,
        tpu.vector_store %arg5[%swap3A_134, %swap3A_135, %swap3A_136], %broadcast_in_dim3A_10 {strides = array<i32>} : memref<2x8x3072xf32, #tpu.memory_space<vmem>>, vector<16xf32>,
        %mul3A_138 = arith.constant 16 : i32
        %mul3A_139 = arith.muli %scan3A_114, %mul3A_138 : i32
        %swap3A_140 = arith.constant 0 : i32
        %swap3A_141 = arith.constant 3 : i32
        %swap3A_142 = arith.index_cast %swap3A_140 : i32 to index
        %swap3A_143 = arith.index_cast %swap3A_141 : i32 to index
        %swap3A_144 = arith.index_cast %mul3A_139 : i32 to index
        %swap3A_145 = tpu.vector_load %arg5[%swap3A_142, %swap3A_143, %swap3A_144] {strides = array<i32>} : memref<2x8x3072xf32, #tpu.memory_space<vmem>>, vector<16xf32>,
        tpu.vector_store %arg5[%swap3A_142, %swap3A_143, %swap3A_144], %broadcast_in_dim3A_10 {strides = array<i32>} : memref<2x8x3072xf32, #tpu.memory_space<vmem>>, vector<16xf32>,
        %mul3A_146 = arith.constant 16 : i32
        %mul3A_147 = arith.muli %scan3A_114, %mul3A_146 : i32
        %swap3A_148 = arith.constant 0 : i32
        %swap3A_149 = arith.constant 4 : i32
        %swap3A_150 = arith.index_cast %swap3A_148 : i32 to index
        %swap3A_151 = arith.index_cast %swap3A_149 : i32 to index
        %swap3A_152 = arith.index_cast %mul3A_147 : i32 to index
        %swap3A_153 = tpu.vector_load %arg5[%swap3A_150, %swap3A_151, %swap3A_152] {strides = array<i32>} : memref<2x8x3072xf32, #tpu.memory_space<vmem>>, vector<16xf32>,
        tpu.vector_store %arg5[%swap3A_150, %swap3A_151, %swap3A_152], %broadcast_in_dim3A_10 {strides = array<i32>} : memref<2x8x3072xf32, #tpu.memory_space<vmem>>, vector<16xf32>,
        %mul3A_154 = arith.constant 16 : i32
        %mul3A_155 = arith.muli %scan3A_114, %mul3A_154 : i32
        %swap3A_156 = arith.constant 0 : i32
        %swap3A_157 = arith.constant 5 : i32
        %swap3A_158 = arith.index_cast %swap3A_156 : i32 to index
        %swap3A_159 = arith.index_cast %swap3A_157 : i32 to index
        %swap3A_160 = arith.index_cast %mul3A_155 : i32 to index
        %swap3A_161 = tpu.vector_load %arg5[%swap3A_158, %swap3A_159, %swap3A_160] {strides = array<i32>} : memref<2x8x3072xf32, #tpu.memory_space<vmem>>, vector<16xf32>,
        tpu.vector_store %arg5[%swap3A_158, %swap3A_159, %swap3A_160], %broadcast_in_dim3A_10 {strides = array<i32>} : memref<2x8x3072xf32, #tpu.memory_space<vmem>>, vector<16xf32>,
        %mul3A_162 = arith.constant 16 : i32
        %mul3A_163 = arith.muli %scan3A_114, %mul3A_162 : i32
        %swap3A_164 = arith.constant 0 : i32
        %swap3A_165 = arith.constant 6 : i32
        %swap3A_166 = arith.index_cast %swap3A_164 : i32 to index
        %swap3A_167 = arith.index_cast %swap3A_165 : i32 to index
        %swap3A_168 = arith.index_cast %mul3A_163 : i32 to index
        %swap3A_169 = tpu.vector_load %arg5[%swap3A_166, %swap3A_167, %swap3A_168] {strides = array<i32>} : memref<2x8x3072xf32, #tpu.memory_space<vmem>>, vector<16xf32>,
        tpu.vector_store %arg5[%swap3A_166, %swap3A_167, %swap3A_168], %broadcast_in_dim3A_10 {strides = array<i32>} : memref<2x8x3072xf32, #tpu.memory_space<vmem>>, vector<16xf32>,
        %mul3A_170 = arith.constant 16 : i32
        %mul3A_171 = arith.muli %scan3A_114, %mul3A_170 : i32
        %swap3A_172 = arith.constant 0 : i32
        %swap3A_173 = arith.constant 7 : i32
        %swap3A_174 = arith.index_cast %swap3A_172 : i32 to index
        %swap3A_175 = arith.index_cast %swap3A_173 : i32 to index
        %swap3A_176 = arith.index_cast %mul3A_171 : i32 to index
        %swap3A_177 = tpu.vector_load %arg5[%swap3A_174, %swap3A_175, %swap3A_176] {strides = array<i32>} : memref<2x8x3072xf32, #tpu.memory_space<vmem>>, vector<16xf32>,
        tpu.vector_store %arg5[%swap3A_174, %swap3A_175, %swap3A_176], %broadcast_in_dim3A_10 {strides = array<i32>} : memref<2x8x3072xf32, #tpu.memory_space<vmem>>, vector<16xf32>,
        %scan3A_178 = arith.constant 1 : i32
        %scan3A_179 = arith.addi %scan3A_114, %scan3A_178 : i32
        %mul3A_180 = arith.constant 16 : i32
        %mul3A_181 = arith.muli %scan3A_179, %mul3A_180 : i32
        %swap3A_182 = arith.constant 0 : i32
        %swap3A_183 = arith.constant 0 : i32
        %swap3A_184 = arith.index_cast %swap3A_182 : i32 to index
        %swap3A_185 = arith.index_cast %swap3A_183 : i32 to index
        %swap3A_186 = arith.index_cast %mul3A_181 : i32 to index
        %swap3A_187 = tpu.vector_load %arg5[%swap3A_184, %swap3A_185, %swap3A_186] {strides = array<i32>} : memref<2x8x3072xf32, #tpu.memory_space<vmem>>, vector<16xf32>,
        tpu.vector_store %arg5[%swap3A_184, %swap3A_185, %swap3A_186], %broadcast_in_dim3A_10 {strides = array<i32>} : memref<2x8x3072xf32, #tpu.memory_space<vmem>>, vector<16xf32>,
        %mul3A_188 = arith.constant 16 : i32
        %mul3A_189 = arith.muli %scan3A_179, %mul3A_188 : i32
        %swap3A_190 = arith.constant 0 : i32
        %swap3A_191 = arith.constant 1 : i32
        %swap3A_192 = arith.index_cast %swap3A_190 : i32 to index
        %swap3A_193 = arith.index_cast %swap3A_191 : i32 to index
        %swap3A_194 = arith.index_cast %mul3A_189 : i32 to index
        %swap3A_195 = tpu.vector_load %arg5[%swap3A_192, %swap3A_193, %swap3A_194] {strides = array<i32>} : memref<2x8x3072xf32, #tpu.memory_space<vmem>>, vector<16xf32>,
        tpu.vector_store %arg5[%swap3A_192, %swap3A_193, %swap3A_194], %broadcast_in_dim3A_10 {strides = array<i32>} : memref<2x8x3072xf32, #tpu.memory_space<vmem>>, vector<16xf32>,
        %mul3A_196 = arith.constant 16 : i32
        %mul3A_197 = arith.muli %scan3A_179, %mul3A_196 : i32
        %swap3A_198 = arith.constant 0 : i32
        %swap3A_199 = arith.constant 2 : i32
        %swap3A_200 = arith.index_cast %swap3A_198 : i32 to index
        %swap3A_201 = arith.index_cast %swap3A_199 : i32 to index
        %swap3A_202 = arith.index_cast %mul3A_197 : i32 to index
        %swap3A_203 = tpu.vector_load %arg5[%swap3A_200, %swap3A_201, %swap3A_202] {strides = array<i32>} : memref<2x8x3072xf32, #tpu.memory_space<vmem>>, vector<16xf32>,
        tpu.vector_store %arg5[%swap3A_200, %swap3A_201, %swap3A_202], %broadcast_in_dim3A_10 {strides = array<i32>} : memref<2x8x3072xf32, #tpu.memory_space<vmem>>, vector<16xf32>,
        %mul3A_204 = arith.constant 16 : i32
        %mul3A_205 = arith.muli %scan3A_179, %mul3A_204 : i32
        %swap3A_206 = arith.constant 0 : i32
        %swap3A_207 = arith.constant 3 : i32
        %swap3A_208 = arith.index_cast %swap3A_206 : i32 to index
        %swap3A_209 = arith.index_cast %swap3A_207 : i32 to index
        %swap3A_210 = arith.index_cast %mul3A_205 : i32 to index
        %swap3A_211 = tpu.vector_load %arg5[%swap3A_208, %swap3A_209, %swap3A_210] {strides = array<i32>} : memref<2x8x3072xf32, #tpu.memory_space<vmem>>, vector<16xf32>,
        tpu.vector_store %arg5[%swap3A_208, %swap3A_209, %swap3A_210], %broadcast_in_dim3A_10 {strides = array<i32>} : memref<2x8x3072xf32, #tpu.memory_space<vmem>>, vector<16xf32>,
        %mul3A_212 = arith.constant 16 : i32
        %mul3A_213 = arith.muli %scan3A_179, %mul3A_212 : i32
        %swap3A_214 = arith.constant 0 : i32
        %swap3A_215 = arith.constant 4 : i32
        %swap3A_216 = arith.index_cast %swap3A_214 : i32 to index
        %swap3A_217 = arith.index_cast %swap3A_215 : i32 to index
        %swap3A_218 = arith.index_cast %mul3A_213 : i32 to index
        %swap3A_219 = tpu.vector_load %arg5[%swap3A_216, %swap3A_217, %swap3A_218] {strides = array<i32>} : memref<2x8x3072xf32, #tpu.memory_space<vmem>>, vector<16xf32>,
        tpu.vector_store %arg5[%swap3A_216, %swap3A_217, %swap3A_218], %broadcast_in_dim3A_10 {strides = array<i32>} : memref<2x8x3072xf32, #tpu.memory_space<vmem>>, vector<16xf32>,
        %mul3A_220 = arith.constant 16 : i32
        %mul3A_221 = arith.muli %scan3A_179, %mul3A_220 : i32
        %swap3A_222 = arith.constant 0 : i32
        %swap3A_223 = arith.constant 5 : i32
        %swap3A_224 = arith.index_cast %swap3A_222 : i32 to index
        %swap3A_225 = arith.index_cast %swap3A_223 : i32 to index
        %swap3A_226 = arith.index_cast %mul3A_221 : i32 to index
        %swap3A_227 = tpu.vector_load %arg5[%swap3A_224, %swap3A_225, %swap3A_226] {strides = array<i32>} : memref<2x8x3072xf32, #tpu.memory_space<vmem>>, vector<16xf32>,
        tpu.vector_store %arg5[%swap3A_224, %swap3A_225, %swap3A_226], %broadcast_in_dim3A_10 {strides = array<i32>} : memref<2x8x3072xf32, #tpu.memory_space<vmem>>, vector<16xf32>,
        %mul3A_228 = arith.constant 16 : i32
        %mul3A_229 = arith.muli %scan3A_179, %mul3A_228 : i32
        %swap3A_230 = arith.constant 0 : i32
        %swap3A_231 = arith.constant 6 : i32
        %swap3A_232 = arith.index_cast %swap3A_230 : i32 to index
        %swap3A_233 = arith.index_cast %swap3A_231 : i32 to index
        %swap3A_234 = arith.index_cast %mul3A_229 : i32 to index
        %swap3A_235 = tpu.vector_load %arg5[%swap3A_232, %swap3A_233, %swap3A_234] {strides = array<i32>} : memref<2x8x3072xf32, #tpu.memory_space<vmem>>, vector<16xf32>,
        tpu.vector_store %arg5[%swap3A_232, %swap3A_233, %swap3A_234], %broadcast_in_dim3A_10 {strides = array<i32>} : memref<2x8x3072xf32, #tpu.memory_space<vmem>>, vector<16xf32>,
        %mul3A_236 = arith.constant 16 : i32
        %mul3A_237 = arith.muli %scan3A_179, %mul3A_236 : i32
        %swap3A_238 = arith.constant 0 : i32
        %swap3A_239 = arith.constant 7 : i32
        %swap3A_240 = arith.index_cast %swap3A_238 : i32 to index
        %swap3A_241 = arith.index_cast %swap3A_239 : i32 to index
        %swap3A_242 = arith.index_cast %mul3A_237 : i32 to index
        %swap3A_243 = tpu.vector_load %arg5[%swap3A_240, %swap3A_241, %swap3A_242] {strides = array<i32>} : memref<2x8x3072xf32, #tpu.memory_space<vmem>>, vector<16xf32>,
        tpu.vector_store %arg5[%swap3A_240, %swap3A_241, %swap3A_242], %broadcast_in_dim3A_10 {strides = array<i32>} : memref<2x8x3072xf32, #tpu.memory_space<vmem>>, vector<16xf32>,
        %scan3A_244 = arith.constant 2 : i32
        %scan3A_245 = arith.addi %scan3A_114, %scan3A_244 : i32
        %mul3A_246 = arith.constant 16 : i32
        %mul3A_247 = arith.muli %scan3A_245, %mul3A_246 : i32
        %swap3A_248 = arith.constant 0 : i32
        %swap3A_249 = arith.constant 0 : i32
        %swap3A_250 = arith.index_cast %swap3A_248 : i32 to index
        %swap3A_251 = arith.index_cast %swap3A_249 : i32 to index
        %swap3A_252 = arith.index_cast %mul3A_247 : i32 to index
        %swap3A_253 = tpu.vector_load %arg5[%swap3A_250, %swap3A_251, %swap3A_252] {strides = array<i32>} : memref<2x8x3072xf32, #tpu.memory_space<vmem>>, vector<16xf32>,
        tpu.vector_store %arg5[%swap3A_250, %swap3A_251, %swap3A_252], %broadcast_in_dim3A_10 {strides = array<i32>} : memref<2x8x3072xf32, #tpu.memory_space<vmem>>, vector<16xf32>,
        %mul3A_254 = arith.constant 16 : i32
        %mul3A_255 = arith.muli %scan3A_245, %mul3A_254 : i32
        %swap3A_256 = arith.constant 0 : i32
        %swap3A_257 = arith.constant 1 : i32
        %swap3A_258 = arith.index_cast %swap3A_256 : i32 to index
        %swap3A_259 = arith.index_cast %swap3A_257 : i32 to index
        %swap3A_260 = arith.index_cast %mul3A_255 : i32 to index
        %swap3A_261 = tpu.vector_load %arg5[%swap3A_258, %swap3A_259, %swap3A_260] {strides = array<i32>} : memref<2x8x3072xf32, #tpu.memory_space<vmem>>, vector<16xf32>,
        tpu.vector_store %arg5[%swap3A_258, %swap3A_259, %swap3A_260], %broadcast_in_dim3A_10 {strides = array<i32>} : memref<2x8x3072xf32, #tpu.memory_space<vmem>>, vector<16xf32>,
        %mul3A_262 = arith.constant 16 : i32
        %mul3A_263 = arith.muli %scan3A_245, %mul3A_262 : i32
        %swap3A_264 = arith.constant 0 : i32
        %swap3A_265 = arith.constant 2 : i32
        %swap3A_266 = arith.index_cast %swap3A_264 : i32 to index
        %swap3A_267 = arith.index_cast %swap3A_265 : i32 to index
        %swap3A_268 = arith.index_cast %mul3A_263 : i32 to index
        %swap3A_269 = tpu.vector_load %arg5[%swap3A_266, %swap3A_267, %swap3A_268] {strides = array<i32>} : memref<2x8x3072xf32, #tpu.memory_space<vmem>>, vector<16xf32>,
        tpu.vector_store %arg5[%swap3A_266, %swap3A_267, %swap3A_268], %broadcast_in_dim3A_10 {strides = array<i32>} : memref<2x8x3072xf32, #tpu.memory_space<vmem>>, vector<16xf32>,
        %mul3A_270 = arith.constant 16 : i32
        %mul3A_271 = arith.muli %scan3A_245, %mul3A_270 : i32
        %swap3A_272 = arith.constant 0 : i32
        %swap3A_273 = arith.constant 3 : i32
        %swap3A_274 = arith.index_cast %swap3A_272 : i32 to index
        %swap3A_275 = arith.index_cast %swap3A_273 : i32 to index
        %swap3A_276 = arith.index_cast %mul3A_271 : i32 to index
        %swap3A_277 = tpu.vector_load %arg5[%swap3A_274, %swap3A_275, %swap3A_276] {strides = array<i32>} : memref<2x8x3072xf32, #tpu.memory_space<vmem>>, vector<16xf32>,
        tpu.vector_store %arg5[%swap3A_274, %swap3A_275, %swap3A_276], %broadcast_in_dim3A_10 {strides = array<i32>} : memref<2x8x3072xf32, #tpu.memory_space<vmem>>, vector<16xf32>,
        %mul3A_278 = arith.constant 16 : i32
        %mul3A_279 = arith.muli %scan3A_245, %mul3A_278 : i32
        %swap3A_280 = arith.constant 0 : i32
        %swap3A_281 = arith.constant 4 : i32
        %swap3A_282 = arith.index_cast %swap3A_280 : i32 to index
        %swap3A_283 = arith.index_cast %swap3A_281 : i32 to index
        %swap3A_284 = arith.index_cast %mul3A_279 : i32 to index
        %swap3A_285 = tpu.vector_load %arg5[%swap3A_282, %swap3A_283, %swap3A_284] {strides = array<i32>} : memref<2x8x3072xf32, #tpu.memory_space<vmem>>, vector<16xf32>,
        tpu.vector_store %arg5[%swap3A_282, %swap3A_283, %swap3A_284], %broadcast_in_dim3A_10 {strides = array<i32>} : memref<2x8x3072xf32, #tpu.memory_space<vmem>>, vector<16xf32>,
        %mul3A_286 = arith.constant 16 : i32
        %mul3A_287 = arith.muli %scan3A_245, %mul3A_286 : i32
        %swap3A_288 = arith.constant 0 : i32
        %swap3A_289 = arith.constant 5 : i32
        %swap3A_290 = arith.index_cast %swap3A_288 : i32 to index
        %swap3A_291 = arith.index_cast %swap3A_289 : i32 to index
        %swap3A_292 = arith.index_cast %mul3A_287 : i32 to index
        %swap3A_293 = tpu.vector_load %arg5[%swap3A_290, %swap3A_291, %swap3A_292] {strides = array<i32>} : memref<2x8x3072xf32, #tpu.memory_space<vmem>>, vector<16xf32>,
        tpu.vector_store %arg5[%swap3A_290, %swap3A_291, %swap3A_292], %broadcast_in_dim3A_10 {strides = array<i32>} : memref<2x8x3072xf32, #tpu.memory_space<vmem>>, vector<16xf32>,
        %mul3A_294 = arith.constant 16 : i32
        %mul3A_295 = arith.muli %scan3A_245, %mul3A_294 : i32
        %swap3A_296 = arith.constant 0 : i32
        %swap3A_297 = arith.constant 6 : i32
        %swap3A_298 = arith.index_cast %swap3A_296 : i32 to index
        %swap3A_299 = arith.index_cast %swap3A_297 : i32 to index
        %swap3A_300 = arith.index_cast %mul3A_295 : i32 to index
        %swap3A_301 = tpu.vector_load %arg5[%swap3A_298, %swap3A_299, %swap3A_300] {strides = array<i32>} : memref<2x8x3072xf32, #tpu.memory_space<vmem>>, vector<16xf32>,
        tpu.vector_store %arg5[%swap3A_298, %swap3A_299, %swap3A_300], %broadcast_in_dim3A_10 {strides = array<i32>} : memref<2x8x3072xf32, #tpu.memory_space<vmem>>, vector<16xf32>,
        %mul3A_302 = arith.constant 16 : i32
        %mul3A_303 = arith.muli %scan3A_245, %mul3A_302 : i32
        %swap3A_304 = arith.constant 0 : i32
        %swap3A_305 = arith.constant 7 : i32
        %swap3A_306 = arith.index_cast %swap3A_304 : i32 to index
        %swap3A_307 = arith.index_cast %swap3A_305 : i32 to index
        %swap3A_308 = arith.index_cast %mul3A_303 : i32 to index
        %swap3A_309 = tpu.vector_load %arg5[%swap3A_306, %swap3A_307, %swap3A_308] {strides = array<i32>} : memref<2x8x3072xf32, #tpu.memory_space<vmem>>, vector<16xf32>,
        tpu.vector_store %arg5[%swap3A_306, %swap3A_307, %swap3A_308], %broadcast_in_dim3A_10 {strides = array<i32>} : memref<2x8x3072xf32, #tpu.memory_space<vmem>>, vector<16xf32>,
        %scan3A_310 = arith.constant 3 : i32
        %scan3A_311 = arith.addi %scan3A_114, %scan3A_310 : i32
        %mul3A_312 = arith.constant 16 : i32
        %mul3A_313 = arith.muli %scan3A_311, %mul3A_312 : i32
        %swap3A_314 = arith.constant 0 : i32
        %swap3A_315 = arith.constant 0 : i32
        %swap3A_316 = arith.index_cast %swap3A_314 : i32 to index
        %swap3A_317 = arith.index_cast %swap3A_315 : i32 to index
        %swap3A_318 = arith.index_cast %mul3A_313 : i32 to index
        %swap3A_319 = tpu.vector_load %arg5[%swap3A_316, %swap3A_317, %swap3A_318] {strides = array<i32>} : memref<2x8x3072xf32, #tpu.memory_space<vmem>>, vector<16xf32>,
        tpu.vector_store %arg5[%swap3A_316, %swap3A_317, %swap3A_318], %broadcast_in_dim3A_10 {strides = array<i32>} : memref<2x8x3072xf32, #tpu.memory_space<vmem>>, vector<16xf32>,
        %mul3A_320 = arith.constant 16 : i32
        %mul3A_321 = arith.muli %scan3A_311, %mul3A_320 : i32
        %swap3A_322 = arith.constant 0 : i32
        %swap3A_323 = arith.constant 1 : i32
        %swap3A_324 = arith.index_cast %swap3A_322 : i32 to index
        %swap3A_325 = arith.index_cast %swap3A_323 : i32 to index
        %swap3A_326 = arith.index_cast %mul3A_321 : i32 to index
        %swap3A_327 = tpu.vector_load %arg5[%swap3A_324, %swap3A_325, %swap3A_326] {strides = array<i32>} : memref<2x8x3072xf32, #tpu.memory_space<vmem>>, vector<16xf32>,
        tpu.vector_store %arg5[%swap3A_324, %swap3A_325, %swap3A_326], %broadcast_in_dim3A_10 {strides = array<i32>} : memref<2x8x3072xf32, #tpu.memory_space<vmem>>, vector<16xf32>,
        %mul3A_328 = arith.constant 16 : i32
        %mul3A_329 = arith.muli %scan3A_311, %mul3A_328 : i32
        %swap3A_330 = arith.constant 0 : i32
        %swap3A_331 = arith.constant 2 : i32
        %swap3A_332 = arith.index_cast %swap3A_330 : i32 to index
        %swap3A_333 = arith.index_cast %swap3A_331 : i32 to index
        %swap3A_334 = arith.index_cast %mul3A_329 : i32 to index
        %swap3A_335 = tpu.vector_load %arg5[%swap3A_332, %swap3A_333, %swap3A_334] {strides = array<i32>} : memref<2x8x3072xf32, #tpu.memory_space<vmem>>, vector<16xf32>,
        tpu.vector_store %arg5[%swap3A_332, %swap3A_333, %swap3A_334], %broadcast_in_dim3A_10 {strides = array<i32>} : memref<2x8x3072xf32, #tpu.memory_space<vmem>>, vector<16xf32>,
        %mul3A_336 = arith.constant 16 : i32
        %mul3A_337 = arith.muli %scan3A_311, %mul3A_336 : i32
        %swap3A_338 = arith.constant 0 : i32
        %swap3A_339 = arith.constant 3 : i32
        %swap3A_340 = arith.index_cast %swap3A_338 : i32 to index
        %swap3A_341 = arith.index_cast %swap3A_339 : i32 to index
        %swap3A_342 = arith.index_cast %mul3A_337 : i32 to index
        %swap3A_343 = tpu.vector_load %arg5[%swap3A_340, %swap3A_341, %swap3A_342] {strides = array<i32>} : memref<2x8x3072xf32, #tpu.memory_space<vmem>>, vector<16xf32>,
        tpu.vector_store %arg5[%swap3A_340, %swap3A_341, %swap3A_342], %broadcast_in_dim3A_10 {strides = array<i32>} : memref<2x8x3072xf32, #tpu.memory_space<vmem>>, vector<16xf32>,
        %mul3A_344 = arith.constant 16 : i32
        %mul3A_345 = arith.muli %scan3A_311, %mul3A_344 : i32
        %swap3A_346 = arith.constant 0 : i32
        %swap3A_347 = arith.constant 4 : i32
        %swap3A_348 = arith.index_cast %swap3A_346 : i32 to index
        %swap3A_349 = arith.index_cast %swap3A_347 : i32 to index
        %swap3A_350 = arith.index_cast %mul3A_345 : i32 to index
        %swap3A_351 = tpu.vector_load %arg5[%swap3A_348, %swap3A_349, %swap3A_350] {strides = array<i32>} : memref<2x8x3072xf32, #tpu.memory_space<vmem>>, vector<16xf32>,
        tpu.vector_store %arg5[%swap3A_348, %swap3A_349, %swap3A_350], %broadcast_in_dim3A_10 {strides = array<i32>} : memref<2x8x3072xf32, #tpu.memory_space<vmem>>, vector<16xf32>,
        %mul3A_352 = arith.constant 16 : i32
        %mul3A_353 = arith.muli %scan3A_311, %mul3A_352 : i32
        %swap3A_354 = arith.constant 0 : i32
        %swap3A_355 = arith.constant 5 : i32
        %swap3A_356 = arith.index_cast %swap3A_354 : i32 to index
        %swap3A_357 = arith.index_cast %swap3A_355 : i32 to index
        %swap3A_358 = arith.index_cast %mul3A_353 : i32 to index
        %swap3A_359 = tpu.vector_load %arg5[%swap3A_356, %swap3A_357, %swap3A_358] {strides = array<i32>} : memref<2x8x3072xf32, #tpu.memory_space<vmem>>, vector<16xf32>,
        tpu.vector_store %arg5[%swap3A_356, %swap3A_357, %swap3A_358], %broadcast_in_dim3A_10 {strides = array<i32>} : memref<2x8x3072xf32, #tpu.memory_space<vmem>>, vector<16xf32>,
        %mul3A_360 = arith.constant 16 : i32
        %mul3A_361 = arith.muli %scan3A_311, %mul3A_360 : i32
        %swap3A_362 = arith.constant 0 : i32
        %swap3A_363 = arith.constant 6 : i32
        %swap3A_364 = arith.index_cast %swap3A_362 : i32 to index
        %swap3A_365 = arith.index_cast %swap3A_363 : i32 to index
        %swap3A_366 = arith.index_cast %mul3A_361 : i32 to index
        %swap3A_367 = tpu.vector_load %arg5[%swap3A_364, %swap3A_365, %swap3A_366] {strides = array<i32>} : memref<2x8x3072xf32, #tpu.memory_space<vmem>>, vector<16xf32>,
        tpu.vector_store %arg5[%swap3A_364, %swap3A_365, %swap3A_366], %broadcast_in_dim3A_10 {strides = array<i32>} : memref<2x8x3072xf32, #tpu.memory_space<vmem>>, vector<16xf32>,
        %mul3A_368 = arith.constant 16 : i32
        %mul3A_369 = arith.muli %scan3A_311, %mul3A_368 : i32
        %swap3A_370 = arith.constant 0 : i32
        %swap3A_371 = arith.constant 7 : i32
        %swap3A_372 = arith.index_cast %swap3A_370 : i32 to index
        %swap3A_373 = arith.index_cast %swap3A_371 : i32 to index
        %swap3A_374 = arith.index_cast %mul3A_369 : i32 to index
        %swap3A_375 = tpu.vector_load %arg5[%swap3A_372, %swap3A_373, %swap3A_374] {strides = array<i32>} : memref<2x8x3072xf32, #tpu.memory_space<vmem>>, vector<16xf32>,
        tpu.vector_store %arg5[%swap3A_372, %swap3A_373, %swap3A_374], %broadcast_in_dim3A_10 {strides = array<i32>} : memref<2x8x3072xf32, #tpu.memory_space<vmem>>, vector<16xf32>,
        %scan3A_376 = arith.constant 4 : i32
        %scan3A_377 = arith.addi %scan3A_114, %scan3A_376 : i32
        %mul3A_378 = arith.constant 16 : i32
        %mul3A_379 = arith.muli %scan3A_377, %mul3A_378 : i32
        %swap3A_380 = arith.constant 0 : i32
        %swap3A_381 = arith.constant 0 : i32
        %swap3A_382 = arith.index_cast %swap3A_380 : i32 to index
        %swap3A_383 = arith.index_cast %swap3A_381 : i32 to index
        %swap3A_384 = arith.index_cast %mul3A_379 : i32 to index
        %swap3A_385 = tpu.vector_load %arg5[%swap3A_382, %swap3A_383, %swap3A_384] {strides = array<i32>} : memref<2x8x3072xf32, #tpu.memory_space<vmem>>, vector<16xf32>,
        tpu.vector_store %arg5[%swap3A_382, %swap3A_383, %swap3A_384], %broadcast_in_dim3A_10 {strides = array<i32>} : memref<2x8x3072xf32, #tpu.memory_space<vmem>>, vector<16xf32>,
        %mul3A_386 = arith.constant 16 : i32
        %mul3A_387 = arith.muli %scan3A_377, %mul3A_386 : i32
        %swap3A_388 = arith.constant 0 : i32
        %swap3A_389 = arith.constant 1 : i32
        %swap3A_390 = arith.index_cast %swap3A_388 : i32 to index
        %swap3A_391 = arith.index_cast %swap3A_389 : i32 to index
        %swap3A_392 = arith.index_cast %mul3A_387 : i32 to index
        %swap3A_393 = tpu.vector_load %arg5[%swap3A_390, %swap3A_391, %swap3A_392] {strides = array<i32>} : memref<2x8x3072xf32, #tpu.memory_space<vmem>>, vector<16xf32>,
        tpu.vector_store %arg5[%swap3A_390, %swap3A_391, %swap3A_392], %broadcast_in_dim3A_10 {strides = array<i32>} : memref<2x8x3072xf32, #tpu.memory_space<vmem>>, vector<16xf32>,
        %mul3A_394 = arith.constant 16 : i32
        %mul3A_395 = arith.muli %scan3A_377, %mul3A_394 : i32
        %swap3A_396 = arith.constant 0 : i32
        %swap3A_397 = arith.constant 2 : i32
        %swap3A_398 = arith.index_cast %swap3A_396 : i32 to index
        %swap3A_399 = arith.index_cast %swap3A_397 : i32 to index
        %swap3A_400 = arith.index_cast %mul3A_395 : i32 to index
        %swap3A_401 = tpu.vector_load %arg5[%swap3A_398, %swap3A_399, %swap3A_400] {strides = array<i32>} : memref<2x8x3072xf32, #tpu.memory_space<vmem>>, vector<16xf32>,
        tpu.vector_store %arg5[%swap3A_398, %swap3A_399, %swap3A_400], %broadcast_in_dim3A_10 {strides = array<i32>} : memref<2x8x3072xf32, #tpu.memory_space<vmem>>, vector<16xf32>,
        %mul3A_402 = arith.constant 16 : i32
        %mul3A_403 = arith.muli %scan3A_377, %mul3A_402 : i32
        %swap3A_404 = arith.constant 0 : i32
        %swap3A_405 = arith.constant 3 : i32
        %swap3A_406 = arith.index_cast %swap3A_404 : i32 to index
        %swap3A_407 = arith.index_cast %swap3A_405 : i32 to index
        %swap3A_408 = arith.index_cast %mul3A_403 : i32 to index
        %swap3A_409 = tpu.vector_load %arg5[%swap3A_406, %swap3A_407, %swap3A_408] {strides = array<i32>} : memref<2x8x3072xf32, #tpu.memory_space<vmem>>, vector<16xf32>,
        tpu.vector_store %arg5[%swap3A_406, %swap3A_407, %swap3A_408], %broadcast_in_dim3A_10 {strides = array<i32>} : memref<2x8x3072xf32, #tpu.memory_space<vmem>>, vector<16xf32>,
        %mul3A_410 = arith.constant 16 : i32
        %mul3A_411 = arith.muli %scan3A_377, %mul3A_410 : i32
        %swap3A_412 = arith.constant 0 : i32
        %swap3A_413 = arith.constant 4 : i32
        %swap3A_414 = arith.index_cast %swap3A_412 : i32 to index
        %swap3A_415 = arith.index_cast %swap3A_413 : i32 to index
        %swap3A_416 = arith.index_cast %mul3A_411 : i32 to index
        %swap3A_417 = tpu.vector_load %arg5[%swap3A_414, %swap3A_415, %swap3A_416] {strides = array<i32>} : memref<2x8x3072xf32, #tpu.memory_space<vmem>>, vector<16xf32>,
        tpu.vector_store %arg5[%swap3A_414, %swap3A_415, %swap3A_416], %broadcast_in_dim3A_10 {strides = array<i32>} : memref<2x8x3072xf32, #tpu.memory_space<vmem>>, vector<16xf32>,
        %mul3A_418 = arith.constant 16 : i32
        %mul3A_419 = arith.muli %scan3A_377, %mul3A_418 : i32
        %swap3A_420 = arith.constant 0 : i32
        %swap3A_421 = arith.constant 5 : i32
        %swap3A_422 = arith.index_cast %swap3A_420 : i32 to index
        %swap3A_423 = arith.index_cast %swap3A_421 : i32 to index
        %swap3A_424 = arith.index_cast %mul3A_419 : i32 to index
        %swap3A_425 = tpu.vector_load %arg5[%swap3A_422, %swap3A_423, %swap3A_424] {strides = array<i32>} : memref<2x8x3072xf32, #tpu.memory_space<vmem>>, vector<16xf32>,
        tpu.vector_store %arg5[%swap3A_422, %swap3A_423, %swap3A_424], %broadcast_in_dim3A_10 {strides = array<i32>} : memref<2x8x3072xf32, #tpu.memory_space<vmem>>, vector<16xf32>,
        %mul3A_426 = arith.constant 16 : i32
        %mul3A_427 = arith.muli %scan3A_377, %mul3A_426 : i32
        %swap3A_428 = arith.constant 0 : i32
        %swap3A_429 = arith.constant 6 : i32
        %swap3A_430 = arith.index_cast %swap3A_428 : i32 to index
        %swap3A_431 = arith.index_cast %swap3A_429 : i32 to index
        %swap3A_432 = arith.index_cast %mul3A_427 : i32 to index
        %swap3A_433 = tpu.vector_load %arg5[%swap3A_430, %swap3A_431, %swap3A_432] {strides = array<i32>} : memref<2x8x3072xf32, #tpu.memory_space<vmem>>, vector<16xf32>,
        tpu.vector_store %arg5[%swap3A_430, %swap3A_431, %swap3A_432], %broadcast_in_dim3A_10 {strides = array<i32>} : memref<2x8x3072xf32, #tpu.memory_space<vmem>>, vector<16xf32>,
        %mul3A_434 = arith.constant 16 : i32
        %mul3A_435 = arith.muli %scan3A_377, %mul3A_434 : i32
        %swap3A_436 = arith.constant 0 : i32
        %swap3A_437 = arith.constant 7 : i32
        %swap3A_438 = arith.index_cast %swap3A_436 : i32 to index
        %swap3A_439 = arith.index_cast %swap3A_437 : i32 to index
        %swap3A_440 = arith.index_cast %mul3A_435 : i32 to index
        %swap3A_441 = tpu.vector_load %arg5[%swap3A_438, %swap3A_439, %swap3A_440] {strides = array<i32>} : memref<2x8x3072xf32, #tpu.memory_space<vmem>>, vector<16xf32>,
        tpu.vector_store %arg5[%swap3A_438, %swap3A_439, %swap3A_440], %broadcast_in_dim3A_10 {strides = array<i32>} : memref<2x8x3072xf32, #tpu.memory_space<vmem>>, vector<16xf32>,
        %scan3A_442 = arith.constant 5 : i32
        %scan3A_443 = arith.addi %scan3A_114, %scan3A_442 : i32
        %mul3A_444 = arith.constant 16 : i32
        %mul3A_445 = arith.muli %scan3A_443, %mul3A_444 : i32
        %swap3A_446 = arith.constant 0 : i32
        %swap3A_447 = arith.constant 0 : i32
        %swap3A_448 = arith.index_cast %swap3A_446 : i32 to index
        %swap3A_449 = arith.index_cast %swap3A_447 : i32 to index
        %swap3A_450 = arith.index_cast %mul3A_445 : i32 to index
        %swap3A_451 = tpu.vector_load %arg5[%swap3A_448, %swap3A_449, %swap3A_450] {strides = array<i32>} : memref<2x8x3072xf32, #tpu.memory_space<vmem>>, vector<16xf32>,
        tpu.vector_store %arg5[%swap3A_448, %swap3A_449, %swap3A_450], %broadcast_in_dim3A_10 {strides = array<i32>} : memref<2x8x3072xf32, #tpu.memory_space<vmem>>, vector<16xf32>,
        %mul3A_452 = arith.constant 16 : i32
        %mul3A_453 = arith.muli %scan3A_443, %mul3A_452 : i32
        %swap3A_454 = arith.constant 0 : i32
        %swap3A_455 = arith.constant 1 : i32
        %swap3A_456 = arith.index_cast %swap3A_454 : i32 to index
        %swap3A_457 = arith.index_cast %swap3A_455 : i32 to index
        %swap3A_458 = arith.index_cast %mul3A_453 : i32 to index
        %swap3A_459 = tpu.vector_load %arg5[%swap3A_456, %swap3A_457, %swap3A_458] {strides = array<i32>} : memref<2x8x3072xf32, #tpu.memory_space<vmem>>, vector<16xf32>,
        tpu.vector_store %arg5[%swap3A_456, %swap3A_457, %swap3A_458], %broadcast_in_dim3A_10 {strides = array<i32>} : memref<2x8x3072xf32, #tpu.memory_space<vmem>>, vector<16xf32>,
        %mul3A_460 = arith.constant 16 : i32
        %mul3A_461 = arith.muli %scan3A_443, %mul3A_460 : i32
        %swap3A_462 = arith.constant 0 : i32
        %swap3A_463 = arith.constant 2 : i32
        %swap3A_464 = arith.index_cast %swap3A_462 : i32 to index
        %swap3A_465 = arith.index_cast %swap3A_463 : i32 to index
        %swap3A_466 = arith.index_cast %mul3A_461 : i32 to index
        %swap3A_467 = tpu.vector_load %arg5[%swap3A_464, %swap3A_465, %swap3A_466] {strides = array<i32>} : memref<2x8x3072xf32, #tpu.memory_space<vmem>>, vector<16xf32>,
        tpu.vector_store %arg5[%swap3A_464, %swap3A_465, %swap3A_466], %broadcast_in_dim3A_10 {strides = array<i32>} : memref<2x8x3072xf32, #tpu.memory_space<vmem>>, vector<16xf32>,
        %mul3A_468 = arith.constant 16 : i32
        %mul3A_469 = arith.muli %scan3A_443, %mul3A_468 : i32
        %swap3A_470 = arith.constant 0 : i32
        %swap3A_471 = arith.constant 3 : i32
        %swap3A_472 = arith.index_cast %swap3A_470 : i32 to index
        %swap3A_473 = arith.index_cast %swap3A_471 : i32 to index
        %swap3A_474 = arith.index_cast %mul3A_469 : i32 to index
        %swap3A_475 = tpu.vector_load %arg5[%swap3A_472, %swap3A_473, %swap3A_474] {strides = array<i32>} : memref<2x8x3072xf32, #tpu.memory_space<vmem>>, vector<16xf32>,
        tpu.vector_store %arg5[%swap3A_472, %swap3A_473, %swap3A_474], %broadcast_in_dim3A_10 {strides = array<i32>} : memref<2x8x3072xf32, #tpu.memory_space<vmem>>, vector<16xf32>,
        %mul3A_476 = arith.constant 16 : i32
        %mul3A_477 = arith.muli %scan3A_443, %mul3A_476 : i32
        %swap3A_478 = arith.constant 0 : i32
        %swap3A_479 = arith.constant 4 : i32
        %swap3A_480 = arith.index_cast %swap3A_478 : i32 to index
        %swap3A_481 = arith.index_cast %swap3A_479 : i32 to index
        %swap3A_482 = arith.index_cast %mul3A_477 : i32 to index
        %swap3A_483 = tpu.vector_load %arg5[%swap3A_480, %swap3A_481, %swap3A_482] {strides = array<i32>} : memref<2x8x3072xf32, #tpu.memory_space<vmem>>, vector<16xf32>,
        tpu.vector_store %arg5[%swap3A_480, %swap3A_481, %swap3A_482], %broadcast_in_dim3A_10 {strides = array<i32>} : memref<2x8x3072xf32, #tpu.memory_space<vmem>>, vector<16xf32>,
        %mul3A_484 = arith.constant 16 : i32
        %mul3A_485 = arith.muli %scan3A_443, %mul3A_484 : i32
        %swap3A_486 = arith.constant 0 : i32
        %swap3A_487 = arith.constant 5 : i32
        %swap3A_488 = arith.index_cast %swap3A_486 : i32 to index
        %swap3A_489 = arith.index_cast %swap3A_487 : i32 to index
        %swap3A_490 = arith.index_cast %mul3A_485 : i32 to index
        %swap3A_491 = tpu.vector_load %arg5[%swap3A_488, %swap3A_489, %swap3A_490] {strides = array<i32>} : memref<2x8x3072xf32, #tpu.memory_space<vmem>>, vector<16xf32>,
        tpu.vector_store %arg5[%swap3A_488, %swap3A_489, %swap3A_490], %broadcast_in_dim3A_10 {strides = array<i32>} : memref<2x8x3072xf32, #tpu.memory_space<vmem>>, vector<16xf32>,
        %mul3A_492 = arith.constant 16 : i32
        %mul3A_493 = arith.muli %scan3A_443, %mul3A_492 : i32
        %swap3A_494 = arith.constant 0 : i32
        %swap3A_495 = arith.constant 6 : i32
        %swap3A_496 = arith.index_cast %swap3A_494 : i32 to index
        %swap3A_497 = arith.index_cast %swap3A_495 : i32 to index
        %swap3A_498 = arith.index_cast %mul3A_493 : i32 to index
        %swap3A_499 = tpu.vector_load %arg5[%swap3A_496, %swap3A_497, %swap3A_498] {strides = array<i32>} : memref<2x8x3072xf32, #tpu.memory_space<vmem>>, vector<16xf32>,
        tpu.vector_store %arg5[%swap3A_496, %swap3A_497, %swap3A_498], %broadcast_in_dim3A_10 {strides = array<i32>} : memref<2x8x3072xf32, #tpu.memory_space<vmem>>, vector<16xf32>,
        %mul3A_500 = arith.constant 16 : i32
        %mul3A_501 = arith.muli %scan3A_443, %mul3A_500 : i32
        %swap3A_502 = arith.constant 0 : i32
        %swap3A_503 = arith.constant 7 : i32
        %swap3A_504 = arith.index_cast %swap3A_502 : i32 to index
        %swap3A_505 = arith.index_cast %swap3A_503 : i32 to index
        %swap3A_506 = arith.index_cast %mul3A_501 : i32 to index
        %swap3A_507 = tpu.vector_load %arg5[%swap3A_504, %swap3A_505, %swap3A_506] {strides = array<i32>} : memref<2x8x3072xf32, #tpu.memory_space<vmem>>, vector<16xf32>,
        tpu.vector_store %arg5[%swap3A_504, %swap3A_505, %swap3A_506], %broadcast_in_dim3A_10 {strides = array<i32>} : memref<2x8x3072xf32, #tpu.memory_space<vmem>>, vector<16xf32>,
        %scan3A_508 = arith.constant 6 : i32
        %scan3A_509 = arith.addi %scan3A_114, %scan3A_508 : i32
        %mul3A_510 = arith.constant 16 : i32
        %mul3A_511 = arith.muli %scan3A_509, %mul3A_510 : i32
        %swap3A_512 = arith.constant 0 : i32
        %swap3A_513 = arith.constant 0 : i32
        %swap3A_514 = arith.index_cast %swap3A_512 : i32 to index
        %swap3A_515 = arith.index_cast %swap3A_513 : i32 to index
        %swap3A_516 = arith.index_cast %mul3A_511 : i32 to index
        %swap3A_517 = tpu.vector_load %arg5[%swap3A_514, %swap3A_515, %swap3A_516] {strides = array<i32>} : memref<2x8x3072xf32, #tpu.memory_space<vmem>>, vector<16xf32>,
        tpu.vector_store %arg5[%swap3A_514, %swap3A_515, %swap3A_516], %broadcast_in_dim3A_10 {strides = array<i32>} : memref<2x8x3072xf32, #tpu.memory_space<vmem>>, vector<16xf32>,
        %mul3A_518 = arith.constant 16 : i32
        %mul3A_519 = arith.muli %scan3A_509, %mul3A_518 : i32
        %swap3A_520 = arith.constant 0 : i32
        %swap3A_521 = arith.constant 1 : i32
        %swap3A_522 = arith.index_cast %swap3A_520 : i32 to index
        %swap3A_523 = arith.index_cast %swap3A_521 : i32 to index
        %swap3A_524 = arith.index_cast %mul3A_519 : i32 to index
        %swap3A_525 = tpu.vector_load %arg5[%swap3A_522, %swap3A_523, %swap3A_524] {strides = array<i32>} : memref<2x8x3072xf32, #tpu.memory_space<vmem>>, vector<16xf32>,
        tpu.vector_store %arg5[%swap3A_522, %swap3A_523, %swap3A_524], %broadcast_in_dim3A_10 {strides = array<i32>} : memref<2x8x3072xf32, #tpu.memory_space<vmem>>, vector<16xf32>,
        %mul3A_526 = arith.constant 16 : i32
        %mul3A_527 = arith.muli %scan3A_509, %mul3A_526 : i32
        %swap3A_528 = arith.constant 0 : i32
        %swap3A_529 = arith.constant 2 : i32
        %swap3A_530 = arith.index_cast %swap3A_528 : i32 to index
        %swap3A_531 = arith.index_cast %swap3A_529 : i32 to index
        %swap3A_532 = arith.index_cast %mul3A_527 : i32 to index
        %swap3A_533 = tpu.vector_load %arg5[%swap3A_530, %swap3A_531, %swap3A_532] {strides = array<i32>} : memref<2x8x3072xf32, #tpu.memory_space<vmem>>, vector<16xf32>,
        tpu.vector_store %arg5[%swap3A_530, %swap3A_531, %swap3A_532], %broadcast_in_dim3A_10 {strides = array<i32>} : memref<2x8x3072xf32, #tpu.memory_space<vmem>>, vector<16xf32>,
        %mul3A_534 = arith.constant 16 : i32
        %mul3A_535 = arith.muli %scan3A_509, %mul3A_534 : i32
        %swap3A_536 = arith.constant 0 : i32
        %swap3A_537 = arith.constant 3 : i32
        %swap3A_538 = arith.index_cast %swap3A_536 : i32 to index
        %swap3A_539 = arith.index_cast %swap3A_537 : i32 to index
        %swap3A_540 = arith.index_cast %mul3A_535 : i32 to index
        %swap3A_541 = tpu.vector_load %arg5[%swap3A_538, %swap3A_539, %swap3A_540] {strides = array<i32>} : memref<2x8x3072xf32, #tpu.memory_space<vmem>>, vector<16xf32>,
        tpu.vector_store %arg5[%swap3A_538, %swap3A_539, %swap3A_540], %broadcast_in_dim3A_10 {strides = array<i32>} : memref<2x8x3072xf32, #tpu.memory_space<vmem>>, vector<16xf32>,
        %mul3A_542 = arith.constant 16 : i32
        %mul3A_543 = arith.muli %scan3A_509, %mul3A_542 : i32
        %swap3A_544 = arith.constant 0 : i32
        %swap3A_545 = arith.constant 4 : i32
        %swap3A_546 = arith.index_cast %swap3A_544 : i32 to index
        %swap3A_547 = arith.index_cast %swap3A_545 : i32 to index
        %swap3A_548 = arith.index_cast %mul3A_543 : i32 to index
        %swap3A_549 = tpu.vector_load %arg5[%swap3A_546, %swap3A_547, %swap3A_548] {strides = array<i32>} : memref<2x8x3072xf32, #tpu.memory_space<vmem>>, vector<16xf32>,
        tpu.vector_store %arg5[%swap3A_546, %swap3A_547, %swap3A_548], %broadcast_in_dim3A_10 {strides = array<i32>} : memref<2x8x3072xf32, #tpu.memory_space<vmem>>, vector<16xf32>,
        %mul3A_550 = arith.constant 16 : i32
        %mul3A_551 = arith.muli %scan3A_509, %mul3A_550 : i32
        %swap3A_552 = arith.constant 0 : i32
        %swap3A_553 = arith.constant 5 : i32
        %swap3A_554 = arith.index_cast %swap3A_552 : i32 to index
        %swap3A_555 = arith.index_cast %swap3A_553 : i32 to index
        %swap3A_556 = arith.index_cast %mul3A_551 : i32 to index
        %swap3A_557 = tpu.vector_load %arg5[%swap3A_554, %swap3A_555, %swap3A_556] {strides = array<i32>} : memref<2x8x3072xf32, #tpu.memory_space<vmem>>, vector<16xf32>,
        tpu.vector_store %arg5[%swap3A_554, %swap3A_555, %swap3A_556], %broadcast_in_dim3A_10 {strides = array<i32>} : memref<2x8x3072xf32, #tpu.memory_space<vmem>>, vector<16xf32>,
        %mul3A_558 = arith.constant 16 : i32
        %mul3A_559 = arith.muli %scan3A_509, %mul3A_558 : i32
        %swap3A_560 = arith.constant 0 : i32
        %swap3A_561 = arith.constant 6 : i32
        %swap3A_562 = arith.index_cast %swap3A_560 : i32 to index
        %swap3A_563 = arith.index_cast %swap3A_561 : i32 to index
        %swap3A_564 = arith.index_cast %mul3A_559 : i32 to index
        %swap3A_565 = tpu.vector_load %arg5[%swap3A_562, %swap3A_563, %swap3A_564] {strides = array<i32>} : memref<2x8x3072xf32, #tpu.memory_space<vmem>>, vector<16xf32>,
        tpu.vector_store %arg5[%swap3A_562, %swap3A_563, %swap3A_564], %broadcast_in_dim3A_10 {strides = array<i32>} : memref<2x8x3072xf32, #tpu.memory_space<vmem>>, vector<16xf32>,
        %mul3A_566 = arith.constant 16 : i32
        %mul3A_567 = arith.muli %scan3A_509, %mul3A_566 : i32
        %swap3A_568 = arith.constant 0 : i32
        %swap3A_569 = arith.constant 7 : i32
        %swap3A_570 = arith.index_cast %swap3A_568 : i32 to index
        %swap3A_571 = arith.index_cast %swap3A_569 : i32 to index
        %swap3A_572 = arith.index_cast %mul3A_567 : i32 to index
        %swap3A_573 = tpu.vector_load %arg5[%swap3A_570, %swap3A_571, %swap3A_572] {strides = array<i32>} : memref<2x8x3072xf32, #tpu.memory_space<vmem>>, vector<16xf32>,
        tpu.vector_store %arg5[%swap3A_570, %swap3A_571, %swap3A_572], %broadcast_in_dim3A_10 {strides = array<i32>} : memref<2x8x3072xf32, #tpu.memory_space<vmem>>, vector<16xf32>,
        %scan3A_574 = arith.constant 7 : i32
        %scan3A_575 = arith.addi %scan3A_114, %scan3A_574 : i32
        %mul3A_576 = arith.constant 16 : i32
        %mul3A_577 = arith.muli %scan3A_575, %mul3A_576 : i32
        %swap3A_578 = arith.constant 0 : i32
        %swap3A_579 = arith.constant 0 : i32
        %swap3A_580 = arith.index_cast %swap3A_578 : i32 to index
        %swap3A_581 = arith.index_cast %swap3A_579 : i32 to index
        %swap3A_582 = arith.index_cast %mul3A_577 : i32 to index
        %swap3A_583 = tpu.vector_load %arg5[%swap3A_580, %swap3A_581, %swap3A_582] {strides = array<i32>} : memref<2x8x3072xf32, #tpu.memory_space<vmem>>, vector<16xf32>,
        tpu.vector_store %arg5[%swap3A_580, %swap3A_581, %swap3A_582], %broadcast_in_dim3A_10 {strides = array<i32>} : memref<2x8x3072xf32, #tpu.memory_space<vmem>>, vector<16xf32>,
        %mul3A_584 = arith.constant 16 : i32
        %mul3A_585 = arith.muli %scan3A_575, %mul3A_584 : i32
        %swap3A_586 = arith.constant 0 : i32
        %swap3A_587 = arith.constant 1 : i32
        %swap3A_588 = arith.index_cast %swap3A_586 : i32 to index
        %swap3A_589 = arith.index_cast %swap3A_587 : i32 to index
        %swap3A_590 = arith.index_cast %mul3A_585 : i32 to index
        %swap3A_591 = tpu.vector_load %arg5[%swap3A_588, %swap3A_589, %swap3A_590] {strides = array<i32>} : memref<2x8x3072xf32, #tpu.memory_space<vmem>>, vector<16xf32>,
        tpu.vector_store %arg5[%swap3A_588, %swap3A_589, %swap3A_590], %broadcast_in_dim3A_10 {strides = array<i32>} : memref<2x8x3072xf32, #tpu.memory_space<vmem>>, vector<16xf32>,
        %mul3A_592 = arith.constant 16 : i32
        %mul3A_593 = arith.muli %scan3A_575, %mul3A_592 : i32
        %swap3A_594 = arith.constant 0 : i32
        %swap3A_595 = arith.constant 2 : i32
        %swap3A_596 = arith.index_cast %swap3A_594 : i32 to index
        %swap3A_597 = arith.index_cast %swap3A_595 : i32 to index
        %swap3A_598 = arith.index_cast %mul3A_593 : i32 to index
        %swap3A_599 = tpu.vector_load %arg5[%swap3A_596, %swap3A_597, %swap3A_598] {strides = array<i32>} : memref<2x8x3072xf32, #tpu.memory_space<vmem>>, vector<16xf32>,
        tpu.vector_store %arg5[%swap3A_596, %swap3A_597, %swap3A_598], %broadcast_in_dim3A_10 {strides = array<i32>} : memref<2x8x3072xf32, #tpu.memory_space<vmem>>, vector<16xf32>,
        %mul3A_600 = arith.constant 16 : i32
        %mul3A_601 = arith.muli %scan3A_575, %mul3A_600 : i32
        %swap3A_602 = arith.constant 0 : i32
        %swap3A_603 = arith.constant 3 : i32
        %swap3A_604 = arith.index_cast %swap3A_602 : i32 to index
        %swap3A_605 = arith.index_cast %swap3A_603 : i32 to index
        %swap3A_606 = arith.index_cast %mul3A_601 : i32 to index
        %swap3A_607 = tpu.vector_load %arg5[%swap3A_604, %swap3A_605, %swap3A_606] {strides = array<i32>} : memref<2x8x3072xf32, #tpu.memory_space<vmem>>, vector<16xf32>,
        tpu.vector_store %arg5[%swap3A_604, %swap3A_605, %swap3A_606], %broadcast_in_dim3A_10 {strides = array<i32>} : memref<2x8x3072xf32, #tpu.memory_space<vmem>>, vector<16xf32>,
        %mul3A_608 = arith.constant 16 : i32
        %mul3A_609 = arith.muli %scan3A_575, %mul3A_608 : i32
        %swap3A_610 = arith.constant 0 : i32
        %swap3A_611 = arith.constant 4 : i32
        %swap3A_612 = arith.index_cast %swap3A_610 : i32 to index
        %swap3A_613 = arith.index_cast %swap3A_611 : i32 to index
        %swap3A_614 = arith.index_cast %mul3A_609 : i32 to index
        %swap3A_615 = tpu.vector_load %arg5[%swap3A_612, %swap3A_613, %swap3A_614] {strides = array<i32>} : memref<2x8x3072xf32, #tpu.memory_space<vmem>>, vector<16xf32>,
        tpu.vector_store %arg5[%swap3A_612, %swap3A_613, %swap3A_614], %broadcast_in_dim3A_10 {strides = array<i32>} : memref<2x8x3072xf32, #tpu.memory_space<vmem>>, vector<16xf32>,
        %mul3A_616 = arith.constant 16 : i32
        %mul3A_617 = arith.muli %scan3A_575, %mul3A_616 : i32
        %swap3A_618 = arith.constant 0 : i32
        %swap3A_619 = arith.constant 5 : i32
        %swap3A_620 = arith.index_cast %swap3A_618 : i32 to index
        %swap3A_621 = arith.index_cast %swap3A_619 : i32 to index
        %swap3A_622 = arith.index_cast %mul3A_617 : i32 to index
        %swap3A_623 = tpu.vector_load %arg5[%swap3A_620, %swap3A_621, %swap3A_622] {strides = array<i32>} : memref<2x8x3072xf32, #tpu.memory_space<vmem>>, vector<16xf32>,
        tpu.vector_store %arg5[%swap3A_620, %swap3A_621, %swap3A_622], %broadcast_in_dim3A_10 {strides = array<i32>} : memref<2x8x3072xf32, #tpu.memory_space<vmem>>, vector<16xf32>,
        %mul3A_624 = arith.constant 16 : i32
        %mul3A_625 = arith.muli %scan3A_575, %mul3A_624 : i32
        %swap3A_626 = arith.constant 0 : i32
        %swap3A_627 = arith.constant 6 : i32
        %swap3A_628 = arith.index_cast %swap3A_626 : i32 to index
        %swap3A_629 = arith.index_cast %swap3A_627 : i32 to index
        %swap3A_630 = arith.index_cast %mul3A_625 : i32 to index
        %swap3A_631 = tpu.vector_load %arg5[%swap3A_628, %swap3A_629, %swap3A_630] {strides = array<i32>} : memref<2x8x3072xf32, #tpu.memory_space<vmem>>, vector<16xf32>,
        tpu.vector_store %arg5[%swap3A_628, %swap3A_629, %swap3A_630], %broadcast_in_dim3A_10 {strides = array<i32>} : memref<2x8x3072xf32, #tpu.memory_space<vmem>>, vector<16xf32>,
        %mul3A_632 = arith.constant 16 : i32
        %mul3A_633 = arith.muli %scan3A_575, %mul3A_632 : i32
        %swap3A_634 = arith.constant 0 : i32
        %swap3A_635 = arith.constant 7 : i32
        %swap3A_636 = arith.index_cast %swap3A_634 : i32 to index
        %swap3A_637 = arith.index_cast %swap3A_635 : i32 to index
        %swap3A_638 = arith.index_cast %mul3A_633 : i32 to index
        %swap3A_639 = tpu.vector_load %arg5[%swap3A_636, %swap3A_637, %swap3A_638] {strides = array<i32>} : memref<2x8x3072xf32, #tpu.memory_space<vmem>>, vector<16xf32>,
        tpu.vector_store %arg5[%swap3A_636, %swap3A_637, %swap3A_638], %broadcast_in_dim3A_10 {strides = array<i32>} : memref<2x8x3072xf32, #tpu.memory_space<vmem>>, vector<16xf32>,
      }
      %scan3A_51 = arith.constant 192 : i32
      %mul3A_52 = arith.constant 8 : i32
      %mul3A_53 = arith.muli %mul3A_43, %mul3A_52 : i32
      %scan3A_54 = arith.constant 0 : i32
      %scan3A_55 = arith.constant 0 : i32
      %scan3A_56 = arith.constant 100 : i32
      %scan3A_57 = arith.addi %scan3A_55, %scan3A_56 : i32
      %scan3A_58 = arith.constant 4 : i32
      scf.for %scan3A_114 = %scan3A_55 to %scan3A_57 step %scan3A_58  : i32 {
        %mul3A_115 = arith.constant 2 : i32
        %mul3A_116 = arith.muli %mul3A_115, %scan3A_114 : i32
        %add3A_117 = vector.broadcast %mul3A_116 : i32 to vector<16xi32>
        %add3A_118 = arith.addi %shift_right_arithmetic3A_6, %add3A_117 : vector<16xi32>
        %add3A_119 = vector.broadcast %mul3A_53 : i32 to vector<16xi32>
        %add3A_120 = arith.addi %and3A_4, %add3A_119 : vector<16xi32>
        %gather3A = tpu.vector_load_idx %arg4[%mul3A_9, %add3A_118, %add3A_120] : memref<3x200x128xi32, #tpu.memory_space<vmem>>[vector<16xi32>, vector<16xi32>, vector<16xi32>], vector<16xi32>,
        %add3A_121 = arith.constant 1 : i32
        %add3A_122 = vector.broadcast %add3A_121 : i32 to vector<16xi32>
        %add3A_123 = arith.addi %mul3A_9, %add3A_122 : vector<16xi32>
        %gather3A_124 = tpu.vector_load_idx %arg4[%add3A_123, %add3A_118, %add3A_120] : memref<3x200x128xi32, #tpu.memory_space<vmem>>[vector<16xi32>, vector<16xi32>, vector<16xi32>], vector<16xi32>,
        %add3A_125 = arith.constant 2 : i32
        %add3A_126 = vector.broadcast %add3A_125 : i32 to vector<16xi32>
        %add3A_127 = arith.addi %mul3A_9, %add3A_126 : vector<16xi32>
        %gather3A_128 = tpu.vector_load_idx %arg4[%add3A_127, %add3A_118, %add3A_120] : memref<3x200x128xi32, #tpu.memory_space<vmem>>[vector<16xi32>, vector<16xi32>, vector<16xi32>], vector<16xi32>,
        %eq3A = arith.constant 255 : i32
        %eq3A_129 = vector.broadcast %eq3A : i32 to vector<16xi32>
        %eq3A_130 = arith.cmpi eq, %gather3A, %eq3A_129 : vector<16xi32>
        %jit3A = arith.constant 0 : i32
        %broadcast_in_dim3A_131 = vector.broadcast %jit3A : i32 to vector<16xi32>
        %select_n3A = arith.select %eq3A_130, %broadcast_in_dim3A_131, %gather3A : vector<16xi1>, vector<16xi32>
        %eq3A_132 = arith.constant 255 : i32
        %eq3A_133 = vector.broadcast %eq3A_132 : i32 to vector<16xi32>
        %eq3A_134 = arith.cmpi eq, %gather3A_124, %eq3A_133 : vector<16xi32>
        %jit3A_135 = arith.constant 0 : i32
        %broadcast_in_dim3A_136 = vector.broadcast %jit3A_135 : i32 to vector<16xi32>
        %select_n3A_137 = arith.select %eq3A_134, %broadcast_in_dim3A_136, %gather3A_124 : vector<16xi1>, vector<16xi32>
        %eq3A_138 = arith.constant 255 : i32
        %eq3A_139 = vector.broadcast %eq3A_138 : i32 to vector<16xi32>
        %eq3A_140 = arith.cmpi eq, %gather3A_128, %eq3A_139 : vector<16xi32>
        %jit3A_141 = arith.constant 0 : i32
        %broadcast_in_dim3A_142 = vector.broadcast %jit3A_141 : i32 to vector<16xi32>
        %select_n3A_143 = arith.select %eq3A_140, %broadcast_in_dim3A_142, %gather3A_128 : vector<16xi1>, vector<16xi32>
        %shift_right_arithmetic3A_144 = arith.constant 4 : i32
        %shift_right_arithmetic3A_145 = vector.broadcast %shift_right_arithmetic3A_144 : i32 to vector<16xi32>
        %shift_right_arithmetic3A_146 = arith.shrsi %select_n3A, %shift_right_arithmetic3A_145 : vector<16xi32>
        %and3A_147 = arith.constant 15 : i32
        %and3A_148 = vector.broadcast %and3A_147 : i32 to vector<16xi32>
        %and3A_149 = arith.andi %shift_right_arithmetic3A_146, %and3A_148 : vector<16xi32>
        %and3A_150 = arith.constant 15 : i32
        %and3A_151 = vector.broadcast %and3A_150 : i32 to vector<16xi32>
        %and3A_152 = arith.andi %select_n3A, %and3A_151 : vector<16xi32>
        %lt3A = arith.constant 11 : i32
        %lt3A_153 = vector.broadcast %lt3A : i32 to vector<16xi32>
        %lt3A_154 = arith.cmpi slt, %and3A_149, %lt3A_153 : vector<16xi32>
        %lt3A_155 = arith.constant 11 : i32
        %lt3A_156 = vector.broadcast %lt3A_155 : i32 to vector<16xi32>
        %lt3A_157 = arith.cmpi slt, %and3A_152, %lt3A_156 : vector<16xi32>
        %and3A_158 = arith.andi %lt3A_154, %lt3A_157 : vector<16xi1>
        %lt3A_159 = arith.constant 24 : i32
        %lt3A_160 = vector.broadcast %lt3A_159 : i32 to vector<16xi32>
        %lt3A_161 = arith.cmpi slt, %select_n3A_137, %lt3A_160 : vector<16xi32>
        %and3A_162 = arith.andi %and3A_158, %lt3A_161 : vector<16xi1>
        %mul3A_163 = arith.constant 128 : i32
        %mul3A_164 = vector.broadcast %mul3A_163 : i32 to vector<16xi32>
        %mul3A_165 = arith.muli %select_n3A_137, %mul3A_164 : vector<16xi32>
        %mul3A_166 = arith.constant 11 : i32
        %mul3A_167 = vector.broadcast %mul3A_166 : i32 to vector<16xi32>
        %mul3A_168 = arith.muli %and3A_149, %mul3A_167 : vector<16xi32>
        %add3A_169 = arith.addi %mul3A_165, %mul3A_168 : vector<16xi32>
        %add3A_170 = arith.addi %add3A_169, %and3A_152 : vector<16xi32>
        %jit3A_171 = arith.constant 0 : i32
        %broadcast_in_dim3A_172 = vector.broadcast %jit3A_171 : i32 to vector<16xi32>
        %select_n3A_173 = arith.select %and3A_162, %add3A_170, %broadcast_in_dim3A_172 : vector<16xi1>, vector<16xi32>
        %convert_element_type3A_174 = arith.sitofp %select_n3A_143 : vector<16xi32> to vector<16xf32>
        %scatter3A = arith.constant 0 : i32
        %scatter3A_175 = arith.constant 0 : i32
        %scatter3A_176 = arith.constant 0 : i32
        %scatter3A_177 = tpu.memref_slice %arg5[%scatter3A, %scatter3A_175, %scatter3A_176] : memref<2x8x3072xf32, #tpu.memory_space<vmem>> -> memref<1x8x3072xf32, #tpu.memory_space<vmem>>
        %scatter3A_178 = tpu.memref_squeeze %scatter3A_177 : memref<1x8x3072xf32, #tpu.memory_space<vmem>> -> memref<8x3072xf32, #tpu.memory_space<vmem>>
        tpu.vector_store_idx %scatter3A_178[%and3A_4, %select_n3A_173], %convert_element_type3A_174 masked %and3A_162 : memref<8x3072xf32, #tpu.memory_space<vmem>>[vector<16xi32>, vector<16xi32>], vector<16xf32>, vector<16xi1>
        %scan3A_179 = arith.constant 1 : i32
        %scan3A_180 = arith.addi %scan3A_114, %scan3A_179 : i32
        %mul3A_181 = arith.constant 2 : i32
        %mul3A_182 = arith.muli %mul3A_181, %scan3A_180 : i32
        %add3A_183 = vector.broadcast %mul3A_182 : i32 to vector<16xi32>
        %add3A_184 = arith.addi %shift_right_arithmetic3A_6, %add3A_183 : vector<16xi32>
        %add3A_185 = vector.broadcast %mul3A_53 : i32 to vector<16xi32>
        %add3A_186 = arith.addi %and3A_4, %add3A_185 : vector<16xi32>
        %gather3A_187 = tpu.vector_load_idx %arg4[%mul3A_9, %add3A_184, %add3A_186] : memref<3x200x128xi32, #tpu.memory_space<vmem>>[vector<16xi32>, vector<16xi32>, vector<16xi32>], vector<16xi32>,
        %add3A_188 = arith.constant 1 : i32
        %add3A_189 = vector.broadcast %add3A_188 : i32 to vector<16xi32>
        %add3A_190 = arith.addi %mul3A_9, %add3A_189 : vector<16xi32>
        %gather3A_191 = tpu.vector_load_idx %arg4[%add3A_190, %add3A_184, %add3A_186] : memref<3x200x128xi32, #tpu.memory_space<vmem>>[vector<16xi32>, vector<16xi32>, vector<16xi32>], vector<16xi32>,
        %add3A_192 = arith.constant 2 : i32
        %add3A_193 = vector.broadcast %add3A_192 : i32 to vector<16xi32>
        %add3A_194 = arith.addi %mul3A_9, %add3A_193 : vector<16xi32>
        %gather3A_195 = tpu.vector_load_idx %arg4[%add3A_194, %add3A_184, %add3A_186] : memref<3x200x128xi32, #tpu.memory_space<vmem>>[vector<16xi32>, vector<16xi32>, vector<16xi32>], vector<16xi32>,
        %eq3A_196 = arith.constant 255 : i32
        %eq3A_197 = vector.broadcast %eq3A_196 : i32 to vector<16xi32>
        %eq3A_198 = arith.cmpi eq, %gather3A_187, %eq3A_197 : vector<16xi32>
        %jit3A_199 = arith.constant 0 : i32
        %broadcast_in_dim3A_200 = vector.broadcast %jit3A_199 : i32 to vector<16xi32>
        %select_n3A_201 = arith.select %eq3A_198, %broadcast_in_dim3A_200, %gather3A_187 : vector<16xi1>, vector<16xi32>
        %eq3A_202 = arith.constant 255 : i32
        %eq3A_203 = vector.broadcast %eq3A_202 : i32 to vector<16xi32>
        %eq3A_204 = arith.cmpi eq, %gather3A_191, %eq3A_203 : vector<16xi32>
        %jit3A_205 = arith.constant 0 : i32
        %broadcast_in_dim3A_206 = vector.broadcast %jit3A_205 : i32 to vector<16xi32>
        %select_n3A_207 = arith.select %eq3A_204, %broadcast_in_dim3A_206, %gather3A_191 : vector<16xi1>, vector<16xi32>
        %eq3A_208 = arith.constant 255 : i32
        %eq3A_209 = vector.broadcast %eq3A_208 : i32 to vector<16xi32>
        %eq3A_210 = arith.cmpi eq, %gather3A_195, %eq3A_209 : vector<16xi32>
        %jit3A_211 = arith.constant 0 : i32
        %broadcast_in_dim3A_212 = vector.broadcast %jit3A_211 : i32 to vector<16xi32>
        %select_n3A_213 = arith.select %eq3A_210, %broadcast_in_dim3A_212, %gather3A_195 : vector<16xi1>, vector<16xi32>
        %shift_right_arithmetic3A_214 = arith.constant 4 : i32
        %shift_right_arithmetic3A_215 = vector.broadcast %shift_right_arithmetic3A_214 : i32 to vector<16xi32>
        %shift_right_arithmetic3A_216 = arith.shrsi %select_n3A_201, %shift_right_arithmetic3A_215 : vector<16xi32>
        %and3A_217 = arith.constant 15 : i32
        %and3A_218 = vector.broadcast %and3A_217 : i32 to vector<16xi32>
        %and3A_219 = arith.andi %shift_right_arithmetic3A_216, %and3A_218 : vector<16xi32>
        %and3A_220 = arith.constant 15 : i32
        %and3A_221 = vector.broadcast %and3A_220 : i32 to vector<16xi32>
        %and3A_222 = arith.andi %select_n3A_201, %and3A_221 : vector<16xi32>
        %lt3A_223 = arith.constant 11 : i32
        %lt3A_224 = vector.broadcast %lt3A_223 : i32 to vector<16xi32>
        %lt3A_225 = arith.cmpi slt, %and3A_219, %lt3A_224 : vector<16xi32>
        %lt3A_226 = arith.constant 11 : i32
        %lt3A_227 = vector.broadcast %lt3A_226 : i32 to vector<16xi32>
        %lt3A_228 = arith.cmpi slt, %and3A_222, %lt3A_227 : vector<16xi32>
        %and3A_229 = arith.andi %lt3A_225, %lt3A_228 : vector<16xi1>
        %lt3A_230 = arith.constant 24 : i32
        %lt3A_231 = vector.broadcast %lt3A_230 : i32 to vector<16xi32>
        %lt3A_232 = arith.cmpi slt, %select_n3A_207, %lt3A_231 : vector<16xi32>
        %and3A_233 = arith.andi %and3A_229, %lt3A_232 : vector<16xi1>
        %mul3A_234 = arith.constant 128 : i32
        %mul3A_235 = vector.broadcast %mul3A_234 : i32 to vector<16xi32>
        %mul3A_236 = arith.muli %select_n3A_207, %mul3A_235 : vector<16xi32>
        %mul3A_237 = arith.constant 11 : i32
        %mul3A_238 = vector.broadcast %mul3A_237 : i32 to vector<16xi32>
        %mul3A_239 = arith.muli %and3A_219, %mul3A_238 : vector<16xi32>
        %add3A_240 = arith.addi %mul3A_236, %mul3A_239 : vector<16xi32>
        %add3A_241 = arith.addi %add3A_240, %and3A_222 : vector<16xi32>
        %jit3A_242 = arith.constant 0 : i32
        %broadcast_in_dim3A_243 = vector.broadcast %jit3A_242 : i32 to vector<16xi32>
        %select_n3A_244 = arith.select %and3A_233, %add3A_241, %broadcast_in_dim3A_243 : vector<16xi1>, vector<16xi32>
        %convert_element_type3A_245 = arith.sitofp %select_n3A_213 : vector<16xi32> to vector<16xf32>
        %scatter3A_246 = arith.constant 0 : i32
        %scatter3A_247 = arith.constant 0 : i32
        %scatter3A_248 = arith.constant 0 : i32
        %scatter3A_249 = tpu.memref_slice %arg5[%scatter3A_246, %scatter3A_247, %scatter3A_248] : memref<2x8x3072xf32, #tpu.memory_space<vmem>> -> memref<1x8x3072xf32, #tpu.memory_space<vmem>>
        %scatter3A_250 = tpu.memref_squeeze %scatter3A_249 : memref<1x8x3072xf32, #tpu.memory_space<vmem>> -> memref<8x3072xf32, #tpu.memory_space<vmem>>
        tpu.vector_store_idx %scatter3A_250[%and3A_4, %select_n3A_244], %convert_element_type3A_245 masked %and3A_233 : memref<8x3072xf32, #tpu.memory_space<vmem>>[vector<16xi32>, vector<16xi32>], vector<16xf32>, vector<16xi1>
        %scan3A_251 = arith.constant 2 : i32
        %scan3A_252 = arith.addi %scan3A_114, %scan3A_251 : i32
        %mul3A_253 = arith.constant 2 : i32
        %mul3A_254 = arith.muli %mul3A_253, %scan3A_252 : i32
        %add3A_255 = vector.broadcast %mul3A_254 : i32 to vector<16xi32>
        %add3A_256 = arith.addi %shift_right_arithmetic3A_6, %add3A_255 : vector<16xi32>
        %add3A_257 = vector.broadcast %mul3A_53 : i32 to vector<16xi32>
        %add3A_258 = arith.addi %and3A_4, %add3A_257 : vector<16xi32>
        %gather3A_259 = tpu.vector_load_idx %arg4[%mul3A_9, %add3A_256, %add3A_258] : memref<3x200x128xi32, #tpu.memory_space<vmem>>[vector<16xi32>, vector<16xi32>, vector<16xi32>], vector<16xi32>,
        %add3A_260 = arith.constant 1 : i32
        %add3A_261 = vector.broadcast %add3A_260 : i32 to vector<16xi32>
        %add3A_262 = arith.addi %mul3A_9, %add3A_261 : vector<16xi32>
        %gather3A_263 = tpu.vector_load_idx %arg4[%add3A_262, %add3A_256, %add3A_258] : memref<3x200x128xi32, #tpu.memory_space<vmem>>[vector<16xi32>, vector<16xi32>, vector<16xi32>], vector<16xi32>,
        %add3A_264 = arith.constant 2 : i32
        %add3A_265 = vector.broadcast %add3A_264 : i32 to vector<16xi32>
        %add3A_266 = arith.addi %mul3A_9, %add3A_265 : vector<16xi32>
        %gather3A_267 = tpu.vector_load_idx %arg4[%add3A_266, %add3A_256, %add3A_258] : memref<3x200x128xi32, #tpu.memory_space<vmem>>[vector<16xi32>, vector<16xi32>, vector<16xi32>], vector<16xi32>,
        %eq3A_268 = arith.constant 255 : i32
        %eq3A_269 = vector.broadcast %eq3A_268 : i32 to vector<16xi32>
        %eq3A_270 = arith.cmpi eq, %gather3A_259, %eq3A_269 : vector<16xi32>
        %jit3A_271 = arith.constant 0 : i32
        %broadcast_in_dim3A_272 = vector.broadcast %jit3A_271 : i32 to vector<16xi32>
        %select_n3A_273 = arith.select %eq3A_270, %broadcast_in_dim3A_272, %gather3A_259 : vector<16xi1>, vector<16xi32>
        %eq3A_274 = arith.constant 255 : i32
        %eq3A_275 = vector.broadcast %eq3A_274 : i32 to vector<16xi32>
        %eq3A_276 = arith.cmpi eq, %gather3A_263, %eq3A_275 : vector<16xi32>
        %jit3A_277 = arith.constant 0 : i32
        %broadcast_in_dim3A_278 = vector.broadcast %jit3A_277 : i32 to vector<16xi32>
        %select_n3A_279 = arith.select %eq3A_276, %broadcast_in_dim3A_278, %gather3A_263 : vector<16xi1>, vector<16xi32>
        %eq3A_280 = arith.constant 255 : i32
        %eq3A_281 = vector.broadcast %eq3A_280 : i32 to vector<16xi32>
        %eq3A_282 = arith.cmpi eq, %gather3A_267, %eq3A_281 : vector<16xi32>
        %jit3A_283 = arith.constant 0 : i32
        %broadcast_in_dim3A_284 = vector.broadcast %jit3A_283 : i32 to vector<16xi32>
        %select_n3A_285 = arith.select %eq3A_282, %broadcast_in_dim3A_284, %gather3A_267 : vector<16xi1>, vector<16xi32>
        %shift_right_arithmetic3A_286 = arith.constant 4 : i32
        %shift_right_arithmetic3A_287 = vector.broadcast %shift_right_arithmetic3A_286 : i32 to vector<16xi32>
        %shift_right_arithmetic3A_288 = arith.shrsi %select_n3A_273, %shift_right_arithmetic3A_287 : vector<16xi32>
        %and3A_289 = arith.constant 15 : i32
        %and3A_290 = vector.broadcast %and3A_289 : i32 to vector<16xi32>
        %and3A_291 = arith.andi %shift_right_arithmetic3A_288, %and3A_290 : vector<16xi32>
        %and3A_292 = arith.constant 15 : i32
        %and3A_293 = vector.broadcast %and3A_292 : i32 to vector<16xi32>
        %and3A_294 = arith.andi %select_n3A_273, %and3A_293 : vector<16xi32>
        %lt3A_295 = arith.constant 11 : i32
        %lt3A_296 = vector.broadcast %lt3A_295 : i32 to vector<16xi32>
        %lt3A_297 = arith.cmpi slt, %and3A_291, %lt3A_296 : vector<16xi32>
        %lt3A_298 = arith.constant 11 : i32
        %lt3A_299 = vector.broadcast %lt3A_298 : i32 to vector<16xi32>
        %lt3A_300 = arith.cmpi slt, %and3A_294, %lt3A_299 : vector<16xi32>
        %and3A_301 = arith.andi %lt3A_297, %lt3A_300 : vector<16xi1>
        %lt3A_302 = arith.constant 24 : i32
        %lt3A_303 = vector.broadcast %lt3A_302 : i32 to vector<16xi32>
        %lt3A_304 = arith.cmpi slt, %select_n3A_279, %lt3A_303 : vector<16xi32>
        %and3A_305 = arith.andi %and3A_301, %lt3A_304 : vector<16xi1>
        %mul3A_306 = arith.constant 128 : i32
        %mul3A_307 = vector.broadcast %mul3A_306 : i32 to vector<16xi32>
        %mul3A_308 = arith.muli %select_n3A_279, %mul3A_307 : vector<16xi32>
        %mul3A_309 = arith.constant 11 : i32
        %mul3A_310 = vector.broadcast %mul3A_309 : i32 to vector<16xi32>
        %mul3A_311 = arith.muli %and3A_291, %mul3A_310 : vector<16xi32>
        %add3A_312 = arith.addi %mul3A_308, %mul3A_311 : vector<16xi32>
        %add3A_313 = arith.addi %add3A_312, %and3A_294 : vector<16xi32>
        %jit3A_314 = arith.constant 0 : i32
        %broadcast_in_dim3A_315 = vector.broadcast %jit3A_314 : i32 to vector<16xi32>
        %select_n3A_316 = arith.select %and3A_305, %add3A_313, %broadcast_in_dim3A_315 : vector<16xi1>, vector<16xi32>
        %convert_element_type3A_317 = arith.sitofp %select_n3A_285 : vector<16xi32> to vector<16xf32>
        %scatter3A_318 = arith.constant 0 : i32
        %scatter3A_319 = arith.constant 0 : i32
        %scatter3A_320 = arith.constant 0 : i32
        %scatter3A_321 = tpu.memref_slice %arg5[%scatter3A_318, %scatter3A_319, %scatter3A_320] : memref<2x8x3072xf32, #tpu.memory_space<vmem>> -> memref<1x8x3072xf32, #tpu.memory_space<vmem>>
        %scatter3A_322 = tpu.memref_squeeze %scatter3A_321 : memref<1x8x3072xf32, #tpu.memory_space<vmem>> -> memref<8x3072xf32, #tpu.memory_space<vmem>>
        tpu.vector_store_idx %scatter3A_322[%and3A_4, %select_n3A_316], %convert_element_type3A_317 masked %and3A_305 : memref<8x3072xf32, #tpu.memory_space<vmem>>[vector<16xi32>, vector<16xi32>], vector<16xf32>, vector<16xi1>
        %scan3A_323 = arith.constant 3 : i32
        %scan3A_324 = arith.addi %scan3A_114, %scan3A_323 : i32
        %mul3A_325 = arith.constant 2 : i32
        %mul3A_326 = arith.muli %mul3A_325, %scan3A_324 : i32
        %add3A_327 = vector.broadcast %mul3A_326 : i32 to vector<16xi32>
        %add3A_328 = arith.addi %shift_right_arithmetic3A_6, %add3A_327 : vector<16xi32>
        %add3A_329 = vector.broadcast %mul3A_53 : i32 to vector<16xi32>
        %add3A_330 = arith.addi %and3A_4, %add3A_329 : vector<16xi32>
        %gather3A_331 = tpu.vector_load_idx %arg4[%mul3A_9, %add3A_328, %add3A_330] : memref<3x200x128xi32, #tpu.memory_space<vmem>>[vector<16xi32>, vector<16xi32>, vector<16xi32>], vector<16xi32>,
        %add3A_332 = arith.constant 1 : i32
        %add3A_333 = vector.broadcast %add3A_332 : i32 to vector<16xi32>
        %add3A_334 = arith.addi %mul3A_9, %add3A_333 : vector<16xi32>
        %gather3A_335 = tpu.vector_load_idx %arg4[%add3A_334, %add3A_328, %add3A_330] : memref<3x200x128xi32, #tpu.memory_space<vmem>>[vector<16xi32>, vector<16xi32>, vector<16xi32>], vector<16xi32>,
        %add3A_336 = arith.constant 2 : i32
        %add3A_337 = vector.broadcast %add3A_336 : i32 to vector<16xi32>
        %add3A_338 = arith.addi %mul3A_9, %add3A_337 : vector<16xi32>
        %gather3A_339 = tpu.vector_load_idx %arg4[%add3A_338, %add3A_328, %add3A_330] : memref<3x200x128xi32, #tpu.memory_space<vmem>>[vector<16xi32>, vector<16xi32>, vector<16xi32>], vector<16xi32>,
        %eq3A_340 = arith.constant 255 : i32
        %eq3A_341 = vector.broadcast %eq3A_340 : i32 to vector<16xi32>
        %eq3A_342 = arith.cmpi eq, %gather3A_331, %eq3A_341 : vector<16xi32>
        %jit3A_343 = arith.constant 0 : i32
        %broadcast_in_dim3A_344 = vector.broadcast %jit3A_343 : i32 to vector<16xi32>
        %select_n3A_345 = arith.select %eq3A_342, %broadcast_in_dim3A_344, %gather3A_331 : vector<16xi1>, vector<16xi32>
        %eq3A_346 = arith.constant 255 : i32
        %eq3A_347 = vector.broadcast %eq3A_346 : i32 to vector<16xi32>
        %eq3A_348 = arith.cmpi eq, %gather3A_335, %eq3A_347 : vector<16xi32>
        %jit3A_349 = arith.constant 0 : i32
        %broadcast_in_dim3A_350 = vector.broadcast %jit3A_349 : i32 to vector<16xi32>
        %select_n3A_351 = arith.select %eq3A_348, %broadcast_in_dim3A_350, %gather3A_335 : vector<16xi1>, vector<16xi32>
        %eq3A_352 = arith.constant 255 : i32
        %eq3A_353 = vector.broadcast %eq3A_352 : i32 to vector<16xi32>
        %eq3A_354 = arith.cmpi eq, %gather3A_339, %eq3A_353 : vector<16xi32>
        %jit3A_355 = arith.constant 0 : i32
        %broadcast_in_dim3A_356 = vector.broadcast %jit3A_355 : i32 to vector<16xi32>
        %select_n3A_357 = arith.select %eq3A_354, %broadcast_in_dim3A_356, %gather3A_339 : vector<16xi1>, vector<16xi32>
        %shift_right_arithmetic3A_358 = arith.constant 4 : i32
        %shift_right_arithmetic3A_359 = vector.broadcast %shift_right_arithmetic3A_358 : i32 to vector<16xi32>
        %shift_right_arithmetic3A_360 = arith.shrsi %select_n3A_345, %shift_right_arithmetic3A_359 : vector<16xi32>
        %and3A_361 = arith.constant 15 : i32
        %and3A_362 = vector.broadcast %and3A_361 : i32 to vector<16xi32>
        %and3A_363 = arith.andi %shift_right_arithmetic3A_360, %and3A_362 : vector<16xi32>
        %and3A_364 = arith.constant 15 : i32
        %and3A_365 = vector.broadcast %and3A_364 : i32 to vector<16xi32>
        %and3A_366 = arith.andi %select_n3A_345, %and3A_365 : vector<16xi32>
        %lt3A_367 = arith.constant 11 : i32
        %lt3A_368 = vector.broadcast %lt3A_367 : i32 to vector<16xi32>
        %lt3A_369 = arith.cmpi slt, %and3A_363, %lt3A_368 : vector<16xi32>
        %lt3A_370 = arith.constant 11 : i32
        %lt3A_371 = vector.broadcast %lt3A_370 : i32 to vector<16xi32>
        %lt3A_372 = arith.cmpi slt, %and3A_366, %lt3A_371 : vector<16xi32>
        %and3A_373 = arith.andi %lt3A_369, %lt3A_372 : vector<16xi1>
        %lt3A_374 = arith.constant 24 : i32
        %lt3A_375 = vector.broadcast %lt3A_374 : i32 to vector<16xi32>
        %lt3A_376 = arith.cmpi slt, %select_n3A_351, %lt3A_375 : vector<16xi32>
        %and3A_377 = arith.andi %and3A_373, %lt3A_376 : vector<16xi1>
        %mul3A_378 = arith.constant 128 : i32
        %mul3A_379 = vector.broadcast %mul3A_378 : i32 to vector<16xi32>
        %mul3A_380 = arith.muli %select_n3A_351, %mul3A_379 : vector<16xi32>
        %mul3A_381 = arith.constant 11 : i32
        %mul3A_382 = vector.broadcast %mul3A_381 : i32 to vector<16xi32>
        %mul3A_383 = arith.muli %and3A_363, %mul3A_382 : vector<16xi32>
        %add3A_384 = arith.addi %mul3A_380, %mul3A_383 : vector<16xi32>
        %add3A_385 = arith.addi %add3A_384, %and3A_366 : vector<16xi32>
        %jit3A_386 = arith.constant 0 : i32
        %broadcast_in_dim3A_387 = vector.broadcast %jit3A_386 : i32 to vector<16xi32>
        %select_n3A_388 = arith.select %and3A_377, %add3A_385, %broadcast_in_dim3A_387 : vector<16xi1>, vector<16xi32>
        %convert_element_type3A_389 = arith.sitofp %select_n3A_357 : vector<16xi32> to vector<16xf32>
        %scatter3A_390 = arith.constant 0 : i32
        %scatter3A_391 = arith.constant 0 : i32
        %scatter3A_392 = arith.constant 0 : i32
        %scatter3A_393 = tpu.memref_slice %arg5[%scatter3A_390, %scatter3A_391, %scatter3A_392] : memref<2x8x3072xf32, #tpu.memory_space<vmem>> -> memref<1x8x3072xf32, #tpu.memory_space<vmem>>
        %scatter3A_394 = tpu.memref_squeeze %scatter3A_393 : memref<1x8x3072xf32, #tpu.memory_space<vmem>> -> memref<8x3072xf32, #tpu.memory_space<vmem>>
        tpu.vector_store_idx %scatter3A_394[%and3A_4, %select_n3A_388], %convert_element_type3A_389 masked %and3A_377 : memref<8x3072xf32, #tpu.memory_space<vmem>>[vector<16xi32>, vector<16xi32>], vector<16xf32>, vector<16xi1>
      }
      %scan3A_59 = arith.constant 100 : i32
      %mul3A_60 = arith.constant 8 : i32
      %mul3A_61 = arith.muli %mul3A_43, %mul3A_60 : i32
      %add3A_62 = arith.addi %mul3A_2, %mul3A_61 : i32
      %dma_start3A = arith.constant 0 : i32
      %dma_start3A_63 = arith.constant 0 : i32
      %dma_start3A_64 = arith.constant 0 : i32
      %dma_start3A_65 = tpu.memref_slice %arg5[%dma_start3A, %dma_start3A_63, %dma_start3A_64] : memref<2x8x3072xf32, #tpu.memory_space<vmem>> -> memref<1x8x3072xf32, #tpu.memory_space<vmem>>
      %dma_start3A_66 = tpu.memref_squeeze %dma_start3A_65 : memref<1x8x3072xf32, #tpu.memory_space<vmem>> -> memref<8x3072xf32, #tpu.memory_space<vmem>>
      %dma_start3A_67 = arith.constant 0 : i32
      %dma_start3A_68 = tpu.memref_slice %arg3[%add3A_62, %dma_start3A_67] : memref<4096x3072xf32, #tpu.memory_space<hbm>> -> memref<8x3072xf32, #tpu.memory_space<hbm>>
      %dma_start3A_69 = arith.constant 0 : i32
      %dma_start3A_70 = tpu.memref_slice %arg3[%add3A_62, %dma_start3A_69] : memref<4096x3072xf32, #tpu.memory_space<hbm>> -> memref<8x3072xf32, #tpu.memory_space<hbm>>
      %dma_start3A_71 = arith.constant 0 : i32
      %dma_start3A_72 = arith.constant 0 : i32
      %dma_start3A_73 = tpu.memref_slice %arg5[%dma_start3A, %dma_start3A_71, %dma_start3A_72] : memref<2x8x3072xf32, #tpu.memory_space<vmem>> -> memref<1x8x3072xf32, #tpu.memory_space<vmem>>
      %dma_start3A_74 = tpu.memref_squeeze %dma_start3A_73 : memref<1x8x3072xf32, #tpu.memory_space<vmem>> -> memref<8x3072xf32, #tpu.memory_space<vmem>>
      tpu.enqueue_dma source(%dma_start3A_74 : memref<8x3072xf32, #tpu.memory_space<vmem>>) target(%dma_start3A_70 : memref<8x3072xf32, #tpu.memory_space<hbm>>) target_semaphore(%arg6 : memref<!tpu.dma_semaphore, #tpu.memory_space<semaphore_mem>>)
      %mul3A_75 = arith.constant 2 : i32
      %mul3A_76 = arith.muli %mul3A_75, %scan3A_41 : i32
      %add3A_77 = arith.constant 1 : i32
      %add3A_78 = arith.addi %mul3A_76, %add3A_77 : i32
      %gt3A_79 = arith.constant 0 : i32
      %gt3A_80 = arith.cmpi sgt, %scan3A_41, %gt3A_79 : i32
      %convert_element_type3A_81 = arith.extui %gt3A_80 : i1 to i32
      %cond3A_82 = arith.constant 0 : i32
      %cond3A_83 = arith.cmpi ne, %convert_element_type3A_81, %cond3A_82 : i32
      scf.if %cond3A_83 {
        %dma_wait3A_114 = arith.constant 1 : i32
        %dma_wait3A_115 = arith.constant 0 : i32
        %dma_wait3A_116 = arith.constant 0 : i32
        %dma_wait3A_117 = tpu.memref_slice %arg5[%dma_wait3A_114, %dma_wait3A_115, %dma_wait3A_116] : memref<2x8x3072xf32, #tpu.memory_space<vmem>> -> memref<1x8x3072xf32, #tpu.memory_space<vmem>>
        %dma_wait3A_118 = tpu.memref_squeeze %dma_wait3A_117 : memref<1x8x3072xf32, #tpu.memory_space<vmem>> -> memref<8x3072xf32, #tpu.memory_space<vmem>>
        %dma_wait3A_119 = arith.constant 0 : i32
        %dma_wait3A_120 = tpu.memref_slice %arg3[%mul3A_2, %dma_wait3A_119] : memref<4096x3072xf32, #tpu.memory_space<hbm>> -> memref<8x3072xf32, #tpu.memory_space<hbm>>
        %dma_wait3A_121 = arith.constant 0 : i32
        %dma_wait3A_122 = tpu.memref_slice %arg3[%mul3A_2, %dma_wait3A_121] : memref<4096x3072xf32, #tpu.memory_space<hbm>> -> memref<8x3072xf32, #tpu.memory_space<hbm>>
        %dma_wait3A_123 = arith.constant 0 : i32
        %dma_wait3A_124 = arith.constant 0 : i32
        %dma_wait3A_125 = tpu.memref_slice %arg5[%dma_wait3A_114, %dma_wait3A_123, %dma_wait3A_124] : memref<2x8x3072xf32, #tpu.memory_space<vmem>> -> memref<1x8x3072xf32, #tpu.memory_space<vmem>>
        %dma_wait3A_126 = tpu.memref_squeeze %dma_wait3A_125 : memref<1x8x3072xf32, #tpu.memory_space<vmem>> -> memref<8x3072xf32, #tpu.memory_space<vmem>>
        tpu.wait_dma2 semaphore(%arg7 : memref<!tpu.dma_semaphore, #tpu.memory_space<semaphore_mem>>) src(%dma_wait3A_126 : memref<8x3072xf32, #tpu.memory_space<vmem>>) dst(%dma_wait3A_122 : memref<8x3072xf32, #tpu.memory_space<hbm>>)
      } else {
      }
      %scan3A_84 = arith.constant 0 : i32
      %scan3A_85 = arith.constant 0 : i32
      %scan3A_86 = arith.constant 192 : i32
      %scan3A_87 = arith.addi %scan3A_85, %scan3A_86 : i32
      %scan3A_88 = arith.constant 8 : i32
      scf.for %scan3A_114 = %scan3A_85 to %scan3A_87 step %scan3A_88  : i32 {
        %mul3A_115 = arith.constant 16 : i32
        %mul3A_116 = arith.muli %scan3A_114, %mul3A_115 : i32
        %swap3A = arith.constant 1 : i32
        %swap3A_117 = arith.constant 0 : i32
        %swap3A_118 = arith.index_cast %swap3A : i32 to index
        %swap3A_119 = arith.index_cast %swap3A_117 : i32 to index
        %swap3A_120 = arith.index_cast %mul3A_116 : i32 to index
        %swap3A_121 = tpu.vector_load %arg5[%swap3A_118, %swap3A_119, %swap3A_120] {strides = array<i32>} : memref<2x8x3072xf32, #tpu.memory_space<vmem>>, vector<16xf32>,
        tpu.vector_store %arg5[%swap3A_118, %swap3A_119, %swap3A_120], %broadcast_in_dim3A_10 {strides = array<i32>} : memref<2x8x3072xf32, #tpu.memory_space<vmem>>, vector<16xf32>,
        %mul3A_122 = arith.constant 16 : i32
        %mul3A_123 = arith.muli %scan3A_114, %mul3A_122 : i32
        %swap3A_124 = arith.constant 1 : i32
        %swap3A_125 = arith.constant 1 : i32
        %swap3A_126 = arith.index_cast %swap3A_124 : i32 to index
        %swap3A_127 = arith.index_cast %swap3A_125 : i32 to index
        %swap3A_128 = arith.index_cast %mul3A_123 : i32 to index
        %swap3A_129 = tpu.vector_load %arg5[%swap3A_126, %swap3A_127, %swap3A_128] {strides = array<i32>} : memref<2x8x3072xf32, #tpu.memory_space<vmem>>, vector<16xf32>,
        tpu.vector_store %arg5[%swap3A_126, %swap3A_127, %swap3A_128], %broadcast_in_dim3A_10 {strides = array<i32>} : memref<2x8x3072xf32, #tpu.memory_space<vmem>>, vector<16xf32>,
        %mul3A_130 = arith.constant 16 : i32
        %mul3A_131 = arith.muli %scan3A_114, %mul3A_130 : i32
        %swap3A_132 = arith.constant 1 : i32
        %swap3A_133 = arith.constant 2 : i32
        %swap3A_134 = arith.index_cast %swap3A_132 : i32 to index
        %swap3A_135 = arith.index_cast %swap3A_133 : i32 to index
        %swap3A_136 = arith.index_cast %mul3A_131 : i32 to index
        %swap3A_137 = tpu.vector_load %arg5[%swap3A_134, %swap3A_135, %swap3A_136] {strides = array<i32>} : memref<2x8x3072xf32, #tpu.memory_space<vmem>>, vector<16xf32>,
        tpu.vector_store %arg5[%swap3A_134, %swap3A_135, %swap3A_136], %broadcast_in_dim3A_10 {strides = array<i32>} : memref<2x8x3072xf32, #tpu.memory_space<vmem>>, vector<16xf32>,
        %mul3A_138 = arith.constant 16 : i32
        %mul3A_139 = arith.muli %scan3A_114, %mul3A_138 : i32
        %swap3A_140 = arith.constant 1 : i32
        %swap3A_141 = arith.constant 3 : i32
        %swap3A_142 = arith.index_cast %swap3A_140 : i32 to index
        %swap3A_143 = arith.index_cast %swap3A_141 : i32 to index
        %swap3A_144 = arith.index_cast %mul3A_139 : i32 to index
        %swap3A_145 = tpu.vector_load %arg5[%swap3A_142, %swap3A_143, %swap3A_144] {strides = array<i32>} : memref<2x8x3072xf32, #tpu.memory_space<vmem>>, vector<16xf32>,
        tpu.vector_store %arg5[%swap3A_142, %swap3A_143, %swap3A_144], %broadcast_in_dim3A_10 {strides = array<i32>} : memref<2x8x3072xf32, #tpu.memory_space<vmem>>, vector<16xf32>,
        %mul3A_146 = arith.constant 16 : i32
        %mul3A_147 = arith.muli %scan3A_114, %mul3A_146 : i32
        %swap3A_148 = arith.constant 1 : i32
        %swap3A_149 = arith.constant 4 : i32
        %swap3A_150 = arith.index_cast %swap3A_148 : i32 to index
        %swap3A_151 = arith.index_cast %swap3A_149 : i32 to index
        %swap3A_152 = arith.index_cast %mul3A_147 : i32 to index
        %swap3A_153 = tpu.vector_load %arg5[%swap3A_150, %swap3A_151, %swap3A_152] {strides = array<i32>} : memref<2x8x3072xf32, #tpu.memory_space<vmem>>, vector<16xf32>,
        tpu.vector_store %arg5[%swap3A_150, %swap3A_151, %swap3A_152], %broadcast_in_dim3A_10 {strides = array<i32>} : memref<2x8x3072xf32, #tpu.memory_space<vmem>>, vector<16xf32>,
        %mul3A_154 = arith.constant 16 : i32
        %mul3A_155 = arith.muli %scan3A_114, %mul3A_154 : i32
        %swap3A_156 = arith.constant 1 : i32
        %swap3A_157 = arith.constant 5 : i32
        %swap3A_158 = arith.index_cast %swap3A_156 : i32 to index
        %swap3A_159 = arith.index_cast %swap3A_157 : i32 to index
        %swap3A_160 = arith.index_cast %mul3A_155 : i32 to index
        %swap3A_161 = tpu.vector_load %arg5[%swap3A_158, %swap3A_159, %swap3A_160] {strides = array<i32>} : memref<2x8x3072xf32, #tpu.memory_space<vmem>>, vector<16xf32>,
        tpu.vector_store %arg5[%swap3A_158, %swap3A_159, %swap3A_160], %broadcast_in_dim3A_10 {strides = array<i32>} : memref<2x8x3072xf32, #tpu.memory_space<vmem>>, vector<16xf32>,
        %mul3A_162 = arith.constant 16 : i32
        %mul3A_163 = arith.muli %scan3A_114, %mul3A_162 : i32
        %swap3A_164 = arith.constant 1 : i32
        %swap3A_165 = arith.constant 6 : i32
        %swap3A_166 = arith.index_cast %swap3A_164 : i32 to index
        %swap3A_167 = arith.index_cast %swap3A_165 : i32 to index
        %swap3A_168 = arith.index_cast %mul3A_163 : i32 to index
        %swap3A_169 = tpu.vector_load %arg5[%swap3A_166, %swap3A_167, %swap3A_168] {strides = array<i32>} : memref<2x8x3072xf32, #tpu.memory_space<vmem>>, vector<16xf32>,
        tpu.vector_store %arg5[%swap3A_166, %swap3A_167, %swap3A_168], %broadcast_in_dim3A_10 {strides = array<i32>} : memref<2x8x3072xf32, #tpu.memory_space<vmem>>, vector<16xf32>,
        %mul3A_170 = arith.constant 16 : i32
        %mul3A_171 = arith.muli %scan3A_114, %mul3A_170 : i32
        %swap3A_172 = arith.constant 1 : i32
        %swap3A_173 = arith.constant 7 : i32
        %swap3A_174 = arith.index_cast %swap3A_172 : i32 to index
        %swap3A_175 = arith.index_cast %swap3A_173 : i32 to index
        %swap3A_176 = arith.index_cast %mul3A_171 : i32 to index
        %swap3A_177 = tpu.vector_load %arg5[%swap3A_174, %swap3A_175, %swap3A_176] {strides = array<i32>} : memref<2x8x3072xf32, #tpu.memory_space<vmem>>, vector<16xf32>,
        tpu.vector_store %arg5[%swap3A_174, %swap3A_175, %swap3A_176], %broadcast_in_dim3A_10 {strides = array<i32>} : memref<2x8x3072xf32, #tpu.memory_space<vmem>>, vector<16xf32>,
        %scan3A_178 = arith.constant 1 : i32
        %scan3A_179 = arith.addi %scan3A_114, %scan3A_178 : i32
        %mul3A_180 = arith.constant 16 : i32
        %mul3A_181 = arith.muli %scan3A_179, %mul3A_180 : i32
        %swap3A_182 = arith.constant 1 : i32
        %swap3A_183 = arith.constant 0 : i32
        %swap3A_184 = arith.index_cast %swap3A_182 : i32 to index
        %swap3A_185 = arith.index_cast %swap3A_183 : i32 to index
        %swap3A_186 = arith.index_cast %mul3A_181 : i32 to index
        %swap3A_187 = tpu.vector_load %arg5[%swap3A_184, %swap3A_185, %swap3A_186] {strides = array<i32>} : memref<2x8x3072xf32, #tpu.memory_space<vmem>>, vector<16xf32>,
        tpu.vector_store %arg5[%swap3A_184, %swap3A_185, %swap3A_186], %broadcast_in_dim3A_10 {strides = array<i32>} : memref<2x8x3072xf32, #tpu.memory_space<vmem>>, vector<16xf32>,
        %mul3A_188 = arith.constant 16 : i32
        %mul3A_189 = arith.muli %scan3A_179, %mul3A_188 : i32
        %swap3A_190 = arith.constant 1 : i32
        %swap3A_191 = arith.constant 1 : i32
        %swap3A_192 = arith.index_cast %swap3A_190 : i32 to index
        %swap3A_193 = arith.index_cast %swap3A_191 : i32 to index
        %swap3A_194 = arith.index_cast %mul3A_189 : i32 to index
        %swap3A_195 = tpu.vector_load %arg5[%swap3A_192, %swap3A_193, %swap3A_194] {strides = array<i32>} : memref<2x8x3072xf32, #tpu.memory_space<vmem>>, vector<16xf32>,
        tpu.vector_store %arg5[%swap3A_192, %swap3A_193, %swap3A_194], %broadcast_in_dim3A_10 {strides = array<i32>} : memref<2x8x3072xf32, #tpu.memory_space<vmem>>, vector<16xf32>,
        %mul3A_196 = arith.constant 16 : i32
        %mul3A_197 = arith.muli %scan3A_179, %mul3A_196 : i32
        %swap3A_198 = arith.constant 1 : i32
        %swap3A_199 = arith.constant 2 : i32
        %swap3A_200 = arith.index_cast %swap3A_198 : i32 to index
        %swap3A_201 = arith.index_cast %swap3A_199 : i32 to index
        %swap3A_202 = arith.index_cast %mul3A_197 : i32 to index
        %swap3A_203 = tpu.vector_load %arg5[%swap3A_200, %swap3A_201, %swap3A_202] {strides = array<i32>} : memref<2x8x3072xf32, #tpu.memory_space<vmem>>, vector<16xf32>,
        tpu.vector_store %arg5[%swap3A_200, %swap3A_201, %swap3A_202], %broadcast_in_dim3A_10 {strides = array<i32>} : memref<2x8x3072xf32, #tpu.memory_space<vmem>>, vector<16xf32>,
        %mul3A_204 = arith.constant 16 : i32
        %mul3A_205 = arith.muli %scan3A_179, %mul3A_204 : i32
        %swap3A_206 = arith.constant 1 : i32
        %swap3A_207 = arith.constant 3 : i32
        %swap3A_208 = arith.index_cast %swap3A_206 : i32 to index
        %swap3A_209 = arith.index_cast %swap3A_207 : i32 to index
        %swap3A_210 = arith.index_cast %mul3A_205 : i32 to index
        %swap3A_211 = tpu.vector_load %arg5[%swap3A_208, %swap3A_209, %swap3A_210] {strides = array<i32>} : memref<2x8x3072xf32, #tpu.memory_space<vmem>>, vector<16xf32>,
        tpu.vector_store %arg5[%swap3A_208, %swap3A_209, %swap3A_210], %broadcast_in_dim3A_10 {strides = array<i32>} : memref<2x8x3072xf32, #tpu.memory_space<vmem>>, vector<16xf32>,
        %mul3A_212 = arith.constant 16 : i32
        %mul3A_213 = arith.muli %scan3A_179, %mul3A_212 : i32
        %swap3A_214 = arith.constant 1 : i32
        %swap3A_215 = arith.constant 4 : i32
        %swap3A_216 = arith.index_cast %swap3A_214 : i32 to index
        %swap3A_217 = arith.index_cast %swap3A_215 : i32 to index
        %swap3A_218 = arith.index_cast %mul3A_213 : i32 to index
        %swap3A_219 = tpu.vector_load %arg5[%swap3A_216, %swap3A_217, %swap3A_218] {strides = array<i32>} : memref<2x8x3072xf32, #tpu.memory_space<vmem>>, vector<16xf32>,
        tpu.vector_store %arg5[%swap3A_216, %swap3A_217, %swap3A_218], %broadcast_in_dim3A_10 {strides = array<i32>} : memref<2x8x3072xf32, #tpu.memory_space<vmem>>, vector<16xf32>,
        %mul3A_220 = arith.constant 16 : i32
        %mul3A_221 = arith.muli %scan3A_179, %mul3A_220 : i32
        %swap3A_222 = arith.constant 1 : i32
        %swap3A_223 = arith.constant 5 : i32
        %swap3A_224 = arith.index_cast %swap3A_222 : i32 to index
        %swap3A_225 = arith.index_cast %swap3A_223 : i32 to index
        %swap3A_226 = arith.index_cast %mul3A_221 : i32 to index
        %swap3A_227 = tpu.vector_load %arg5[%swap3A_224, %swap3A_225, %swap3A_226] {strides = array<i32>} : memref<2x8x3072xf32, #tpu.memory_space<vmem>>, vector<16xf32>,
        tpu.vector_store %arg5[%swap3A_224, %swap3A_225, %swap3A_226], %broadcast_in_dim3A_10 {strides = array<i32>} : memref<2x8x3072xf32, #tpu.memory_space<vmem>>, vector<16xf32>,
        %mul3A_228 = arith.constant 16 : i32
        %mul3A_229 = arith.muli %scan3A_179, %mul3A_228 : i32
        %swap3A_230 = arith.constant 1 : i32
        %swap3A_231 = arith.constant 6 : i32
        %swap3A_232 = arith.index_cast %swap3A_230 : i32 to index
        %swap3A_233 = arith.index_cast %swap3A_231 : i32 to index
        %swap3A_234 = arith.index_cast %mul3A_229 : i32 to index
        %swap3A_235 = tpu.vector_load %arg5[%swap3A_232, %swap3A_233, %swap3A_234] {strides = array<i32>} : memref<2x8x3072xf32, #tpu.memory_space<vmem>>, vector<16xf32>,
        tpu.vector_store %arg5[%swap3A_232, %swap3A_233, %swap3A_234], %broadcast_in_dim3A_10 {strides = array<i32>} : memref<2x8x3072xf32, #tpu.memory_space<vmem>>, vector<16xf32>,
        %mul3A_236 = arith.constant 16 : i32
        %mul3A_237 = arith.muli %scan3A_179, %mul3A_236 : i32
        %swap3A_238 = arith.constant 1 : i32
        %swap3A_239 = arith.constant 7 : i32
        %swap3A_240 = arith.index_cast %swap3A_238 : i32 to index
        %swap3A_241 = arith.index_cast %swap3A_239 : i32 to index
        %swap3A_242 = arith.index_cast %mul3A_237 : i32 to index
        %swap3A_243 = tpu.vector_load %arg5[%swap3A_240, %swap3A_241, %swap3A_242] {strides = array<i32>} : memref<2x8x3072xf32, #tpu.memory_space<vmem>>, vector<16xf32>,
        tpu.vector_store %arg5[%swap3A_240, %swap3A_241, %swap3A_242], %broadcast_in_dim3A_10 {strides = array<i32>} : memref<2x8x3072xf32, #tpu.memory_space<vmem>>, vector<16xf32>,
        %scan3A_244 = arith.constant 2 : i32
        %scan3A_245 = arith.addi %scan3A_114, %scan3A_244 : i32
        %mul3A_246 = arith.constant 16 : i32
        %mul3A_247 = arith.muli %scan3A_245, %mul3A_246 : i32
        %swap3A_248 = arith.constant 1 : i32
        %swap3A_249 = arith.constant 0 : i32
        %swap3A_250 = arith.index_cast %swap3A_248 : i32 to index
        %swap3A_251 = arith.index_cast %swap3A_249 : i32 to index
        %swap3A_252 = arith.index_cast %mul3A_247 : i32 to index
        %swap3A_253 = tpu.vector_load %arg5[%swap3A_250, %swap3A_251, %swap3A_252] {strides = array<i32>} : memref<2x8x3072xf32, #tpu.memory_space<vmem>>, vector<16xf32>,
        tpu.vector_store %arg5[%swap3A_250, %swap3A_251, %swap3A_252], %broadcast_in_dim3A_10 {strides = array<i32>} : memref<2x8x3072xf32, #tpu.memory_space<vmem>>, vector<16xf32>,
        %mul3A_254 = arith.constant 16 : i32
        %mul3A_255 = arith.muli %scan3A_245, %mul3A_254 : i32
        %swap3A_256 = arith.constant 1 : i32
        %swap3A_257 = arith.constant 1 : i32
        %swap3A_258 = arith.index_cast %swap3A_256 : i32 to index
        %swap3A_259 = arith.index_cast %swap3A_257 : i32 to index
        %swap3A_260 = arith.index_cast %mul3A_255 : i32 to index
        %swap3A_261 = tpu.vector_load %arg5[%swap3A_258, %swap3A_259, %swap3A_260] {strides = array<i32>} : memref<2x8x3072xf32, #tpu.memory_space<vmem>>, vector<16xf32>,
        tpu.vector_store %arg5[%swap3A_258, %swap3A_259, %swap3A_260], %broadcast_in_dim3A_10 {strides = array<i32>} : memref<2x8x3072xf32, #tpu.memory_space<vmem>>, vector<16xf32>,
        %mul3A_262 = arith.constant 16 : i32
        %mul3A_263 = arith.muli %scan3A_245, %mul3A_262 : i32
        %swap3A_264 = arith.constant 1 : i32
        %swap3A_265 = arith.constant 2 : i32
        %swap3A_266 = arith.index_cast %swap3A_264 : i32 to index
        %swap3A_267 = arith.index_cast %swap3A_265 : i32 to index
        %swap3A_268 = arith.index_cast %mul3A_263 : i32 to index
        %swap3A_269 = tpu.vector_load %arg5[%swap3A_266, %swap3A_267, %swap3A_268] {strides = array<i32>} : memref<2x8x3072xf32, #tpu.memory_space<vmem>>, vector<16xf32>,
        tpu.vector_store %arg5[%swap3A_266, %swap3A_267, %swap3A_268], %broadcast_in_dim3A_10 {strides = array<i32>} : memref<2x8x3072xf32, #tpu.memory_space<vmem>>, vector<16xf32>,
        %mul3A_270 = arith.constant 16 : i32
        %mul3A_271 = arith.muli %scan3A_245, %mul3A_270 : i32
        %swap3A_272 = arith.constant 1 : i32
        %swap3A_273 = arith.constant 3 : i32
        %swap3A_274 = arith.index_cast %swap3A_272 : i32 to index
        %swap3A_275 = arith.index_cast %swap3A_273 : i32 to index
        %swap3A_276 = arith.index_cast %mul3A_271 : i32 to index
        %swap3A_277 = tpu.vector_load %arg5[%swap3A_274, %swap3A_275, %swap3A_276] {strides = array<i32>} : memref<2x8x3072xf32, #tpu.memory_space<vmem>>, vector<16xf32>,
        tpu.vector_store %arg5[%swap3A_274, %swap3A_275, %swap3A_276], %broadcast_in_dim3A_10 {strides = array<i32>} : memref<2x8x3072xf32, #tpu.memory_space<vmem>>, vector<16xf32>,
        %mul3A_278 = arith.constant 16 : i32
        %mul3A_279 = arith.muli %scan3A_245, %mul3A_278 : i32
        %swap3A_280 = arith.constant 1 : i32
        %swap3A_281 = arith.constant 4 : i32
        %swap3A_282 = arith.index_cast %swap3A_280 : i32 to index
        %swap3A_283 = arith.index_cast %swap3A_281 : i32 to index
        %swap3A_284 = arith.index_cast %mul3A_279 : i32 to index
        %swap3A_285 = tpu.vector_load %arg5[%swap3A_282, %swap3A_283, %swap3A_284] {strides = array<i32>} : memref<2x8x3072xf32, #tpu.memory_space<vmem>>, vector<16xf32>,
        tpu.vector_store %arg5[%swap3A_282, %swap3A_283, %swap3A_284], %broadcast_in_dim3A_10 {strides = array<i32>} : memref<2x8x3072xf32, #tpu.memory_space<vmem>>, vector<16xf32>,
        %mul3A_286 = arith.constant 16 : i32
        %mul3A_287 = arith.muli %scan3A_245, %mul3A_286 : i32
        %swap3A_288 = arith.constant 1 : i32
        %swap3A_289 = arith.constant 5 : i32
        %swap3A_290 = arith.index_cast %swap3A_288 : i32 to index
        %swap3A_291 = arith.index_cast %swap3A_289 : i32 to index
        %swap3A_292 = arith.index_cast %mul3A_287 : i32 to index
        %swap3A_293 = tpu.vector_load %arg5[%swap3A_290, %swap3A_291, %swap3A_292] {strides = array<i32>} : memref<2x8x3072xf32, #tpu.memory_space<vmem>>, vector<16xf32>,
        tpu.vector_store %arg5[%swap3A_290, %swap3A_291, %swap3A_292], %broadcast_in_dim3A_10 {strides = array<i32>} : memref<2x8x3072xf32, #tpu.memory_space<vmem>>, vector<16xf32>,
        %mul3A_294 = arith.constant 16 : i32
        %mul3A_295 = arith.muli %scan3A_245, %mul3A_294 : i32
        %swap3A_296 = arith.constant 1 : i32
        %swap3A_297 = arith.constant 6 : i32
        %swap3A_298 = arith.index_cast %swap3A_296 : i32 to index
        %swap3A_299 = arith.index_cast %swap3A_297 : i32 to index
        %swap3A_300 = arith.index_cast %mul3A_295 : i32 to index
        %swap3A_301 = tpu.vector_load %arg5[%swap3A_298, %swap3A_299, %swap3A_300] {strides = array<i32>} : memref<2x8x3072xf32, #tpu.memory_space<vmem>>, vector<16xf32>,
        tpu.vector_store %arg5[%swap3A_298, %swap3A_299, %swap3A_300], %broadcast_in_dim3A_10 {strides = array<i32>} : memref<2x8x3072xf32, #tpu.memory_space<vmem>>, vector<16xf32>,
        %mul3A_302 = arith.constant 16 : i32
        %mul3A_303 = arith.muli %scan3A_245, %mul3A_302 : i32
        %swap3A_304 = arith.constant 1 : i32
        %swap3A_305 = arith.constant 7 : i32
        %swap3A_306 = arith.index_cast %swap3A_304 : i32 to index
        %swap3A_307 = arith.index_cast %swap3A_305 : i32 to index
        %swap3A_308 = arith.index_cast %mul3A_303 : i32 to index
        %swap3A_309 = tpu.vector_load %arg5[%swap3A_306, %swap3A_307, %swap3A_308] {strides = array<i32>} : memref<2x8x3072xf32, #tpu.memory_space<vmem>>, vector<16xf32>,
        tpu.vector_store %arg5[%swap3A_306, %swap3A_307, %swap3A_308], %broadcast_in_dim3A_10 {strides = array<i32>} : memref<2x8x3072xf32, #tpu.memory_space<vmem>>, vector<16xf32>,
        %scan3A_310 = arith.constant 3 : i32
        %scan3A_311 = arith.addi %scan3A_114, %scan3A_310 : i32
        %mul3A_312 = arith.constant 16 : i32
        %mul3A_313 = arith.muli %scan3A_311, %mul3A_312 : i32
        %swap3A_314 = arith.constant 1 : i32
        %swap3A_315 = arith.constant 0 : i32
        %swap3A_316 = arith.index_cast %swap3A_314 : i32 to index
        %swap3A_317 = arith.index_cast %swap3A_315 : i32 to index
        %swap3A_318 = arith.index_cast %mul3A_313 : i32 to index
        %swap3A_319 = tpu.vector_load %arg5[%swap3A_316, %swap3A_317, %swap3A_318] {strides = array<i32>} : memref<2x8x3072xf32, #tpu.memory_space<vmem>>, vector<16xf32>,
        tpu.vector_store %arg5[%swap3A_316, %swap3A_317, %swap3A_318], %broadcast_in_dim3A_10 {strides = array<i32>} : memref<2x8x3072xf32, #tpu.memory_space<vmem>>, vector<16xf32>,
        %mul3A_320 = arith.constant 16 : i32
        %mul3A_321 = arith.muli %scan3A_311, %mul3A_320 : i32
        %swap3A_322 = arith.constant 1 : i32
        %swap3A_323 = arith.constant 1 : i32
        %swap3A_324 = arith.index_cast %swap3A_322 : i32 to index
        %swap3A_325 = arith.index_cast %swap3A_323 : i32 to index
        %swap3A_326 = arith.index_cast %mul3A_321 : i32 to index
        %swap3A_327 = tpu.vector_load %arg5[%swap3A_324, %swap3A_325, %swap3A_326] {strides = array<i32>} : memref<2x8x3072xf32, #tpu.memory_space<vmem>>, vector<16xf32>,
        tpu.vector_store %arg5[%swap3A_324, %swap3A_325, %swap3A_326], %broadcast_in_dim3A_10 {strides = array<i32>} : memref<2x8x3072xf32, #tpu.memory_space<vmem>>, vector<16xf32>,
        %mul3A_328 = arith.constant 16 : i32
        %mul3A_329 = arith.muli %scan3A_311, %mul3A_328 : i32
        %swap3A_330 = arith.constant 1 : i32
        %swap3A_331 = arith.constant 2 : i32
        %swap3A_332 = arith.index_cast %swap3A_330 : i32 to index
        %swap3A_333 = arith.index_cast %swap3A_331 : i32 to index
        %swap3A_334 = arith.index_cast %mul3A_329 : i32 to index
        %swap3A_335 = tpu.vector_load %arg5[%swap3A_332, %swap3A_333, %swap3A_334] {strides = array<i32>} : memref<2x8x3072xf32, #tpu.memory_space<vmem>>, vector<16xf32>,
        tpu.vector_store %arg5[%swap3A_332, %swap3A_333, %swap3A_334], %broadcast_in_dim3A_10 {strides = array<i32>} : memref<2x8x3072xf32, #tpu.memory_space<vmem>>, vector<16xf32>,
        %mul3A_336 = arith.constant 16 : i32
        %mul3A_337 = arith.muli %scan3A_311, %mul3A_336 : i32
        %swap3A_338 = arith.constant 1 : i32
        %swap3A_339 = arith.constant 3 : i32
        %swap3A_340 = arith.index_cast %swap3A_338 : i32 to index
        %swap3A_341 = arith.index_cast %swap3A_339 : i32 to index
        %swap3A_342 = arith.index_cast %mul3A_337 : i32 to index
        %swap3A_343 = tpu.vector_load %arg5[%swap3A_340, %swap3A_341, %swap3A_342] {strides = array<i32>} : memref<2x8x3072xf32, #tpu.memory_space<vmem>>, vector<16xf32>,
        tpu.vector_store %arg5[%swap3A_340, %swap3A_341, %swap3A_342], %broadcast_in_dim3A_10 {strides = array<i32>} : memref<2x8x3072xf32, #tpu.memory_space<vmem>>, vector<16xf32>,
        %mul3A_344 = arith.constant 16 : i32
        %mul3A_345 = arith.muli %scan3A_311, %mul3A_344 : i32
        %swap3A_346 = arith.constant 1 : i32
        %swap3A_347 = arith.constant 4 : i32
        %swap3A_348 = arith.index_cast %swap3A_346 : i32 to index
        %swap3A_349 = arith.index_cast %swap3A_347 : i32 to index
        %swap3A_350 = arith.index_cast %mul3A_345 : i32 to index
        %swap3A_351 = tpu.vector_load %arg5[%swap3A_348, %swap3A_349, %swap3A_350] {strides = array<i32>} : memref<2x8x3072xf32, #tpu.memory_space<vmem>>, vector<16xf32>,
        tpu.vector_store %arg5[%swap3A_348, %swap3A_349, %swap3A_350], %broadcast_in_dim3A_10 {strides = array<i32>} : memref<2x8x3072xf32, #tpu.memory_space<vmem>>, vector<16xf32>,
        %mul3A_352 = arith.constant 16 : i32
        %mul3A_353 = arith.muli %scan3A_311, %mul3A_352 : i32
        %swap3A_354 = arith.constant 1 : i32
        %swap3A_355 = arith.constant 5 : i32
        %swap3A_356 = arith.index_cast %swap3A_354 : i32 to index
        %swap3A_357 = arith.index_cast %swap3A_355 : i32 to index
        %swap3A_358 = arith.index_cast %mul3A_353 : i32 to index
        %swap3A_359 = tpu.vector_load %arg5[%swap3A_356, %swap3A_357, %swap3A_358] {strides = array<i32>} : memref<2x8x3072xf32, #tpu.memory_space<vmem>>, vector<16xf32>,
        tpu.vector_store %arg5[%swap3A_356, %swap3A_357, %swap3A_358], %broadcast_in_dim3A_10 {strides = array<i32>} : memref<2x8x3072xf32, #tpu.memory_space<vmem>>, vector<16xf32>,
        %mul3A_360 = arith.constant 16 : i32
        %mul3A_361 = arith.muli %scan3A_311, %mul3A_360 : i32
        %swap3A_362 = arith.constant 1 : i32
        %swap3A_363 = arith.constant 6 : i32
        %swap3A_364 = arith.index_cast %swap3A_362 : i32 to index
        %swap3A_365 = arith.index_cast %swap3A_363 : i32 to index
        %swap3A_366 = arith.index_cast %mul3A_361 : i32 to index
        %swap3A_367 = tpu.vector_load %arg5[%swap3A_364, %swap3A_365, %swap3A_366] {strides = array<i32>} : memref<2x8x3072xf32, #tpu.memory_space<vmem>>, vector<16xf32>,
        tpu.vector_store %arg5[%swap3A_364, %swap3A_365, %swap3A_366], %broadcast_in_dim3A_10 {strides = array<i32>} : memref<2x8x3072xf32, #tpu.memory_space<vmem>>, vector<16xf32>,
        %mul3A_368 = arith.constant 16 : i32
        %mul3A_369 = arith.muli %scan3A_311, %mul3A_368 : i32
        %swap3A_370 = arith.constant 1 : i32
        %swap3A_371 = arith.constant 7 : i32
        %swap3A_372 = arith.index_cast %swap3A_370 : i32 to index
        %swap3A_373 = arith.index_cast %swap3A_371 : i32 to index
        %swap3A_374 = arith.index_cast %mul3A_369 : i32 to index
        %swap3A_375 = tpu.vector_load %arg5[%swap3A_372, %swap3A_373, %swap3A_374] {strides = array<i32>} : memref<2x8x3072xf32, #tpu.memory_space<vmem>>, vector<16xf32>,
        tpu.vector_store %arg5[%swap3A_372, %swap3A_373, %swap3A_374], %broadcast_in_dim3A_10 {strides = array<i32>} : memref<2x8x3072xf32, #tpu.memory_space<vmem>>, vector<16xf32>,
        %scan3A_376 = arith.constant 4 : i32
        %scan3A_377 = arith.addi %scan3A_114, %scan3A_376 : i32
        %mul3A_378 = arith.constant 16 : i32
        %mul3A_379 = arith.muli %scan3A_377, %mul3A_378 : i32
        %swap3A_380 = arith.constant 1 : i32
        %swap3A_381 = arith.constant 0 : i32
        %swap3A_382 = arith.index_cast %swap3A_380 : i32 to index
        %swap3A_383 = arith.index_cast %swap3A_381 : i32 to index
        %swap3A_384 = arith.index_cast %mul3A_379 : i32 to index
        %swap3A_385 = tpu.vector_load %arg5[%swap3A_382, %swap3A_383, %swap3A_384] {strides = array<i32>} : memref<2x8x3072xf32, #tpu.memory_space<vmem>>, vector<16xf32>,
        tpu.vector_store %arg5[%swap3A_382, %swap3A_383, %swap3A_384], %broadcast_in_dim3A_10 {strides = array<i32>} : memref<2x8x3072xf32, #tpu.memory_space<vmem>>, vector<16xf32>,
        %mul3A_386 = arith.constant 16 : i32
        %mul3A_387 = arith.muli %scan3A_377, %mul3A_386 : i32
        %swap3A_388 = arith.constant 1 : i32
        %swap3A_389 = arith.constant 1 : i32
        %swap3A_390 = arith.index_cast %swap3A_388 : i32 to index
        %swap3A_391 = arith.index_cast %swap3A_389 : i32 to index
        %swap3A_392 = arith.index_cast %mul3A_387 : i32 to index
        %swap3A_393 = tpu.vector_load %arg5[%swap3A_390, %swap3A_391, %swap3A_392] {strides = array<i32>} : memref<2x8x3072xf32, #tpu.memory_space<vmem>>, vector<16xf32>,
        tpu.vector_store %arg5[%swap3A_390, %swap3A_391, %swap3A_392], %broadcast_in_dim3A_10 {strides = array<i32>} : memref<2x8x3072xf32, #tpu.memory_space<vmem>>, vector<16xf32>,
        %mul3A_394 = arith.constant 16 : i32
        %mul3A_395 = arith.muli %scan3A_377, %mul3A_394 : i32
        %swap3A_396 = arith.constant 1 : i32
        %swap3A_397 = arith.constant 2 : i32
        %swap3A_398 = arith.index_cast %swap3A_396 : i32 to index
        %swap3A_399 = arith.index_cast %swap3A_397 : i32 to index
        %swap3A_400 = arith.index_cast %mul3A_395 : i32 to index
        %swap3A_401 = tpu.vector_load %arg5[%swap3A_398, %swap3A_399, %swap3A_400] {strides = array<i32>} : memref<2x8x3072xf32, #tpu.memory_space<vmem>>, vector<16xf32>,
        tpu.vector_store %arg5[%swap3A_398, %swap3A_399, %swap3A_400], %broadcast_in_dim3A_10 {strides = array<i32>} : memref<2x8x3072xf32, #tpu.memory_space<vmem>>, vector<16xf32>,
        %mul3A_402 = arith.constant 16 : i32
        %mul3A_403 = arith.muli %scan3A_377, %mul3A_402 : i32
        %swap3A_404 = arith.constant 1 : i32
        %swap3A_405 = arith.constant 3 : i32
        %swap3A_406 = arith.index_cast %swap3A_404 : i32 to index
        %swap3A_407 = arith.index_cast %swap3A_405 : i32 to index
        %swap3A_408 = arith.index_cast %mul3A_403 : i32 to index
        %swap3A_409 = tpu.vector_load %arg5[%swap3A_406, %swap3A_407, %swap3A_408] {strides = array<i32>} : memref<2x8x3072xf32, #tpu.memory_space<vmem>>, vector<16xf32>,
        tpu.vector_store %arg5[%swap3A_406, %swap3A_407, %swap3A_408], %broadcast_in_dim3A_10 {strides = array<i32>} : memref<2x8x3072xf32, #tpu.memory_space<vmem>>, vector<16xf32>,
        %mul3A_410 = arith.constant 16 : i32
        %mul3A_411 = arith.muli %scan3A_377, %mul3A_410 : i32
        %swap3A_412 = arith.constant 1 : i32
        %swap3A_413 = arith.constant 4 : i32
        %swap3A_414 = arith.index_cast %swap3A_412 : i32 to index
        %swap3A_415 = arith.index_cast %swap3A_413 : i32 to index
        %swap3A_416 = arith.index_cast %mul3A_411 : i32 to index
        %swap3A_417 = tpu.vector_load %arg5[%swap3A_414, %swap3A_415, %swap3A_416] {strides = array<i32>} : memref<2x8x3072xf32, #tpu.memory_space<vmem>>, vector<16xf32>,
        tpu.vector_store %arg5[%swap3A_414, %swap3A_415, %swap3A_416], %broadcast_in_dim3A_10 {strides = array<i32>} : memref<2x8x3072xf32, #tpu.memory_space<vmem>>, vector<16xf32>,
        %mul3A_418 = arith.constant 16 : i32
        %mul3A_419 = arith.muli %scan3A_377, %mul3A_418 : i32
        %swap3A_420 = arith.constant 1 : i32
        %swap3A_421 = arith.constant 5 : i32
        %swap3A_422 = arith.index_cast %swap3A_420 : i32 to index
        %swap3A_423 = arith.index_cast %swap3A_421 : i32 to index
        %swap3A_424 = arith.index_cast %mul3A_419 : i32 to index
        %swap3A_425 = tpu.vector_load %arg5[%swap3A_422, %swap3A_423, %swap3A_424] {strides = array<i32>} : memref<2x8x3072xf32, #tpu.memory_space<vmem>>, vector<16xf32>,
        tpu.vector_store %arg5[%swap3A_422, %swap3A_423, %swap3A_424], %broadcast_in_dim3A_10 {strides = array<i32>} : memref<2x8x3072xf32, #tpu.memory_space<vmem>>, vector<16xf32>,
        %mul3A_426 = arith.constant 16 : i32
        %mul3A_427 = arith.muli %scan3A_377, %mul3A_426 : i32
        %swap3A_428 = arith.constant 1 : i32
        %swap3A_429 = arith.constant 6 : i32
        %swap3A_430 = arith.index_cast %swap3A_428 : i32 to index
        %swap3A_431 = arith.index_cast %swap3A_429 : i32 to index
        %swap3A_432 = arith.index_cast %mul3A_427 : i32 to index
        %swap3A_433 = tpu.vector_load %arg5[%swap3A_430, %swap3A_431, %swap3A_432] {strides = array<i32>} : memref<2x8x3072xf32, #tpu.memory_space<vmem>>, vector<16xf32>,
        tpu.vector_store %arg5[%swap3A_430, %swap3A_431, %swap3A_432], %broadcast_in_dim3A_10 {strides = array<i32>} : memref<2x8x3072xf32, #tpu.memory_space<vmem>>, vector<16xf32>,
        %mul3A_434 = arith.constant 16 : i32
        %mul3A_435 = arith.muli %scan3A_377, %mul3A_434 : i32
        %swap3A_436 = arith.constant 1 : i32
        %swap3A_437 = arith.constant 7 : i32
        %swap3A_438 = arith.index_cast %swap3A_436 : i32 to index
        %swap3A_439 = arith.index_cast %swap3A_437 : i32 to index
        %swap3A_440 = arith.index_cast %mul3A_435 : i32 to index
        %swap3A_441 = tpu.vector_load %arg5[%swap3A_438, %swap3A_439, %swap3A_440] {strides = array<i32>} : memref<2x8x3072xf32, #tpu.memory_space<vmem>>, vector<16xf32>,
        tpu.vector_store %arg5[%swap3A_438, %swap3A_439, %swap3A_440], %broadcast_in_dim3A_10 {strides = array<i32>} : memref<2x8x3072xf32, #tpu.memory_space<vmem>>, vector<16xf32>,
        %scan3A_442 = arith.constant 5 : i32
        %scan3A_443 = arith.addi %scan3A_114, %scan3A_442 : i32
        %mul3A_444 = arith.constant 16 : i32
        %mul3A_445 = arith.muli %scan3A_443, %mul3A_444 : i32
        %swap3A_446 = arith.constant 1 : i32
        %swap3A_447 = arith.constant 0 : i32
        %swap3A_448 = arith.index_cast %swap3A_446 : i32 to index
        %swap3A_449 = arith.index_cast %swap3A_447 : i32 to index
        %swap3A_450 = arith.index_cast %mul3A_445 : i32 to index
        %swap3A_451 = tpu.vector_load %arg5[%swap3A_448, %swap3A_449, %swap3A_450] {strides = array<i32>} : memref<2x8x3072xf32, #tpu.memory_space<vmem>>, vector<16xf32>,
        tpu.vector_store %arg5[%swap3A_448, %swap3A_449, %swap3A_450], %broadcast_in_dim3A_10 {strides = array<i32>} : memref<2x8x3072xf32, #tpu.memory_space<vmem>>, vector<16xf32>,
        %mul3A_452 = arith.constant 16 : i32
        %mul3A_453 = arith.muli %scan3A_443, %mul3A_452 : i32
        %swap3A_454 = arith.constant 1 : i32
        %swap3A_455 = arith.constant 1 : i32
        %swap3A_456 = arith.index_cast %swap3A_454 : i32 to index
        %swap3A_457 = arith.index_cast %swap3A_455 : i32 to index
        %swap3A_458 = arith.index_cast %mul3A_453 : i32 to index
        %swap3A_459 = tpu.vector_load %arg5[%swap3A_456, %swap3A_457, %swap3A_458] {strides = array<i32>} : memref<2x8x3072xf32, #tpu.memory_space<vmem>>, vector<16xf32>,
        tpu.vector_store %arg5[%swap3A_456, %swap3A_457, %swap3A_458], %broadcast_in_dim3A_10 {strides = array<i32>} : memref<2x8x3072xf32, #tpu.memory_space<vmem>>, vector<16xf32>,
        %mul3A_460 = arith.constant 16 : i32
        %mul3A_461 = arith.muli %scan3A_443, %mul3A_460 : i32
        %swap3A_462 = arith.constant 1 : i32
        %swap3A_463 = arith.constant 2 : i32
        %swap3A_464 = arith.index_cast %swap3A_462 : i32 to index
        %swap3A_465 = arith.index_cast %swap3A_463 : i32 to index
        %swap3A_466 = arith.index_cast %mul3A_461 : i32 to index
        %swap3A_467 = tpu.vector_load %arg5[%swap3A_464, %swap3A_465, %swap3A_466] {strides = array<i32>} : memref<2x8x3072xf32, #tpu.memory_space<vmem>>, vector<16xf32>,
        tpu.vector_store %arg5[%swap3A_464, %swap3A_465, %swap3A_466], %broadcast_in_dim3A_10 {strides = array<i32>} : memref<2x8x3072xf32, #tpu.memory_space<vmem>>, vector<16xf32>,
        %mul3A_468 = arith.constant 16 : i32
        %mul3A_469 = arith.muli %scan3A_443, %mul3A_468 : i32
        %swap3A_470 = arith.constant 1 : i32
        %swap3A_471 = arith.constant 3 : i32
        %swap3A_472 = arith.index_cast %swap3A_470 : i32 to index
        %swap3A_473 = arith.index_cast %swap3A_471 : i32 to index
        %swap3A_474 = arith.index_cast %mul3A_469 : i32 to index
        %swap3A_475 = tpu.vector_load %arg5[%swap3A_472, %swap3A_473, %swap3A_474] {strides = array<i32>} : memref<2x8x3072xf32, #tpu.memory_space<vmem>>, vector<16xf32>,
        tpu.vector_store %arg5[%swap3A_472, %swap3A_473, %swap3A_474], %broadcast_in_dim3A_10 {strides = array<i32>} : memref<2x8x3072xf32, #tpu.memory_space<vmem>>, vector<16xf32>,
        %mul3A_476 = arith.constant 16 : i32
        %mul3A_477 = arith.muli %scan3A_443, %mul3A_476 : i32
        %swap3A_478 = arith.constant 1 : i32
        %swap3A_479 = arith.constant 4 : i32
        %swap3A_480 = arith.index_cast %swap3A_478 : i32 to index
        %swap3A_481 = arith.index_cast %swap3A_479 : i32 to index
        %swap3A_482 = arith.index_cast %mul3A_477 : i32 to index
        %swap3A_483 = tpu.vector_load %arg5[%swap3A_480, %swap3A_481, %swap3A_482] {strides = array<i32>} : memref<2x8x3072xf32, #tpu.memory_space<vmem>>, vector<16xf32>,
        tpu.vector_store %arg5[%swap3A_480, %swap3A_481, %swap3A_482], %broadcast_in_dim3A_10 {strides = array<i32>} : memref<2x8x3072xf32, #tpu.memory_space<vmem>>, vector<16xf32>,
        %mul3A_484 = arith.constant 16 : i32
        %mul3A_485 = arith.muli %scan3A_443, %mul3A_484 : i32
        %swap3A_486 = arith.constant 1 : i32
        %swap3A_487 = arith.constant 5 : i32
        %swap3A_488 = arith.index_cast %swap3A_486 : i32 to index
        %swap3A_489 = arith.index_cast %swap3A_487 : i32 to index
        %swap3A_490 = arith.index_cast %mul3A_485 : i32 to index
        %swap3A_491 = tpu.vector_load %arg5[%swap3A_488, %swap3A_489, %swap3A_490] {strides = array<i32>} : memref<2x8x3072xf32, #tpu.memory_space<vmem>>, vector<16xf32>,
        tpu.vector_store %arg5[%swap3A_488, %swap3A_489, %swap3A_490], %broadcast_in_dim3A_10 {strides = array<i32>} : memref<2x8x3072xf32, #tpu.memory_space<vmem>>, vector<16xf32>,
        %mul3A_492 = arith.constant 16 : i32
        %mul3A_493 = arith.muli %scan3A_443, %mul3A_492 : i32
        %swap3A_494 = arith.constant 1 : i32
        %swap3A_495 = arith.constant 6 : i32
        %swap3A_496 = arith.index_cast %swap3A_494 : i32 to index
        %swap3A_497 = arith.index_cast %swap3A_495 : i32 to index
        %swap3A_498 = arith.index_cast %mul3A_493 : i32 to index
        %swap3A_499 = tpu.vector_load %arg5[%swap3A_496, %swap3A_497, %swap3A_498] {strides = array<i32>} : memref<2x8x3072xf32, #tpu.memory_space<vmem>>, vector<16xf32>,
        tpu.vector_store %arg5[%swap3A_496, %swap3A_497, %swap3A_498], %broadcast_in_dim3A_10 {strides = array<i32>} : memref<2x8x3072xf32, #tpu.memory_space<vmem>>, vector<16xf32>,
        %mul3A_500 = arith.constant 16 : i32
        %mul3A_501 = arith.muli %scan3A_443, %mul3A_500 : i32
        %swap3A_502 = arith.constant 1 : i32
        %swap3A_503 = arith.constant 7 : i32
        %swap3A_504 = arith.index_cast %swap3A_502 : i32 to index
        %swap3A_505 = arith.index_cast %swap3A_503 : i32 to index
        %swap3A_506 = arith.index_cast %mul3A_501 : i32 to index
        %swap3A_507 = tpu.vector_load %arg5[%swap3A_504, %swap3A_505, %swap3A_506] {strides = array<i32>} : memref<2x8x3072xf32, #tpu.memory_space<vmem>>, vector<16xf32>,
        tpu.vector_store %arg5[%swap3A_504, %swap3A_505, %swap3A_506], %broadcast_in_dim3A_10 {strides = array<i32>} : memref<2x8x3072xf32, #tpu.memory_space<vmem>>, vector<16xf32>,
        %scan3A_508 = arith.constant 6 : i32
        %scan3A_509 = arith.addi %scan3A_114, %scan3A_508 : i32
        %mul3A_510 = arith.constant 16 : i32
        %mul3A_511 = arith.muli %scan3A_509, %mul3A_510 : i32
        %swap3A_512 = arith.constant 1 : i32
        %swap3A_513 = arith.constant 0 : i32
        %swap3A_514 = arith.index_cast %swap3A_512 : i32 to index
        %swap3A_515 = arith.index_cast %swap3A_513 : i32 to index
        %swap3A_516 = arith.index_cast %mul3A_511 : i32 to index
        %swap3A_517 = tpu.vector_load %arg5[%swap3A_514, %swap3A_515, %swap3A_516] {strides = array<i32>} : memref<2x8x3072xf32, #tpu.memory_space<vmem>>, vector<16xf32>,
        tpu.vector_store %arg5[%swap3A_514, %swap3A_515, %swap3A_516], %broadcast_in_dim3A_10 {strides = array<i32>} : memref<2x8x3072xf32, #tpu.memory_space<vmem>>, vector<16xf32>,
        %mul3A_518 = arith.constant 16 : i32
        %mul3A_519 = arith.muli %scan3A_509, %mul3A_518 : i32
        %swap3A_520 = arith.constant 1 : i32
        %swap3A_521 = arith.constant 1 : i32
        %swap3A_522 = arith.index_cast %swap3A_520 : i32 to index
        %swap3A_523 = arith.index_cast %swap3A_521 : i32 to index
        %swap3A_524 = arith.index_cast %mul3A_519 : i32 to index
        %swap3A_525 = tpu.vector_load %arg5[%swap3A_522, %swap3A_523, %swap3A_524] {strides = array<i32>} : memref<2x8x3072xf32, #tpu.memory_space<vmem>>, vector<16xf32>,
        tpu.vector_store %arg5[%swap3A_522, %swap3A_523, %swap3A_524], %broadcast_in_dim3A_10 {strides = array<i32>} : memref<2x8x3072xf32, #tpu.memory_space<vmem>>, vector<16xf32>,
        %mul3A_526 = arith.constant 16 : i32
        %mul3A_527 = arith.muli %scan3A_509, %mul3A_526 : i32
        %swap3A_528 = arith.constant 1 : i32
        %swap3A_529 = arith.constant 2 : i32
        %swap3A_530 = arith.index_cast %swap3A_528 : i32 to index
        %swap3A_531 = arith.index_cast %swap3A_529 : i32 to index
        %swap3A_532 = arith.index_cast %mul3A_527 : i32 to index
        %swap3A_533 = tpu.vector_load %arg5[%swap3A_530, %swap3A_531, %swap3A_532] {strides = array<i32>} : memref<2x8x3072xf32, #tpu.memory_space<vmem>>, vector<16xf32>,
        tpu.vector_store %arg5[%swap3A_530, %swap3A_531, %swap3A_532], %broadcast_in_dim3A_10 {strides = array<i32>} : memref<2x8x3072xf32, #tpu.memory_space<vmem>>, vector<16xf32>,
        %mul3A_534 = arith.constant 16 : i32
        %mul3A_535 = arith.muli %scan3A_509, %mul3A_534 : i32
        %swap3A_536 = arith.constant 1 : i32
        %swap3A_537 = arith.constant 3 : i32
        %swap3A_538 = arith.index_cast %swap3A_536 : i32 to index
        %swap3A_539 = arith.index_cast %swap3A_537 : i32 to index
        %swap3A_540 = arith.index_cast %mul3A_535 : i32 to index
        %swap3A_541 = tpu.vector_load %arg5[%swap3A_538, %swap3A_539, %swap3A_540] {strides = array<i32>} : memref<2x8x3072xf32, #tpu.memory_space<vmem>>, vector<16xf32>,
        tpu.vector_store %arg5[%swap3A_538, %swap3A_539, %swap3A_540], %broadcast_in_dim3A_10 {strides = array<i32>} : memref<2x8x3072xf32, #tpu.memory_space<vmem>>, vector<16xf32>,
        %mul3A_542 = arith.constant 16 : i32
        %mul3A_543 = arith.muli %scan3A_509, %mul3A_542 : i32
        %swap3A_544 = arith.constant 1 : i32
        %swap3A_545 = arith.constant 4 : i32
        %swap3A_546 = arith.index_cast %swap3A_544 : i32 to index
        %swap3A_547 = arith.index_cast %swap3A_545 : i32 to index
        %swap3A_548 = arith.index_cast %mul3A_543 : i32 to index
        %swap3A_549 = tpu.vector_load %arg5[%swap3A_546, %swap3A_547, %swap3A_548] {strides = array<i32>} : memref<2x8x3072xf32, #tpu.memory_space<vmem>>, vector<16xf32>,
        tpu.vector_store %arg5[%swap3A_546, %swap3A_547, %swap3A_548], %broadcast_in_dim3A_10 {strides = array<i32>} : memref<2x8x3072xf32, #tpu.memory_space<vmem>>, vector<16xf32>,
        %mul3A_550 = arith.constant 16 : i32
        %mul3A_551 = arith.muli %scan3A_509, %mul3A_550 : i32
        %swap3A_552 = arith.constant 1 : i32
        %swap3A_553 = arith.constant 5 : i32
        %swap3A_554 = arith.index_cast %swap3A_552 : i32 to index
        %swap3A_555 = arith.index_cast %swap3A_553 : i32 to index
        %swap3A_556 = arith.index_cast %mul3A_551 : i32 to index
        %swap3A_557 = tpu.vector_load %arg5[%swap3A_554, %swap3A_555, %swap3A_556] {strides = array<i32>} : memref<2x8x3072xf32, #tpu.memory_space<vmem>>, vector<16xf32>,
        tpu.vector_store %arg5[%swap3A_554, %swap3A_555, %swap3A_556], %broadcast_in_dim3A_10 {strides = array<i32>} : memref<2x8x3072xf32, #tpu.memory_space<vmem>>, vector<16xf32>,
        %mul3A_558 = arith.constant 16 : i32
        %mul3A_559 = arith.muli %scan3A_509, %mul3A_558 : i32
        %swap3A_560 = arith.constant 1 : i32
        %swap3A_561 = arith.constant 6 : i32
        %swap3A_562 = arith.index_cast %swap3A_560 : i32 to index
        %swap3A_563 = arith.index_cast %swap3A_561 : i32 to index
        %swap3A_564 = arith.index_cast %mul3A_559 : i32 to index
        %swap3A_565 = tpu.vector_load %arg5[%swap3A_562, %swap3A_563, %swap3A_564] {strides = array<i32>} : memref<2x8x3072xf32, #tpu.memory_space<vmem>>, vector<16xf32>,
        tpu.vector_store %arg5[%swap3A_562, %swap3A_563, %swap3A_564], %broadcast_in_dim3A_10 {strides = array<i32>} : memref<2x8x3072xf32, #tpu.memory_space<vmem>>, vector<16xf32>,
        %mul3A_566 = arith.constant 16 : i32
        %mul3A_567 = arith.muli %scan3A_509, %mul3A_566 : i32
        %swap3A_568 = arith.constant 1 : i32
        %swap3A_569 = arith.constant 7 : i32
        %swap3A_570 = arith.index_cast %swap3A_568 : i32 to index
        %swap3A_571 = arith.index_cast %swap3A_569 : i32 to index
        %swap3A_572 = arith.index_cast %mul3A_567 : i32 to index
        %swap3A_573 = tpu.vector_load %arg5[%swap3A_570, %swap3A_571, %swap3A_572] {strides = array<i32>} : memref<2x8x3072xf32, #tpu.memory_space<vmem>>, vector<16xf32>,
        tpu.vector_store %arg5[%swap3A_570, %swap3A_571, %swap3A_572], %broadcast_in_dim3A_10 {strides = array<i32>} : memref<2x8x3072xf32, #tpu.memory_space<vmem>>, vector<16xf32>,
        %scan3A_574 = arith.constant 7 : i32
        %scan3A_575 = arith.addi %scan3A_114, %scan3A_574 : i32
        %mul3A_576 = arith.constant 16 : i32
        %mul3A_577 = arith.muli %scan3A_575, %mul3A_576 : i32
        %swap3A_578 = arith.constant 1 : i32
        %swap3A_579 = arith.constant 0 : i32
        %swap3A_580 = arith.index_cast %swap3A_578 : i32 to index
        %swap3A_581 = arith.index_cast %swap3A_579 : i32 to index
        %swap3A_582 = arith.index_cast %mul3A_577 : i32 to index
        %swap3A_583 = tpu.vector_load %arg5[%swap3A_580, %swap3A_581, %swap3A_582] {strides = array<i32>} : memref<2x8x3072xf32, #tpu.memory_space<vmem>>, vector<16xf32>,
        tpu.vector_store %arg5[%swap3A_580, %swap3A_581, %swap3A_582], %broadcast_in_dim3A_10 {strides = array<i32>} : memref<2x8x3072xf32, #tpu.memory_space<vmem>>, vector<16xf32>,
        %mul3A_584 = arith.constant 16 : i32
        %mul3A_585 = arith.muli %scan3A_575, %mul3A_584 : i32
        %swap3A_586 = arith.constant 1 : i32
        %swap3A_587 = arith.constant 1 : i32
        %swap3A_588 = arith.index_cast %swap3A_586 : i32 to index
        %swap3A_589 = arith.index_cast %swap3A_587 : i32 to index
        %swap3A_590 = arith.index_cast %mul3A_585 : i32 to index
        %swap3A_591 = tpu.vector_load %arg5[%swap3A_588, %swap3A_589, %swap3A_590] {strides = array<i32>} : memref<2x8x3072xf32, #tpu.memory_space<vmem>>, vector<16xf32>,
        tpu.vector_store %arg5[%swap3A_588, %swap3A_589, %swap3A_590], %broadcast_in_dim3A_10 {strides = array<i32>} : memref<2x8x3072xf32, #tpu.memory_space<vmem>>, vector<16xf32>,
        %mul3A_592 = arith.constant 16 : i32
        %mul3A_593 = arith.muli %scan3A_575, %mul3A_592 : i32
        %swap3A_594 = arith.constant 1 : i32
        %swap3A_595 = arith.constant 2 : i32
        %swap3A_596 = arith.index_cast %swap3A_594 : i32 to index
        %swap3A_597 = arith.index_cast %swap3A_595 : i32 to index
        %swap3A_598 = arith.index_cast %mul3A_593 : i32 to index
        %swap3A_599 = tpu.vector_load %arg5[%swap3A_596, %swap3A_597, %swap3A_598] {strides = array<i32>} : memref<2x8x3072xf32, #tpu.memory_space<vmem>>, vector<16xf32>,
        tpu.vector_store %arg5[%swap3A_596, %swap3A_597, %swap3A_598], %broadcast_in_dim3A_10 {strides = array<i32>} : memref<2x8x3072xf32, #tpu.memory_space<vmem>>, vector<16xf32>,
        %mul3A_600 = arith.constant 16 : i32
        %mul3A_601 = arith.muli %scan3A_575, %mul3A_600 : i32
        %swap3A_602 = arith.constant 1 : i32
        %swap3A_603 = arith.constant 3 : i32
        %swap3A_604 = arith.index_cast %swap3A_602 : i32 to index
        %swap3A_605 = arith.index_cast %swap3A_603 : i32 to index
        %swap3A_606 = arith.index_cast %mul3A_601 : i32 to index
        %swap3A_607 = tpu.vector_load %arg5[%swap3A_604, %swap3A_605, %swap3A_606] {strides = array<i32>} : memref<2x8x3072xf32, #tpu.memory_space<vmem>>, vector<16xf32>,
        tpu.vector_store %arg5[%swap3A_604, %swap3A_605, %swap3A_606], %broadcast_in_dim3A_10 {strides = array<i32>} : memref<2x8x3072xf32, #tpu.memory_space<vmem>>, vector<16xf32>,
        %mul3A_608 = arith.constant 16 : i32
        %mul3A_609 = arith.muli %scan3A_575, %mul3A_608 : i32
        %swap3A_610 = arith.constant 1 : i32
        %swap3A_611 = arith.constant 4 : i32
        %swap3A_612 = arith.index_cast %swap3A_610 : i32 to index
        %swap3A_613 = arith.index_cast %swap3A_611 : i32 to index
        %swap3A_614 = arith.index_cast %mul3A_609 : i32 to index
        %swap3A_615 = tpu.vector_load %arg5[%swap3A_612, %swap3A_613, %swap3A_614] {strides = array<i32>} : memref<2x8x3072xf32, #tpu.memory_space<vmem>>, vector<16xf32>,
        tpu.vector_store %arg5[%swap3A_612, %swap3A_613, %swap3A_614], %broadcast_in_dim3A_10 {strides = array<i32>} : memref<2x8x3072xf32, #tpu.memory_space<vmem>>, vector<16xf32>,
        %mul3A_616 = arith.constant 16 : i32
        %mul3A_617 = arith.muli %scan3A_575, %mul3A_616 : i32
        %swap3A_618 = arith.constant 1 : i32
        %swap3A_619 = arith.constant 5 : i32
        %swap3A_620 = arith.index_cast %swap3A_618 : i32 to index
        %swap3A_621 = arith.index_cast %swap3A_619 : i32 to index
        %swap3A_622 = arith.index_cast %mul3A_617 : i32 to index
        %swap3A_623 = tpu.vector_load %arg5[%swap3A_620, %swap3A_621, %swap3A_622] {strides = array<i32>} : memref<2x8x3072xf32, #tpu.memory_space<vmem>>, vector<16xf32>,
        tpu.vector_store %arg5[%swap3A_620, %swap3A_621, %swap3A_622], %broadcast_in_dim3A_10 {strides = array<i32>} : memref<2x8x3072xf32, #tpu.memory_space<vmem>>, vector<16xf32>,
        %mul3A_624 = arith.constant 16 : i32
        %mul3A_625 = arith.muli %scan3A_575, %mul3A_624 : i32
        %swap3A_626 = arith.constant 1 : i32
        %swap3A_627 = arith.constant 6 : i32
        %swap3A_628 = arith.index_cast %swap3A_626 : i32 to index
        %swap3A_629 = arith.index_cast %swap3A_627 : i32 to index
        %swap3A_630 = arith.index_cast %mul3A_625 : i32 to index
        %swap3A_631 = tpu.vector_load %arg5[%swap3A_628, %swap3A_629, %swap3A_630] {strides = array<i32>} : memref<2x8x3072xf32, #tpu.memory_space<vmem>>, vector<16xf32>,
        tpu.vector_store %arg5[%swap3A_628, %swap3A_629, %swap3A_630], %broadcast_in_dim3A_10 {strides = array<i32>} : memref<2x8x3072xf32, #tpu.memory_space<vmem>>, vector<16xf32>,
        %mul3A_632 = arith.constant 16 : i32
        %mul3A_633 = arith.muli %scan3A_575, %mul3A_632 : i32
        %swap3A_634 = arith.constant 1 : i32
        %swap3A_635 = arith.constant 7 : i32
        %swap3A_636 = arith.index_cast %swap3A_634 : i32 to index
        %swap3A_637 = arith.index_cast %swap3A_635 : i32 to index
        %swap3A_638 = arith.index_cast %mul3A_633 : i32 to index
        %swap3A_639 = tpu.vector_load %arg5[%swap3A_636, %swap3A_637, %swap3A_638] {strides = array<i32>} : memref<2x8x3072xf32, #tpu.memory_space<vmem>>, vector<16xf32>,
        tpu.vector_store %arg5[%swap3A_636, %swap3A_637, %swap3A_638], %broadcast_in_dim3A_10 {strides = array<i32>} : memref<2x8x3072xf32, #tpu.memory_space<vmem>>, vector<16xf32>,
      }
      %scan3A_89 = arith.constant 192 : i32
      %mul3A_90 = arith.constant 8 : i32
      %mul3A_91 = arith.muli %add3A_78, %mul3A_90 : i32
      %scan3A_92 = arith.constant 0 : i32
      %scan3A_93 = arith.constant 0 : i32
      %scan3A_94 = arith.constant 100 : i32
      %scan3A_95 = arith.addi %scan3A_93, %scan3A_94 : i32
      %scan3A_96 = arith.constant 4 : i32
      scf.for %scan3A_114 = %scan3A_93 to %scan3A_95 step %scan3A_96  : i32 {
        %mul3A_115 = arith.constant 2 : i32
        %mul3A_116 = arith.muli %mul3A_115, %scan3A_114 : i32
        %add3A_117 = vector.broadcast %mul3A_116 : i32 to vector<16xi32>
        %add3A_118 = arith.addi %shift_right_arithmetic3A_6, %add3A_117 : vector<16xi32>
        %add3A_119 = vector.broadcast %mul3A_91 : i32 to vector<16xi32>
        %add3A_120 = arith.addi %and3A_4, %add3A_119 : vector<16xi32>
        %gather3A = tpu.vector_load_idx %arg4[%mul3A_9, %add3A_118, %add3A_120] : memref<3x200x128xi32, #tpu.memory_space<vmem>>[vector<16xi32>, vector<16xi32>, vector<16xi32>], vector<16xi32>,
        %add3A_121 = arith.constant 1 : i32
        %add3A_122 = vector.broadcast %add3A_121 : i32 to vector<16xi32>
        %add3A_123 = arith.addi %mul3A_9, %add3A_122 : vector<16xi32>
        %gather3A_124 = tpu.vector_load_idx %arg4[%add3A_123, %add3A_118, %add3A_120] : memref<3x200x128xi32, #tpu.memory_space<vmem>>[vector<16xi32>, vector<16xi32>, vector<16xi32>], vector<16xi32>,
        %add3A_125 = arith.constant 2 : i32
        %add3A_126 = vector.broadcast %add3A_125 : i32 to vector<16xi32>
        %add3A_127 = arith.addi %mul3A_9, %add3A_126 : vector<16xi32>
        %gather3A_128 = tpu.vector_load_idx %arg4[%add3A_127, %add3A_118, %add3A_120] : memref<3x200x128xi32, #tpu.memory_space<vmem>>[vector<16xi32>, vector<16xi32>, vector<16xi32>], vector<16xi32>,
        %eq3A = arith.constant 255 : i32
        %eq3A_129 = vector.broadcast %eq3A : i32 to vector<16xi32>
        %eq3A_130 = arith.cmpi eq, %gather3A, %eq3A_129 : vector<16xi32>
        %jit3A = arith.constant 0 : i32
        %broadcast_in_dim3A_131 = vector.broadcast %jit3A : i32 to vector<16xi32>
        %select_n3A = arith.select %eq3A_130, %broadcast_in_dim3A_131, %gather3A : vector<16xi1>, vector<16xi32>
        %eq3A_132 = arith.constant 255 : i32
        %eq3A_133 = vector.broadcast %eq3A_132 : i32 to vector<16xi32>
        %eq3A_134 = arith.cmpi eq, %gather3A_124, %eq3A_133 : vector<16xi32>
        %jit3A_135 = arith.constant 0 : i32
        %broadcast_in_dim3A_136 = vector.broadcast %jit3A_135 : i32 to vector<16xi32>
        %select_n3A_137 = arith.select %eq3A_134, %broadcast_in_dim3A_136, %gather3A_124 : vector<16xi1>, vector<16xi32>
        %eq3A_138 = arith.constant 255 : i32
        %eq3A_139 = vector.broadcast %eq3A_138 : i32 to vector<16xi32>
        %eq3A_140 = arith.cmpi eq, %gather3A_128, %eq3A_139 : vector<16xi32>
        %jit3A_141 = arith.constant 0 : i32
        %broadcast_in_dim3A_142 = vector.broadcast %jit3A_141 : i32 to vector<16xi32>
        %select_n3A_143 = arith.select %eq3A_140, %broadcast_in_dim3A_142, %gather3A_128 : vector<16xi1>, vector<16xi32>
        %shift_right_arithmetic3A_144 = arith.constant 4 : i32
        %shift_right_arithmetic3A_145 = vector.broadcast %shift_right_arithmetic3A_144 : i32 to vector<16xi32>
        %shift_right_arithmetic3A_146 = arith.shrsi %select_n3A, %shift_right_arithmetic3A_145 : vector<16xi32>
        %and3A_147 = arith.constant 15 : i32
        %and3A_148 = vector.broadcast %and3A_147 : i32 to vector<16xi32>
        %and3A_149 = arith.andi %shift_right_arithmetic3A_146, %and3A_148 : vector<16xi32>
        %and3A_150 = arith.constant 15 : i32
        %and3A_151 = vector.broadcast %and3A_150 : i32 to vector<16xi32>
        %and3A_152 = arith.andi %select_n3A, %and3A_151 : vector<16xi32>
        %lt3A = arith.constant 11 : i32
        %lt3A_153 = vector.broadcast %lt3A : i32 to vector<16xi32>
        %lt3A_154 = arith.cmpi slt, %and3A_149, %lt3A_153 : vector<16xi32>
        %lt3A_155 = arith.constant 11 : i32
        %lt3A_156 = vector.broadcast %lt3A_155 : i32 to vector<16xi32>
        %lt3A_157 = arith.cmpi slt, %and3A_152, %lt3A_156 : vector<16xi32>
        %and3A_158 = arith.andi %lt3A_154, %lt3A_157 : vector<16xi1>
        %lt3A_159 = arith.constant 24 : i32
        %lt3A_160 = vector.broadcast %lt3A_159 : i32 to vector<16xi32>
        %lt3A_161 = arith.cmpi slt, %select_n3A_137, %lt3A_160 : vector<16xi32>
        %and3A_162 = arith.andi %and3A_158, %lt3A_161 : vector<16xi1>
        %mul3A_163 = arith.constant 128 : i32
        %mul3A_164 = vector.broadcast %mul3A_163 : i32 to vector<16xi32>
        %mul3A_165 = arith.muli %select_n3A_137, %mul3A_164 : vector<16xi32>
        %mul3A_166 = arith.constant 11 : i32
        %mul3A_167 = vector.broadcast %mul3A_166 : i32 to vector<16xi32>
        %mul3A_168 = arith.muli %and3A_149, %mul3A_167 : vector<16xi32>
        %add3A_169 = arith.addi %mul3A_165, %mul3A_168 : vector<16xi32>
        %add3A_170 = arith.addi %add3A_169, %and3A_152 : vector<16xi32>
        %jit3A_171 = arith.constant 0 : i32
        %broadcast_in_dim3A_172 = vector.broadcast %jit3A_171 : i32 to vector<16xi32>
        %select_n3A_173 = arith.select %and3A_162, %add3A_170, %broadcast_in_dim3A_172 : vector<16xi1>, vector<16xi32>
        %convert_element_type3A_174 = arith.sitofp %select_n3A_143 : vector<16xi32> to vector<16xf32>
        %scatter3A = arith.constant 1 : i32
        %scatter3A_175 = arith.constant 0 : i32
        %scatter3A_176 = arith.constant 0 : i32
        %scatter3A_177 = tpu.memref_slice %arg5[%scatter3A, %scatter3A_175, %scatter3A_176] : memref<2x8x3072xf32, #tpu.memory_space<vmem>> -> memref<1x8x3072xf32, #tpu.memory_space<vmem>>
        %scatter3A_178 = tpu.memref_squeeze %scatter3A_177 : memref<1x8x3072xf32, #tpu.memory_space<vmem>> -> memref<8x3072xf32, #tpu.memory_space<vmem>>
        tpu.vector_store_idx %scatter3A_178[%and3A_4, %select_n3A_173], %convert_element_type3A_174 masked %and3A_162 : memref<8x3072xf32, #tpu.memory_space<vmem>>[vector<16xi32>, vector<16xi32>], vector<16xf32>, vector<16xi1>
        %scan3A_179 = arith.constant 1 : i32
        %scan3A_180 = arith.addi %scan3A_114, %scan3A_179 : i32
        %mul3A_181 = arith.constant 2 : i32
        %mul3A_182 = arith.muli %mul3A_181, %scan3A_180 : i32
        %add3A_183 = vector.broadcast %mul3A_182 : i32 to vector<16xi32>
        %add3A_184 = arith.addi %shift_right_arithmetic3A_6, %add3A_183 : vector<16xi32>
        %add3A_185 = vector.broadcast %mul3A_91 : i32 to vector<16xi32>
        %add3A_186 = arith.addi %and3A_4, %add3A_185 : vector<16xi32>
        %gather3A_187 = tpu.vector_load_idx %arg4[%mul3A_9, %add3A_184, %add3A_186] : memref<3x200x128xi32, #tpu.memory_space<vmem>>[vector<16xi32>, vector<16xi32>, vector<16xi32>], vector<16xi32>,
        %add3A_188 = arith.constant 1 : i32
        %add3A_189 = vector.broadcast %add3A_188 : i32 to vector<16xi32>
        %add3A_190 = arith.addi %mul3A_9, %add3A_189 : vector<16xi32>
        %gather3A_191 = tpu.vector_load_idx %arg4[%add3A_190, %add3A_184, %add3A_186] : memref<3x200x128xi32, #tpu.memory_space<vmem>>[vector<16xi32>, vector<16xi32>, vector<16xi32>], vector<16xi32>,
        %add3A_192 = arith.constant 2 : i32
        %add3A_193 = vector.broadcast %add3A_192 : i32 to vector<16xi32>
        %add3A_194 = arith.addi %mul3A_9, %add3A_193 : vector<16xi32>
        %gather3A_195 = tpu.vector_load_idx %arg4[%add3A_194, %add3A_184, %add3A_186] : memref<3x200x128xi32, #tpu.memory_space<vmem>>[vector<16xi32>, vector<16xi32>, vector<16xi32>], vector<16xi32>,
        %eq3A_196 = arith.constant 255 : i32
        %eq3A_197 = vector.broadcast %eq3A_196 : i32 to vector<16xi32>
        %eq3A_198 = arith.cmpi eq, %gather3A_187, %eq3A_197 : vector<16xi32>
        %jit3A_199 = arith.constant 0 : i32
        %broadcast_in_dim3A_200 = vector.broadcast %jit3A_199 : i32 to vector<16xi32>
        %select_n3A_201 = arith.select %eq3A_198, %broadcast_in_dim3A_200, %gather3A_187 : vector<16xi1>, vector<16xi32>
        %eq3A_202 = arith.constant 255 : i32
        %eq3A_203 = vector.broadcast %eq3A_202 : i32 to vector<16xi32>
        %eq3A_204 = arith.cmpi eq, %gather3A_191, %eq3A_203 : vector<16xi32>
        %jit3A_205 = arith.constant 0 : i32
        %broadcast_in_dim3A_206 = vector.broadcast %jit3A_205 : i32 to vector<16xi32>
        %select_n3A_207 = arith.select %eq3A_204, %broadcast_in_dim3A_206, %gather3A_191 : vector<16xi1>, vector<16xi32>
        %eq3A_208 = arith.constant 255 : i32
        %eq3A_209 = vector.broadcast %eq3A_208 : i32 to vector<16xi32>
        %eq3A_210 = arith.cmpi eq, %gather3A_195, %eq3A_209 : vector<16xi32>
        %jit3A_211 = arith.constant 0 : i32
        %broadcast_in_dim3A_212 = vector.broadcast %jit3A_211 : i32 to vector<16xi32>
        %select_n3A_213 = arith.select %eq3A_210, %broadcast_in_dim3A_212, %gather3A_195 : vector<16xi1>, vector<16xi32>
        %shift_right_arithmetic3A_214 = arith.constant 4 : i32
        %shift_right_arithmetic3A_215 = vector.broadcast %shift_right_arithmetic3A_214 : i32 to vector<16xi32>
        %shift_right_arithmetic3A_216 = arith.shrsi %select_n3A_201, %shift_right_arithmetic3A_215 : vector<16xi32>
        %and3A_217 = arith.constant 15 : i32
        %and3A_218 = vector.broadcast %and3A_217 : i32 to vector<16xi32>
        %and3A_219 = arith.andi %shift_right_arithmetic3A_216, %and3A_218 : vector<16xi32>
        %and3A_220 = arith.constant 15 : i32
        %and3A_221 = vector.broadcast %and3A_220 : i32 to vector<16xi32>
        %and3A_222 = arith.andi %select_n3A_201, %and3A_221 : vector<16xi32>
        %lt3A_223 = arith.constant 11 : i32
        %lt3A_224 = vector.broadcast %lt3A_223 : i32 to vector<16xi32>
        %lt3A_225 = arith.cmpi slt, %and3A_219, %lt3A_224 : vector<16xi32>
        %lt3A_226 = arith.constant 11 : i32
        %lt3A_227 = vector.broadcast %lt3A_226 : i32 to vector<16xi32>
        %lt3A_228 = arith.cmpi slt, %and3A_222, %lt3A_227 : vector<16xi32>
        %and3A_229 = arith.andi %lt3A_225, %lt3A_228 : vector<16xi1>
        %lt3A_230 = arith.constant 24 : i32
        %lt3A_231 = vector.broadcast %lt3A_230 : i32 to vector<16xi32>
        %lt3A_232 = arith.cmpi slt, %select_n3A_207, %lt3A_231 : vector<16xi32>
        %and3A_233 = arith.andi %and3A_229, %lt3A_232 : vector<16xi1>
        %mul3A_234 = arith.constant 128 : i32
        %mul3A_235 = vector.broadcast %mul3A_234 : i32 to vector<16xi32>
        %mul3A_236 = arith.muli %select_n3A_207, %mul3A_235 : vector<16xi32>
        %mul3A_237 = arith.constant 11 : i32
        %mul3A_238 = vector.broadcast %mul3A_237 : i32 to vector<16xi32>
        %mul3A_239 = arith.muli %and3A_219, %mul3A_238 : vector<16xi32>
        %add3A_240 = arith.addi %mul3A_236, %mul3A_239 : vector<16xi32>
        %add3A_241 = arith.addi %add3A_240, %and3A_222 : vector<16xi32>
        %jit3A_242 = arith.constant 0 : i32
        %broadcast_in_dim3A_243 = vector.broadcast %jit3A_242 : i32 to vector<16xi32>
        %select_n3A_244 = arith.select %and3A_233, %add3A_241, %broadcast_in_dim3A_243 : vector<16xi1>, vector<16xi32>
        %convert_element_type3A_245 = arith.sitofp %select_n3A_213 : vector<16xi32> to vector<16xf32>
        %scatter3A_246 = arith.constant 1 : i32
        %scatter3A_247 = arith.constant 0 : i32
        %scatter3A_248 = arith.constant 0 : i32
        %scatter3A_249 = tpu.memref_slice %arg5[%scatter3A_246, %scatter3A_247, %scatter3A_248] : memref<2x8x3072xf32, #tpu.memory_space<vmem>> -> memref<1x8x3072xf32, #tpu.memory_space<vmem>>
        %scatter3A_250 = tpu.memref_squeeze %scatter3A_249 : memref<1x8x3072xf32, #tpu.memory_space<vmem>> -> memref<8x3072xf32, #tpu.memory_space<vmem>>
        tpu.vector_store_idx %scatter3A_250[%and3A_4, %select_n3A_244], %convert_element_type3A_245 masked %and3A_233 : memref<8x3072xf32, #tpu.memory_space<vmem>>[vector<16xi32>, vector<16xi32>], vector<16xf32>, vector<16xi1>
        %scan3A_251 = arith.constant 2 : i32
        %scan3A_252 = arith.addi %scan3A_114, %scan3A_251 : i32
        %mul3A_253 = arith.constant 2 : i32
        %mul3A_254 = arith.muli %mul3A_253, %scan3A_252 : i32
        %add3A_255 = vector.broadcast %mul3A_254 : i32 to vector<16xi32>
        %add3A_256 = arith.addi %shift_right_arithmetic3A_6, %add3A_255 : vector<16xi32>
        %add3A_257 = vector.broadcast %mul3A_91 : i32 to vector<16xi32>
        %add3A_258 = arith.addi %and3A_4, %add3A_257 : vector<16xi32>
        %gather3A_259 = tpu.vector_load_idx %arg4[%mul3A_9, %add3A_256, %add3A_258] : memref<3x200x128xi32, #tpu.memory_space<vmem>>[vector<16xi32>, vector<16xi32>, vector<16xi32>], vector<16xi32>,
        %add3A_260 = arith.constant 1 : i32
        %add3A_261 = vector.broadcast %add3A_260 : i32 to vector<16xi32>
        %add3A_262 = arith.addi %mul3A_9, %add3A_261 : vector<16xi32>
        %gather3A_263 = tpu.vector_load_idx %arg4[%add3A_262, %add3A_256, %add3A_258] : memref<3x200x128xi32, #tpu.memory_space<vmem>>[vector<16xi32>, vector<16xi32>, vector<16xi32>], vector<16xi32>,
        %add3A_264 = arith.constant 2 : i32
        %add3A_265 = vector.broadcast %add3A_264 : i32 to vector<16xi32>
        %add3A_266 = arith.addi %mul3A_9, %add3A_265 : vector<16xi32>
        %gather3A_267 = tpu.vector_load_idx %arg4[%add3A_266, %add3A_256, %add3A_258] : memref<3x200x128xi32, #tpu.memory_space<vmem>>[vector<16xi32>, vector<16xi32>, vector<16xi32>], vector<16xi32>,
        %eq3A_268 = arith.constant 255 : i32
        %eq3A_269 = vector.broadcast %eq3A_268 : i32 to vector<16xi32>
        %eq3A_270 = arith.cmpi eq, %gather3A_259, %eq3A_269 : vector<16xi32>
        %jit3A_271 = arith.constant 0 : i32
        %broadcast_in_dim3A_272 = vector.broadcast %jit3A_271 : i32 to vector<16xi32>
        %select_n3A_273 = arith.select %eq3A_270, %broadcast_in_dim3A_272, %gather3A_259 : vector<16xi1>, vector<16xi32>
        %eq3A_274 = arith.constant 255 : i32
        %eq3A_275 = vector.broadcast %eq3A_274 : i32 to vector<16xi32>
        %eq3A_276 = arith.cmpi eq, %gather3A_263, %eq3A_275 : vector<16xi32>
        %jit3A_277 = arith.constant 0 : i32
        %broadcast_in_dim3A_278 = vector.broadcast %jit3A_277 : i32 to vector<16xi32>
        %select_n3A_279 = arith.select %eq3A_276, %broadcast_in_dim3A_278, %gather3A_263 : vector<16xi1>, vector<16xi32>
        %eq3A_280 = arith.constant 255 : i32
        %eq3A_281 = vector.broadcast %eq3A_280 : i32 to vector<16xi32>
        %eq3A_282 = arith.cmpi eq, %gather3A_267, %eq3A_281 : vector<16xi32>
        %jit3A_283 = arith.constant 0 : i32
        %broadcast_in_dim3A_284 = vector.broadcast %jit3A_283 : i32 to vector<16xi32>
        %select_n3A_285 = arith.select %eq3A_282, %broadcast_in_dim3A_284, %gather3A_267 : vector<16xi1>, vector<16xi32>
        %shift_right_arithmetic3A_286 = arith.constant 4 : i32
        %shift_right_arithmetic3A_287 = vector.broadcast %shift_right_arithmetic3A_286 : i32 to vector<16xi32>
        %shift_right_arithmetic3A_288 = arith.shrsi %select_n3A_273, %shift_right_arithmetic3A_287 : vector<16xi32>
        %and3A_289 = arith.constant 15 : i32
        %and3A_290 = vector.broadcast %and3A_289 : i32 to vector<16xi32>
        %and3A_291 = arith.andi %shift_right_arithmetic3A_288, %and3A_290 : vector<16xi32>
        %and3A_292 = arith.constant 15 : i32
        %and3A_293 = vector.broadcast %and3A_292 : i32 to vector<16xi32>
        %and3A_294 = arith.andi %select_n3A_273, %and3A_293 : vector<16xi32>
        %lt3A_295 = arith.constant 11 : i32
        %lt3A_296 = vector.broadcast %lt3A_295 : i32 to vector<16xi32>
        %lt3A_297 = arith.cmpi slt, %and3A_291, %lt3A_296 : vector<16xi32>
        %lt3A_298 = arith.constant 11 : i32
        %lt3A_299 = vector.broadcast %lt3A_298 : i32 to vector<16xi32>
        %lt3A_300 = arith.cmpi slt, %and3A_294, %lt3A_299 : vector<16xi32>
        %and3A_301 = arith.andi %lt3A_297, %lt3A_300 : vector<16xi1>
        %lt3A_302 = arith.constant 24 : i32
        %lt3A_303 = vector.broadcast %lt3A_302 : i32 to vector<16xi32>
        %lt3A_304 = arith.cmpi slt, %select_n3A_279, %lt3A_303 : vector<16xi32>
        %and3A_305 = arith.andi %and3A_301, %lt3A_304 : vector<16xi1>
        %mul3A_306 = arith.constant 128 : i32
        %mul3A_307 = vector.broadcast %mul3A_306 : i32 to vector<16xi32>
        %mul3A_308 = arith.muli %select_n3A_279, %mul3A_307 : vector<16xi32>
        %mul3A_309 = arith.constant 11 : i32
        %mul3A_310 = vector.broadcast %mul3A_309 : i32 to vector<16xi32>
        %mul3A_311 = arith.muli %and3A_291, %mul3A_310 : vector<16xi32>
        %add3A_312 = arith.addi %mul3A_308, %mul3A_311 : vector<16xi32>
        %add3A_313 = arith.addi %add3A_312, %and3A_294 : vector<16xi32>
        %jit3A_314 = arith.constant 0 : i32
        %broadcast_in_dim3A_315 = vector.broadcast %jit3A_314 : i32 to vector<16xi32>
        %select_n3A_316 = arith.select %and3A_305, %add3A_313, %broadcast_in_dim3A_315 : vector<16xi1>, vector<16xi32>
        %convert_element_type3A_317 = arith.sitofp %select_n3A_285 : vector<16xi32> to vector<16xf32>
        %scatter3A_318 = arith.constant 1 : i32
        %scatter3A_319 = arith.constant 0 : i32
        %scatter3A_320 = arith.constant 0 : i32
        %scatter3A_321 = tpu.memref_slice %arg5[%scatter3A_318, %scatter3A_319, %scatter3A_320] : memref<2x8x3072xf32, #tpu.memory_space<vmem>> -> memref<1x8x3072xf32, #tpu.memory_space<vmem>>
        %scatter3A_322 = tpu.memref_squeeze %scatter3A_321 : memref<1x8x3072xf32, #tpu.memory_space<vmem>> -> memref<8x3072xf32, #tpu.memory_space<vmem>>
        tpu.vector_store_idx %scatter3A_322[%and3A_4, %select_n3A_316], %convert_element_type3A_317 masked %and3A_305 : memref<8x3072xf32, #tpu.memory_space<vmem>>[vector<16xi32>, vector<16xi32>], vector<16xf32>, vector<16xi1>
        %scan3A_323 = arith.constant 3 : i32
        %scan3A_324 = arith.addi %scan3A_114, %scan3A_323 : i32
        %mul3A_325 = arith.constant 2 : i32
        %mul3A_326 = arith.muli %mul3A_325, %scan3A_324 : i32
        %add3A_327 = vector.broadcast %mul3A_326 : i32 to vector<16xi32>
        %add3A_328 = arith.addi %shift_right_arithmetic3A_6, %add3A_327 : vector<16xi32>
        %add3A_329 = vector.broadcast %mul3A_91 : i32 to vector<16xi32>
        %add3A_330 = arith.addi %and3A_4, %add3A_329 : vector<16xi32>
        %gather3A_331 = tpu.vector_load_idx %arg4[%mul3A_9, %add3A_328, %add3A_330] : memref<3x200x128xi32, #tpu.memory_space<vmem>>[vector<16xi32>, vector<16xi32>, vector<16xi32>], vector<16xi32>,
        %add3A_332 = arith.constant 1 : i32
        %add3A_333 = vector.broadcast %add3A_332 : i32 to vector<16xi32>
        %add3A_334 = arith.addi %mul3A_9, %add3A_333 : vector<16xi32>
        %gather3A_335 = tpu.vector_load_idx %arg4[%add3A_334, %add3A_328, %add3A_330] : memref<3x200x128xi32, #tpu.memory_space<vmem>>[vector<16xi32>, vector<16xi32>, vector<16xi32>], vector<16xi32>,
        %add3A_336 = arith.constant 2 : i32
        %add3A_337 = vector.broadcast %add3A_336 : i32 to vector<16xi32>
        %add3A_338 = arith.addi %mul3A_9, %add3A_337 : vector<16xi32>
        %gather3A_339 = tpu.vector_load_idx %arg4[%add3A_338, %add3A_328, %add3A_330] : memref<3x200x128xi32, #tpu.memory_space<vmem>>[vector<16xi32>, vector<16xi32>, vector<16xi32>], vector<16xi32>,
        %eq3A_340 = arith.constant 255 : i32
        %eq3A_341 = vector.broadcast %eq3A_340 : i32 to vector<16xi32>
        %eq3A_342 = arith.cmpi eq, %gather3A_331, %eq3A_341 : vector<16xi32>
        %jit3A_343 = arith.constant 0 : i32
        %broadcast_in_dim3A_344 = vector.broadcast %jit3A_343 : i32 to vector<16xi32>
        %select_n3A_345 = arith.select %eq3A_342, %broadcast_in_dim3A_344, %gather3A_331 : vector<16xi1>, vector<16xi32>
        %eq3A_346 = arith.constant 255 : i32
        %eq3A_347 = vector.broadcast %eq3A_346 : i32 to vector<16xi32>
        %eq3A_348 = arith.cmpi eq, %gather3A_335, %eq3A_347 : vector<16xi32>
        %jit3A_349 = arith.constant 0 : i32
        %broadcast_in_dim3A_350 = vector.broadcast %jit3A_349 : i32 to vector<16xi32>
        %select_n3A_351 = arith.select %eq3A_348, %broadcast_in_dim3A_350, %gather3A_335 : vector<16xi1>, vector<16xi32>
        %eq3A_352 = arith.constant 255 : i32
        %eq3A_353 = vector.broadcast %eq3A_352 : i32 to vector<16xi32>
        %eq3A_354 = arith.cmpi eq, %gather3A_339, %eq3A_353 : vector<16xi32>
        %jit3A_355 = arith.constant 0 : i32
        %broadcast_in_dim3A_356 = vector.broadcast %jit3A_355 : i32 to vector<16xi32>
        %select_n3A_357 = arith.select %eq3A_354, %broadcast_in_dim3A_356, %gather3A_339 : vector<16xi1>, vector<16xi32>
        %shift_right_arithmetic3A_358 = arith.constant 4 : i32
        %shift_right_arithmetic3A_359 = vector.broadcast %shift_right_arithmetic3A_358 : i32 to vector<16xi32>
        %shift_right_arithmetic3A_360 = arith.shrsi %select_n3A_345, %shift_right_arithmetic3A_359 : vector<16xi32>
        %and3A_361 = arith.constant 15 : i32
        %and3A_362 = vector.broadcast %and3A_361 : i32 to vector<16xi32>
        %and3A_363 = arith.andi %shift_right_arithmetic3A_360, %and3A_362 : vector<16xi32>
        %and3A_364 = arith.constant 15 : i32
        %and3A_365 = vector.broadcast %and3A_364 : i32 to vector<16xi32>
        %and3A_366 = arith.andi %select_n3A_345, %and3A_365 : vector<16xi32>
        %lt3A_367 = arith.constant 11 : i32
        %lt3A_368 = vector.broadcast %lt3A_367 : i32 to vector<16xi32>
        %lt3A_369 = arith.cmpi slt, %and3A_363, %lt3A_368 : vector<16xi32>
        %lt3A_370 = arith.constant 11 : i32
        %lt3A_371 = vector.broadcast %lt3A_370 : i32 to vector<16xi32>
        %lt3A_372 = arith.cmpi slt, %and3A_366, %lt3A_371 : vector<16xi32>
        %and3A_373 = arith.andi %lt3A_369, %lt3A_372 : vector<16xi1>
        %lt3A_374 = arith.constant 24 : i32
        %lt3A_375 = vector.broadcast %lt3A_374 : i32 to vector<16xi32>
        %lt3A_376 = arith.cmpi slt, %select_n3A_351, %lt3A_375 : vector<16xi32>
        %and3A_377 = arith.andi %and3A_373, %lt3A_376 : vector<16xi1>
        %mul3A_378 = arith.constant 128 : i32
        %mul3A_379 = vector.broadcast %mul3A_378 : i32 to vector<16xi32>
        %mul3A_380 = arith.muli %select_n3A_351, %mul3A_379 : vector<16xi32>
        %mul3A_381 = arith.constant 11 : i32
        %mul3A_382 = vector.broadcast %mul3A_381 : i32 to vector<16xi32>
        %mul3A_383 = arith.muli %and3A_363, %mul3A_382 : vector<16xi32>
        %add3A_384 = arith.addi %mul3A_380, %mul3A_383 : vector<16xi32>
        %add3A_385 = arith.addi %add3A_384, %and3A_366 : vector<16xi32>
        %jit3A_386 = arith.constant 0 : i32
        %broadcast_in_dim3A_387 = vector.broadcast %jit3A_386 : i32 to vector<16xi32>
        %select_n3A_388 = arith.select %and3A_377, %add3A_385, %broadcast_in_dim3A_387 : vector<16xi1>, vector<16xi32>
        %convert_element_type3A_389 = arith.sitofp %select_n3A_357 : vector<16xi32> to vector<16xf32>
        %scatter3A_390 = arith.constant 1 : i32
        %scatter3A_391 = arith.constant 0 : i32
        %scatter3A_392 = arith.constant 0 : i32
        %scatter3A_393 = tpu.memref_slice %arg5[%scatter3A_390, %scatter3A_391, %scatter3A_392] : memref<2x8x3072xf32, #tpu.memory_space<vmem>> -> memref<1x8x3072xf32, #tpu.memory_space<vmem>>
        %scatter3A_394 = tpu.memref_squeeze %scatter3A_393 : memref<1x8x3072xf32, #tpu.memory_space<vmem>> -> memref<8x3072xf32, #tpu.memory_space<vmem>>
        tpu.vector_store_idx %scatter3A_394[%and3A_4, %select_n3A_388], %convert_element_type3A_389 masked %and3A_377 : memref<8x3072xf32, #tpu.memory_space<vmem>>[vector<16xi32>, vector<16xi32>], vector<16xf32>, vector<16xi1>
      }
      %scan3A_97 = arith.constant 100 : i32
      %mul3A_98 = arith.constant 8 : i32
      %mul3A_99 = arith.muli %add3A_78, %mul3A_98 : i32
      %add3A_100 = arith.addi %mul3A_2, %mul3A_99 : i32
      %dma_start3A_101 = arith.constant 1 : i32
      %dma_start3A_102 = arith.constant 0 : i32
      %dma_start3A_103 = arith.constant 0 : i32
      %dma_start3A_104 = tpu.memref_slice %arg5[%dma_start3A_101, %dma_start3A_102, %dma_start3A_103] : memref<2x8x3072xf32, #tpu.memory_space<vmem>> -> memref<1x8x3072xf32, #tpu.memory_space<vmem>>
      %dma_start3A_105 = tpu.memref_squeeze %dma_start3A_104 : memref<1x8x3072xf32, #tpu.memory_space<vmem>> -> memref<8x3072xf32, #tpu.memory_space<vmem>>
      %dma_start3A_106 = arith.constant 0 : i32
      %dma_start3A_107 = tpu.memref_slice %arg3[%add3A_100, %dma_start3A_106] : memref<4096x3072xf32, #tpu.memory_space<hbm>> -> memref<8x3072xf32, #tpu.memory_space<hbm>>
      %dma_start3A_108 = arith.constant 0 : i32
      %dma_start3A_109 = tpu.memref_slice %arg3[%add3A_100, %dma_start3A_108] : memref<4096x3072xf32, #tpu.memory_space<hbm>> -> memref<8x3072xf32, #tpu.memory_space<hbm>>
      %dma_start3A_110 = arith.constant 0 : i32
      %dma_start3A_111 = arith.constant 0 : i32
      %dma_start3A_112 = tpu.memref_slice %arg5[%dma_start3A_101, %dma_start3A_110, %dma_start3A_111] : memref<2x8x3072xf32, #tpu.memory_space<vmem>> -> memref<1x8x3072xf32, #tpu.memory_space<vmem>>
      %dma_start3A_113 = tpu.memref_squeeze %dma_start3A_112 : memref<1x8x3072xf32, #tpu.memory_space<vmem>> -> memref<8x3072xf32, #tpu.memory_space<vmem>>
      tpu.enqueue_dma source(%dma_start3A_113 : memref<8x3072xf32, #tpu.memory_space<vmem>>) target(%dma_start3A_109 : memref<8x3072xf32, #tpu.memory_space<hbm>>) target_semaphore(%arg7 : memref<!tpu.dma_semaphore, #tpu.memory_space<semaphore_mem>>)
    }
    %scan3A_15 = arith.constant 8 : i32
    %dma_wait3A = arith.constant 0 : i32
    %dma_wait3A_16 = arith.constant 0 : i32
    %dma_wait3A_17 = arith.constant 0 : i32
    %dma_wait3A_18 = tpu.memref_slice %arg5[%dma_wait3A, %dma_wait3A_16, %dma_wait3A_17] : memref<2x8x3072xf32, #tpu.memory_space<vmem>> -> memref<1x8x3072xf32, #tpu.memory_space<vmem>>
    %dma_wait3A_19 = tpu.memref_squeeze %dma_wait3A_18 : memref<1x8x3072xf32, #tpu.memory_space<vmem>> -> memref<8x3072xf32, #tpu.memory_space<vmem>>
    %dma_wait3A_20 = arith.constant 0 : i32
    %dma_wait3A_21 = tpu.memref_slice %arg3[%mul3A_2, %dma_wait3A_20] : memref<4096x3072xf32, #tpu.memory_space<hbm>> -> memref<8x3072xf32, #tpu.memory_space<hbm>>
    %dma_wait3A_22 = arith.constant 0 : i32
    %dma_wait3A_23 = tpu.memref_slice %arg3[%mul3A_2, %dma_wait3A_22] : memref<4096x3072xf32, #tpu.memory_space<hbm>> -> memref<8x3072xf32, #tpu.memory_space<hbm>>
    %dma_wait3A_24 = arith.constant 0 : i32
    %dma_wait3A_25 = arith.constant 0 : i32
    %dma_wait3A_26 = tpu.memref_slice %arg5[%dma_wait3A, %dma_wait3A_24, %dma_wait3A_25] : memref<2x8x3072xf32, #tpu.memory_space<vmem>> -> memref<1x8x3072xf32, #tpu.memory_space<vmem>>
    %dma_wait3A_27 = tpu.memref_squeeze %dma_wait3A_26 : memref<1x8x3072xf32, #tpu.memory_space<vmem>> -> memref<8x3072xf32, #tpu.memory_space<vmem>>
    tpu.wait_dma2 semaphore(%arg6 : memref<!tpu.dma_semaphore, #tpu.memory_space<semaphore_mem>>) src(%dma_wait3A_27 : memref<8x3072xf32, #tpu.memory_space<vmem>>) dst(%dma_wait3A_23 : memref<8x3072xf32, #tpu.memory_space<hbm>>)
    %dma_wait3A_28 = arith.constant 1 : i32
    %dma_wait3A_29 = arith.constant 0 : i32
    %dma_wait3A_30 = arith.constant 0 : i32
    %dma_wait3A_31 = tpu.memref_slice %arg5[%dma_wait3A_28, %dma_wait3A_29, %dma_wait3A_30] : memref<2x8x3072xf32, #tpu.memory_space<vmem>> -> memref<1x8x3072xf32, #tpu.memory_space<vmem>>
    %dma_wait3A_32 = tpu.memref_squeeze %dma_wait3A_31 : memref<1x8x3072xf32, #tpu.memory_space<vmem>> -> memref<8x3072xf32, #tpu.memory_space<vmem>>
    %dma_wait3A_33 = arith.constant 0 : i32
    %dma_wait3A_34 = tpu.memref_slice %arg3[%mul3A_2, %dma_wait3A_33] : memref<4096x3072xf32, #tpu.memory_space<hbm>> -> memref<8x3072xf32, #tpu.memory_space<hbm>>
    %dma_wait3A_35 = arith.constant 0 : i32
    %dma_wait3A_36 = tpu.memref_slice %arg3[%mul3A_2, %dma_wait3A_35] : memref<4096x3072xf32, #tpu.memory_space<hbm>> -> memref<8x3072xf32, #tpu.memory_space<hbm>>
    %dma_wait3A_37 = arith.constant 0 : i32
    %dma_wait3A_38 = arith.constant 0 : i32
    %dma_wait3A_39 = tpu.memref_slice %arg5[%dma_wait3A_28, %dma_wait3A_37, %dma_wait3A_38] : memref<2x8x3072xf32, #tpu.memory_space<vmem>> -> memref<1x8x3072xf32, #tpu.memory_space<vmem>>
    %dma_wait3A_40 = tpu.memref_squeeze %dma_wait3A_39 : memref<1x8x3072xf32, #tpu.memory_space<vmem>> -> memref<8x3072xf32, #tpu.memory_space<vmem>>
    tpu.wait_dma2 semaphore(%arg7 : memref<!tpu.dma_semaphore, #tpu.memory_space<semaphore_mem>>) src(%dma_wait3A_40 : memref<8x3072xf32, #tpu.memory_space<vmem>>) dst(%dma_wait3A_36 : memref<8x3072xf32, #tpu.memory_space<hbm>>)
    return
  }
}

module attributes {stable_mosaic.version = 14 : i64} {
  func.func @_dense_body(%arg0: i32, %arg1: memref<512x3072xf32, #tpu.memory_space<vmem>>, %arg2: memref<3072x1280xbf16, #tpu.memory_space<vmem>>, %arg3: memref<1152x128xf32, #tpu.memory_space<vmem>>, %arg4: memref<128x256xf32, #tpu.memory_space<vmem>>, %arg5: memref<24x256xf32, #tpu.memory_space<vmem>>, %arg6: memref<1x1152xf32, #tpu.memory_space<vmem>>, %arg7: memref<1x128xf32, #tpu.memory_space<vmem>>, %arg8: memref<1x256xf32, #tpu.memory_space<vmem>>, %arg9: memref<1x256xf32, #tpu.memory_space<vmem>>, %arg10: memref<256x128xf32, #tpu.memory_space<vmem>>, %arg11: memref<256x128xf32, #tpu.memory_space<vmem>>, %arg12: memref<256x256xf32, #tpu.memory_space<vmem>>, %arg13: memref<256x256xf32, #tpu.memory_space<vmem>>, %arg14: memref<256x128xf32, #tpu.memory_space<vmem>>, %arg15: memref<256x128xf32, #tpu.memory_space<vmem>>, %arg16: memref<1x128xf32, #tpu.memory_space<vmem>>, %arg17: memref<1x256xf32, #tpu.memory_space<vmem>>, %arg18: memref<1x128xf32, #tpu.memory_space<vmem>>, %arg19: memref<512x128xf32, #tpu.memory_space<vmem>>, %arg20: memref<512x256xf32, #tpu.memory_space<vmem>>, %arg21: memref<512x128xf32, #tpu.memory_space<vmem>>) attributes {dimension_semantics = [#tpu.dimension_semantics<parallel>], iteration_bounds = array<i64: 8>, scalar_prefetch = 0 : i64, scratch_operands = 0 : i64, tpu.core_type = #tpu.core_type<tc>, window_params = [{transform_indices = @transform_0, window_bounds = array<i64: 512, 3072>}, {pipeline_mode = #tpu.pipeline_mode<synchronous>, transform_indices = @transform_1, window_bounds = array<i64: 3072, 1280>}, {pipeline_mode = #tpu.pipeline_mode<synchronous>, transform_indices = @transform_2, window_bounds = array<i64: 1152, 128>}, {pipeline_mode = #tpu.pipeline_mode<synchronous>, transform_indices = @transform_3, window_bounds = array<i64: 128, 256>}, {pipeline_mode = #tpu.pipeline_mode<synchronous>, transform_indices = @transform_4, window_bounds = array<i64: 24, 256>}, {pipeline_mode = #tpu.pipeline_mode<synchronous>, transform_indices = @transform_5, window_bounds = array<i64: 1, 1152>}, {pipeline_mode = #tpu.pipeline_mode<synchronous>, transform_indices = @transform_6, window_bounds = array<i64: 1, 128>}, {pipeline_mode = #tpu.pipeline_mode<synchronous>, transform_indices = @transform_7, window_bounds = array<i64: 1, 256>}, {pipeline_mode = #tpu.pipeline_mode<synchronous>, transform_indices = @transform_8, window_bounds = array<i64: 1, 256>}, {pipeline_mode = #tpu.pipeline_mode<synchronous>, transform_indices = @transform_9, window_bounds = array<i64: 256, 128>}, {pipeline_mode = #tpu.pipeline_mode<synchronous>, transform_indices = @transform_10, window_bounds = array<i64: 256, 128>}, {pipeline_mode = #tpu.pipeline_mode<synchronous>, transform_indices = @transform_11, window_bounds = array<i64: 256, 256>}, {pipeline_mode = #tpu.pipeline_mode<synchronous>, transform_indices = @transform_12, window_bounds = array<i64: 256, 256>}, {pipeline_mode = #tpu.pipeline_mode<synchronous>, transform_indices = @transform_13, window_bounds = array<i64: 256, 128>}, {pipeline_mode = #tpu.pipeline_mode<synchronous>, transform_indices = @transform_14, window_bounds = array<i64: 256, 128>}, {pipeline_mode = #tpu.pipeline_mode<synchronous>, transform_indices = @transform_15, window_bounds = array<i64: 1, 128>}, {pipeline_mode = #tpu.pipeline_mode<synchronous>, transform_indices = @transform_16, window_bounds = array<i64: 1, 256>}, {pipeline_mode = #tpu.pipeline_mode<synchronous>, transform_indices = @transform_17, window_bounds = array<i64: 1, 128>}, {transform_indices = @transform_18, window_bounds = array<i64: 512, 128>}, {transform_indices = @transform_19, window_bounds = array<i64: 512, 256>}, {transform_indices = @transform_20, window_bounds = array<i64: 512, 128>}]} {
    %get3A = arith.constant 0 : index
    %get3A_0 = arith.constant 0 : index
    %get3A_1 = vector.load %arg1[%get3A, %get3A_0] : memref<512x3072xf32, #tpu.memory_space<vmem>>, vector<512x3072xf32>
    %convert_element_type3A = arith.truncf %get3A_1 : vector<512x3072xf32> to vector<512x3072xbf16>
    %get3A_2 = arith.constant 0 : index
    %get3A_3 = arith.constant 0 : index
    %get3A_4 = vector.load %arg2[%get3A_2, %get3A_3] : memref<3072x1280xbf16, #tpu.memory_space<vmem>>, vector<3072x1280xbf16>
    %dot_general3A = arith.constant dense<0.000000e+00> : vector<512x1280xf32>
    %dot_general3A_5 = tpu.matmul %convert_element_type3A, %get3A_4, %dot_general3A {dimension_numbers = #tpu.dot_dimension_numbers<[1], [0], [0], [1], [0, 0, 1, 1], [], []>, transpose_lhs_hint = false} : vector<512x3072xbf16>, vector<3072x1280xbf16>, vector<512x1280xf32> -> vector<512x1280xf32>
    %slice3A = vector.extract_strided_slice %dot_general3A_5 {offsets = [0, 0], sizes = [512, 1152], strides = [1, 1]} : vector<512x1280xf32> to vector<512x1152xf32>
    %get3A_6 = arith.constant 0 : index
    %get3A_7 = arith.constant 0 : index
    %get3A_8 = vector.load %arg6[%get3A_6, %get3A_7] : memref<1x1152xf32, #tpu.memory_space<vmem>>, vector<1x1152xf32>
    %add3A = vector.broadcast %get3A_8 : vector<1x1152xf32> to vector<512x1152xf32>
    %add3A_9 = arith.addf %slice3A, %add3A : vector<512x1152xf32>
    %max3A = arith.constant 0.000000e+00 : f32
    %max3A_10 = vector.broadcast %max3A : f32 to vector<512x1152xf32>
    %max3A_11 = arith.maximumf %add3A_9, %max3A_10 : vector<512x1152xf32>
    %slice3A_12 = vector.extract_strided_slice %dot_general3A_5 {offsets = [0, 1152], sizes = [512, 24], strides = [1, 1]} : vector<512x1280xf32> to vector<512x24xf32>
    %get3A_13 = arith.constant 0 : index
    %get3A_14 = arith.constant 0 : index
    %get3A_15 = vector.load %arg5[%get3A_13, %get3A_14] : memref<24x256xf32, #tpu.memory_space<vmem>>, vector<24x256xf32>
    %dot_general3A_16 = arith.constant dense<0.000000e+00> : vector<512x256xf32>
    %dot_general3A_17 = tpu.matmul %slice3A_12, %get3A_15, %dot_general3A_16 {dimension_numbers = #tpu.dot_dimension_numbers<[1], [0], [0], [1], [0, 0, 1, 1], [], []>, transpose_lhs_hint = false} : vector<512x24xf32>, vector<24x256xf32>, vector<512x256xf32> -> vector<512x256xf32>
    %get3A_18 = arith.constant 0 : index
    %get3A_19 = arith.constant 0 : index
    %get3A_20 = vector.load %arg9[%get3A_18, %get3A_19] : memref<1x256xf32, #tpu.memory_space<vmem>>, vector<1x256xf32>
    %add3A_21 = vector.broadcast %get3A_20 : vector<1x256xf32> to vector<512x256xf32>
    %add3A_22 = arith.addf %dot_general3A_17, %add3A_21 : vector<512x256xf32>
    %max3A_23 = arith.constant 0.000000e+00 : f32
    %max3A_24 = vector.broadcast %max3A_23 : f32 to vector<512x256xf32>
    %max3A_25 = arith.maximumf %add3A_22, %max3A_24 : vector<512x256xf32>
    %get3A_26 = arith.constant 0 : index
    %get3A_27 = arith.constant 0 : index
    %get3A_28 = vector.load %arg3[%get3A_26, %get3A_27] : memref<1152x128xf32, #tpu.memory_space<vmem>>, vector<1152x128xf32>
    %dot_general3A_29 = arith.constant dense<0.000000e+00> : vector<512x128xf32>
    %dot_general3A_30 = tpu.matmul %max3A_11, %get3A_28, %dot_general3A_29 {dimension_numbers = #tpu.dot_dimension_numbers<[1], [0], [0], [1], [0, 0, 1, 1], [], []>, transpose_lhs_hint = false} : vector<512x1152xf32>, vector<1152x128xf32>, vector<512x128xf32> -> vector<512x128xf32>
    %get3A_31 = arith.constant 0 : index
    %get3A_32 = arith.constant 0 : index
    %get3A_33 = vector.load %arg7[%get3A_31, %get3A_32] : memref<1x128xf32, #tpu.memory_space<vmem>>, vector<1x128xf32>
    %add3A_34 = vector.broadcast %get3A_33 : vector<1x128xf32> to vector<512x128xf32>
    %add3A_35 = arith.addf %dot_general3A_30, %add3A_34 : vector<512x128xf32>
    %max3A_36 = arith.constant 0.000000e+00 : f32
    %max3A_37 = vector.broadcast %max3A_36 : f32 to vector<512x128xf32>
    %max3A_38 = arith.maximumf %add3A_35, %max3A_37 : vector<512x128xf32>
    %get3A_39 = arith.constant 0 : index
    %get3A_40 = arith.constant 0 : index
    %get3A_41 = vector.load %arg4[%get3A_39, %get3A_40] : memref<128x256xf32, #tpu.memory_space<vmem>>, vector<128x256xf32>
    %dot_general3A_42 = arith.constant dense<0.000000e+00> : vector<512x256xf32>
    %dot_general3A_43 = tpu.matmul %max3A_38, %get3A_41, %dot_general3A_42 {dimension_numbers = #tpu.dot_dimension_numbers<[1], [0], [0], [1], [0, 0, 1, 1], [], []>, transpose_lhs_hint = false} : vector<512x128xf32>, vector<128x256xf32>, vector<512x256xf32> -> vector<512x256xf32>
    %get3A_44 = arith.constant 0 : index
    %get3A_45 = arith.constant 0 : index
    %get3A_46 = vector.load %arg8[%get3A_44, %get3A_45] : memref<1x256xf32, #tpu.memory_space<vmem>>, vector<1x256xf32>
    %add3A_47 = vector.broadcast %get3A_46 : vector<1x256xf32> to vector<512x256xf32>
    %add3A_48 = arith.addf %dot_general3A_43, %add3A_47 : vector<512x256xf32>
    %max3A_49 = arith.constant 0.000000e+00 : f32
    %max3A_50 = vector.broadcast %max3A_49 : f32 to vector<512x256xf32>
    %max3A_51 = arith.maximumf %add3A_48, %max3A_50 : vector<512x256xf32>
    %get3A_52 = arith.constant 0 : index
    %get3A_53 = arith.constant 0 : index
    %get3A_54 = vector.load %arg10[%get3A_52, %get3A_53] : memref<256x128xf32, #tpu.memory_space<vmem>>, vector<256x128xf32>
    %dot_general3A_55 = arith.constant dense<0.000000e+00> : vector<512x128xf32>
    %dot_general3A_56 = tpu.matmul %max3A_25, %get3A_54, %dot_general3A_55 {dimension_numbers = #tpu.dot_dimension_numbers<[1], [0], [0], [1], [0, 0, 1, 1], [], []>, transpose_lhs_hint = false} : vector<512x256xf32>, vector<256x128xf32>, vector<512x128xf32> -> vector<512x128xf32>
    %get3A_57 = arith.constant 0 : index
    %get3A_58 = arith.constant 0 : index
    %get3A_59 = vector.load %arg11[%get3A_57, %get3A_58] : memref<256x128xf32, #tpu.memory_space<vmem>>, vector<256x128xf32>
    %dot_general3A_60 = arith.constant dense<0.000000e+00> : vector<512x128xf32>
    %dot_general3A_61 = tpu.matmul %max3A_51, %get3A_59, %dot_general3A_60 {dimension_numbers = #tpu.dot_dimension_numbers<[1], [0], [0], [1], [0, 0, 1, 1], [], []>, transpose_lhs_hint = false} : vector<512x256xf32>, vector<256x128xf32>, vector<512x128xf32> -> vector<512x128xf32>
    %add3A_62 = arith.addf %dot_general3A_56, %dot_general3A_61 : vector<512x128xf32>
    %get3A_63 = arith.constant 0 : index
    %get3A_64 = arith.constant 0 : index
    %get3A_65 = vector.load %arg16[%get3A_63, %get3A_64] : memref<1x128xf32, #tpu.memory_space<vmem>>, vector<1x128xf32>
    %add3A_66 = vector.broadcast %get3A_65 : vector<1x128xf32> to vector<512x128xf32>
    %add3A_67 = arith.addf %add3A_62, %add3A_66 : vector<512x128xf32>
    %swap3A = arith.constant 0 : index
    %swap3A_68 = arith.constant 0 : index
    %swap3A_69 = vector.load %arg19[%swap3A, %swap3A_68] : memref<512x128xf32, #tpu.memory_space<vmem>>, vector<512x128xf32>
    tpu.vector_store %arg19[%swap3A, %swap3A_68], %add3A_67 {strides = array<i32>} : memref<512x128xf32, #tpu.memory_space<vmem>>, vector<512x128xf32>,
    %get3A_70 = arith.constant 0 : index
    %get3A_71 = arith.constant 0 : index
    %get3A_72 = vector.load %arg12[%get3A_70, %get3A_71] : memref<256x256xf32, #tpu.memory_space<vmem>>, vector<256x256xf32>
    %dot_general3A_73 = arith.constant dense<0.000000e+00> : vector<512x256xf32>
    %dot_general3A_74 = tpu.matmul %max3A_25, %get3A_72, %dot_general3A_73 {dimension_numbers = #tpu.dot_dimension_numbers<[1], [0], [0], [1], [0, 0, 1, 1], [], []>, transpose_lhs_hint = false} : vector<512x256xf32>, vector<256x256xf32>, vector<512x256xf32> -> vector<512x256xf32>
    %get3A_75 = arith.constant 0 : index
    %get3A_76 = arith.constant 0 : index
    %get3A_77 = vector.load %arg13[%get3A_75, %get3A_76] : memref<256x256xf32, #tpu.memory_space<vmem>>, vector<256x256xf32>
    %dot_general3A_78 = arith.constant dense<0.000000e+00> : vector<512x256xf32>
    %dot_general3A_79 = tpu.matmul %max3A_51, %get3A_77, %dot_general3A_78 {dimension_numbers = #tpu.dot_dimension_numbers<[1], [0], [0], [1], [0, 0, 1, 1], [], []>, transpose_lhs_hint = false} : vector<512x256xf32>, vector<256x256xf32>, vector<512x256xf32> -> vector<512x256xf32>
    %add3A_80 = arith.addf %dot_general3A_74, %dot_general3A_79 : vector<512x256xf32>
    %get3A_81 = arith.constant 0 : index
    %get3A_82 = arith.constant 0 : index
    %get3A_83 = vector.load %arg17[%get3A_81, %get3A_82] : memref<1x256xf32, #tpu.memory_space<vmem>>, vector<1x256xf32>
    %add3A_84 = vector.broadcast %get3A_83 : vector<1x256xf32> to vector<512x256xf32>
    %add3A_85 = arith.addf %add3A_80, %add3A_84 : vector<512x256xf32>
    %swap3A_86 = arith.constant 0 : index
    %swap3A_87 = arith.constant 0 : index
    %swap3A_88 = vector.load %arg20[%swap3A_86, %swap3A_87] : memref<512x256xf32, #tpu.memory_space<vmem>>, vector<512x256xf32>
    tpu.vector_store %arg20[%swap3A_86, %swap3A_87], %add3A_85 {strides = array<i32>} : memref<512x256xf32, #tpu.memory_space<vmem>>, vector<512x256xf32>,
    %get3A_89 = arith.constant 0 : index
    %get3A_90 = arith.constant 0 : index
    %get3A_91 = vector.load %arg14[%get3A_89, %get3A_90] : memref<256x128xf32, #tpu.memory_space<vmem>>, vector<256x128xf32>
    %dot_general3A_92 = arith.constant dense<0.000000e+00> : vector<512x128xf32>
    %dot_general3A_93 = tpu.matmul %max3A_25, %get3A_91, %dot_general3A_92 {dimension_numbers = #tpu.dot_dimension_numbers<[1], [0], [0], [1], [0, 0, 1, 1], [], []>, transpose_lhs_hint = false} : vector<512x256xf32>, vector<256x128xf32>, vector<512x128xf32> -> vector<512x128xf32>
    %get3A_94 = arith.constant 0 : index
    %get3A_95 = arith.constant 0 : index
    %get3A_96 = vector.load %arg15[%get3A_94, %get3A_95] : memref<256x128xf32, #tpu.memory_space<vmem>>, vector<256x128xf32>
    %dot_general3A_97 = arith.constant dense<0.000000e+00> : vector<512x128xf32>
    %dot_general3A_98 = tpu.matmul %max3A_51, %get3A_96, %dot_general3A_97 {dimension_numbers = #tpu.dot_dimension_numbers<[1], [0], [0], [1], [0, 0, 1, 1], [], []>, transpose_lhs_hint = false} : vector<512x256xf32>, vector<256x128xf32>, vector<512x128xf32> -> vector<512x128xf32>
    %add3A_99 = arith.addf %dot_general3A_93, %dot_general3A_98 : vector<512x128xf32>
    %get3A_100 = arith.constant 0 : index
    %get3A_101 = arith.constant 0 : index
    %get3A_102 = vector.load %arg18[%get3A_100, %get3A_101] : memref<1x128xf32, #tpu.memory_space<vmem>>, vector<1x128xf32>
    %add3A_103 = vector.broadcast %get3A_102 : vector<1x128xf32> to vector<512x128xf32>
    %add3A_104 = arith.addf %add3A_99, %add3A_103 : vector<512x128xf32>
    %swap3A_105 = arith.constant 0 : index
    %swap3A_106 = arith.constant 0 : index
    %swap3A_107 = vector.load %arg21[%swap3A_105, %swap3A_106] : memref<512x128xf32, #tpu.memory_space<vmem>>, vector<512x128xf32>
    tpu.vector_store %arg21[%swap3A_105, %swap3A_106], %add3A_104 {strides = array<i32>} : memref<512x128xf32, #tpu.memory_space<vmem>>, vector<512x128xf32>,
    return
  }
  func.func @transform_0(%arg0: i32) -> (i32, i32) {
    %c0_i32 = arith.constant 0 : i32
    %c0_i32_0 = arith.constant 0 : i32
    return %arg0, %c0_i32 : i32, i32
  }
  func.func @transform_1(%arg0: i32) -> (i32, i32) {
    %c0_i32 = arith.constant 0 : i32
    %c0_i32_0 = arith.constant 0 : i32
    %c0_i32_1 = arith.constant 0 : i32
    return %c0_i32, %c0_i32_0 : i32, i32
  }
  func.func @transform_2(%arg0: i32) -> (i32, i32) {
    %c0_i32 = arith.constant 0 : i32
    %c0_i32_0 = arith.constant 0 : i32
    %c0_i32_1 = arith.constant 0 : i32
    return %c0_i32, %c0_i32_0 : i32, i32
  }
  func.func @transform_3(%arg0: i32) -> (i32, i32) {
    %c0_i32 = arith.constant 0 : i32
    %c0_i32_0 = arith.constant 0 : i32
    %c0_i32_1 = arith.constant 0 : i32
    return %c0_i32, %c0_i32_0 : i32, i32
  }
  func.func @transform_4(%arg0: i32) -> (i32, i32) {
    %c0_i32 = arith.constant 0 : i32
    %c0_i32_0 = arith.constant 0 : i32
    %c0_i32_1 = arith.constant 0 : i32
    return %c0_i32, %c0_i32_0 : i32, i32
  }
  func.func @transform_5(%arg0: i32) -> (i32, i32) {
    %c0_i32 = arith.constant 0 : i32
    %c0_i32_0 = arith.constant 0 : i32
    %c0_i32_1 = arith.constant 0 : i32
    return %c0_i32, %c0_i32_0 : i32, i32
  }
  func.func @transform_6(%arg0: i32) -> (i32, i32) {
    %c0_i32 = arith.constant 0 : i32
    %c0_i32_0 = arith.constant 0 : i32
    %c0_i32_1 = arith.constant 0 : i32
    return %c0_i32, %c0_i32_0 : i32, i32
  }
  func.func @transform_7(%arg0: i32) -> (i32, i32) {
    %c0_i32 = arith.constant 0 : i32
    %c0_i32_0 = arith.constant 0 : i32
    %c0_i32_1 = arith.constant 0 : i32
    return %c0_i32, %c0_i32_0 : i32, i32
  }
  func.func @transform_8(%arg0: i32) -> (i32, i32) {
    %c0_i32 = arith.constant 0 : i32
    %c0_i32_0 = arith.constant 0 : i32
    %c0_i32_1 = arith.constant 0 : i32
    return %c0_i32, %c0_i32_0 : i32, i32
  }
  func.func @transform_9(%arg0: i32) -> (i32, i32) {
    %c0_i32 = arith.constant 0 : i32
    %c0_i32_0 = arith.constant 0 : i32
    %c0_i32_1 = arith.constant 0 : i32
    return %c0_i32, %c0_i32_0 : i32, i32
  }
  func.func @transform_10(%arg0: i32) -> (i32, i32) {
    %c0_i32 = arith.constant 0 : i32
    %c0_i32_0 = arith.constant 0 : i32
    %c0_i32_1 = arith.constant 0 : i32
    return %c0_i32, %c0_i32_0 : i32, i32
  }
  func.func @transform_11(%arg0: i32) -> (i32, i32) {
    %c0_i32 = arith.constant 0 : i32
    %c0_i32_0 = arith.constant 0 : i32
    %c0_i32_1 = arith.constant 0 : i32
    return %c0_i32, %c0_i32_0 : i32, i32
  }
  func.func @transform_12(%arg0: i32) -> (i32, i32) {
    %c0_i32 = arith.constant 0 : i32
    %c0_i32_0 = arith.constant 0 : i32
    %c0_i32_1 = arith.constant 0 : i32
    return %c0_i32, %c0_i32_0 : i32, i32
  }
  func.func @transform_13(%arg0: i32) -> (i32, i32) {
    %c0_i32 = arith.constant 0 : i32
    %c0_i32_0 = arith.constant 0 : i32
    %c0_i32_1 = arith.constant 0 : i32
    return %c0_i32, %c0_i32_0 : i32, i32
  }
  func.func @transform_14(%arg0: i32) -> (i32, i32) {
    %c0_i32 = arith.constant 0 : i32
    %c0_i32_0 = arith.constant 0 : i32
    %c0_i32_1 = arith.constant 0 : i32
    return %c0_i32, %c0_i32_0 : i32, i32
  }
  func.func @transform_15(%arg0: i32) -> (i32, i32) {
    %c0_i32 = arith.constant 0 : i32
    %c0_i32_0 = arith.constant 0 : i32
    %c0_i32_1 = arith.constant 0 : i32
    return %c0_i32, %c0_i32_0 : i32, i32
  }
  func.func @transform_16(%arg0: i32) -> (i32, i32) {
    %c0_i32 = arith.constant 0 : i32
    %c0_i32_0 = arith.constant 0 : i32
    %c0_i32_1 = arith.constant 0 : i32
    return %c0_i32, %c0_i32_0 : i32, i32
  }
  func.func @transform_17(%arg0: i32) -> (i32, i32) {
    %c0_i32 = arith.constant 0 : i32
    %c0_i32_0 = arith.constant 0 : i32
    %c0_i32_1 = arith.constant 0 : i32
    return %c0_i32, %c0_i32_0 : i32, i32
  }
  func.func @transform_18(%arg0: i32) -> (i32, i32) {
    %c0_i32 = arith.constant 0 : i32
    %c0_i32_0 = arith.constant 0 : i32
    return %arg0, %c0_i32 : i32, i32
  }
  func.func @transform_19(%arg0: i32) -> (i32, i32) {
    %c0_i32 = arith.constant 0 : i32
    %c0_i32_0 = arith.constant 0 : i32
    return %arg0, %c0_i32 : i32, i32
  }
  func.func @transform_20(%arg0: i32) -> (i32, i32) {
    %c0_i32 = arith.constant 0 : i32
    %c0_i32_0 = arith.constant 0 : i32
    return %arg0, %c0_i32 : i32, i32
  }
}

</mosaic_0001>

<sc_bundles>
// kernel: kernel.4.cloned.1.call-start
scs
__scs_entry_jumppad:
0x0: {  	(pc) =	sbr.rel $0x88, $3  }
0x1: {  	(tag) =	ssettag $0x0;
	lr =	simm.s32 $0x1  }
0x2: {  	[smem:$0x3F91] =	sst lr;
	_ =	strace $0xD0000000  }
0x3: {  	_ = 	snop  }
0x4: {  	_ = 	snop  }
0x5: {  	_ = 	snop  }
0x6: {  	_ = 	snop  }
0x7: {  	_ = 	snop  }
__scs_overlays_trampoline_lowered:
0x8: {  	[smem:$0x3FA0] =	sst s0  }
0x9: {  	[smem:$0x3FA1] =	sst s1  }
0xa: {  	[smem:$0x3FA2] =	sst s2  }
0xb: {  	[smem:$0x3FA3] =	sst s3  }
0xc: {  	[smem:$0x3FA4] =	sst s4  }
0xd: {  	[smem:$0x3FA5] =	sst s5  }
0xe: {  	[smem:$0x3FA6] =	sst s6  }
0xf: {  	[smem:$0x3FA7] =	sst s7  }
0x10: {  	[smem:$0x3FA8] =	sst s8  }
0x11: {  	[smem:$0x3FA9] =	sst s9;
	s0 =	simm.s32 @!p0 $0x0  }
0x12: {  	s1 =	sld [smem:$0x3F8F];
	s0 =	simm.s32 @p0 $0x1  }
0x13: {  	[smem:$0x3FAA] =	sst s0;
	s0 =	simm.s32 @!p1 $0x0  }
0x14: {  	s2 =	sld [smem:$0x3F8E];
	s0 =	simm.s32 @p1 $0x1  }
0x15: {  	[smem:$0x3FAB] =	sst s0;
	s0 =	simm.s32 @!p2 $0x0  }
0x16: {  	s3 =	sld [smem:$0x3FDB];
	s0 =	simm.s32 @p2 $0x1  }
0x17: {  	s4 =	simm.s32 $0x1BF5;
	[smem:$0x3FAD] =	sst s0  }
0x18: {  	s0 =	sld [smem:$0x3F90];
	_ =	swait.ge [sflag:s4], $0x0  }
0x19: {  	s7 =	sld [smem:$0x3F91]  }
0x1a: {  	s8 =	sadd.s32 $0xFFFFE003, lr  }
0x1b: {  	s9 =	sadd.s32 $0xFFFFFEF7, lr;
	s5 =	simm.s32 $0xFFFFFFFF;
	p2 =	slt.u32 s8, $0xFFFFF086  }
0x1c: {  	p1 =	slt.u32 s9, $0xF7A;
	s5 =	simm.s32 @!p2 $0x0  }
0x1d: {  	s5 =	simm.s32 @p1 $0x1;
	p0 =	seq.s32 s7, s2  }
0x1e: {  	s7 =	smul.u32 @!p0 $0xF7A, s2;
	p2 =	seq.s32 @!p0 s5, $0x0  }
0x1f: {  	s9 =	smul.u32 $0xF7A, s1;
	s8 =	simm.s32 @!p0 $0x1BF5;
	p2 =	por !p2, p0  }
0x20: {  	[sflag:s8] =	ssyncset.s32 @!p0 $0xFFFFF086;
	s6 =	sadd.s32 @!p0 s3, s7;
	s7 =	simm.s32 @!p0 $0x108  }
0x21: {  	s3 =	sadd.s32 s3, s9;
	s6 =	sadd.s32 @!p0 $0x88, s6;
	s7 =	simm.s32 @p2 $0x1082  }
0x22: {  	[simem:s7], [sflag:s8] =	dma.local @!p0 [hbm:s6], $0xF7A  }
0x23: {  	s9 =	sor.u32 $0xD0000000, s2;
	s6 =	simm.s32 $0x108;
	_ =	swait.ge @!p0 [sflag:s8], $0x0  }
0x24: {  	s3 =	sadd.s32 $0x88, s3;
	s6 =	simm.s32 @!p1 $0x1082;
	[sflag:s4] =	ssyncset.s32 $0xFFFFF086  }
0x25: {  	[simem:s6], [sflag:s4] =	dma.local [hbm:s3], $0xF7A  }
0x26: {  	[smem:$0x3F91] =	sst s1;
	(tag) =	ssettag s2;
	_ =	strace s9  }
0x27: {  	s1 =	sld [smem:$0x3FA1]  }
0x28: {  	s2 =	sld [smem:$0x3FA2]  }
0x29: {  	s4 =	sld [smem:$0x3FA4]  }
0x2a: {  	p0 =	seq.s32 s5, $0x0;
	s5 =	sld [smem:$0x3FA5]  }
0x2b: {  	s6 =	sld [smem:$0x3FA6]  }
0x2c: {  	s7 =	sld [smem:$0x3FA7]  }
0x2d: {  	s3 =	simm.s32 $0x108;
	s8 =	sld [smem:$0x3FA8]  }
0x2e: {  	s3 =	simm.s32 @!p0 $0x1082;
	s9 =	sld [smem:$0x3FA9]  }
0x2f: {  	lr =	sadd.s32 s0, s3;
	s0 =	sld [smem:$0x3FA0]  }
0x30: {  	s3 =	sld [smem:$0x3FA3]  }
0x31: {  	[smem:$0x3FAC] =	sst s10  }
0x32: {  	s10 =	sld [smem:$0x3FAA];
	_ =	sdelay $0x3  }
0x33: {  	p0 =	seq.s32 s10, $0x1;
	s10 =	sld [smem:$0x3FAC];
	_ =	sdelay $0x3  }
0x34: {  	[smem:$0x3FAC] =	sst s10  }
0x35: {  	s10 =	sld [smem:$0x3FAB];
	_ =	sdelay $0x3  }
0x36: {  	p1 =	seq.s32 s10, $0x1;
	s10 =	sld [smem:$0x3FAC];
	_ =	sdelay $0x3  }
0x37: {  	[smem:$0x3FAC] =	sst s10  }
0x38: {  	s10 =	sld [smem:$0x3FAD]  }
0x39: {  	_ = 	snop;
	(pc) =	sbr.ind lr, $3  }
0x3a: {  	_ = 	snop  }
0x3b: {  	_ = 	snop  }
0x3c: {  	p2 =	seq.s32 s10, $0x1;
	s10 =	sld [smem:$0x3FAC]  }
0x3d: {  	_ =	shalt  }
0x3e: {  	_ =	shalt  }
0x3f: {  	_ =	shalt  }
0x40: {  	_ =	shalt  }
0x41: {  	_ =	shalt  }
0x42: {  	_ =	shalt  }
0x43: {  	_ =	shalt  }
0x44: {  	_ =	shalt  }
0x45: {  	_ =	shalt  }
0x46: {  	_ =	shalt  }
0x47: {  	_ =	shalt  }
0x48: {  	_ =	shalt  }
0x49: {  	_ =	shalt  }
0x4a: {  	_ =	shalt  }
0x4b: {  	_ =	shalt  }
0x4c: {  	_ =	shalt  }
0x4d: {  	_ =	shalt  }
0x4e: {  	_ =	shalt  }
0x4f: {  	_ =	shalt  }
0x50: {  	_ =	shalt  }
0x51: {  	_ =	shalt  }
0x52: {  	_ =	shalt  }
0x53: {  	_ =	shalt  }
0x54: {  	_ =	shalt  }
0x55: {  	_ =	shalt  }
0x56: {  	_ =	shalt  }
0x57: {  	_ =	shalt  }
0x58: {  	_ =	shalt  }
0x59: {  	_ =	shalt  }
0x5a: {  	_ =	shalt  }
0x5b: {  	_ =	shalt  }
0x5c: {  	_ =	shalt  }
0x5d: {  	_ =	shalt  }
0x5e: {  	_ =	shalt  }
0x5f: {  	_ =	shalt  }
0x60: {  	_ =	shalt  }
0x61: {  	_ =	shalt  }
0x62: {  	_ =	shalt  }
0x63: {  	_ =	shalt  }
0x64: {  	_ =	shalt  }
0x65: {  	_ =	shalt  }
0x66: {  	_ =	shalt  }
0x67: {  	_ =	shalt  }
0x68: {  	_ =	shalt  }
0x69: {  	_ =	shalt  }
0x6a: {  	_ =	shalt  }
0x6b: {  	_ =	shalt  }
0x6c: {  	_ =	shalt  }
0x6d: {  	_ =	shalt  }
0x6e: {  	_ =	shalt  }
0x6f: {  	_ =	shalt  }
0x70: {  	_ =	shalt  }
0x71: {  	_ =	shalt  }
0x72: {  	_ =	shalt  }
0x73: {  	_ =	shalt  }
0x74: {  	_ =	shalt  }
0x75: {  	_ =	shalt  }
0x76: {  	_ =	shalt  }
0x77: {  	_ =	shalt  }
0x78: {  	_ =	shalt  }
0x79: {  	_ =	shalt  }
0x7a: {  	_ =	shalt  }
0x7b: {  	_ =	shalt  }
0x7c: {  	_ =	shalt  }
0x7d: {  	_ =	shalt  }
0x7e: {  	_ =	shalt  }
0x7f: {  	_ =	shalt  }
0x80: {  	_ =	shalt  }
0x81: {  	_ =	shalt  }
0x82: {  	_ =	shalt  }
0x83: {  	_ =	shalt  }
0x84: {  	_ =	shalt  }
0x85: {  	_ =	shalt  }
0x86: {  	_ =	shalt  }
0x87: {  	_ =	shalt  }
.Lfunc_end0:
.L_simem_size_0:
called_computation_lowered:
.L_overlay_start_0:
0x88: {  	s2 =	sld [smem:$0x3FD9]  }
0x89: {  	s3 =	sld [smem:$0x3FFE];
	_ =	sdelay $0x1  }
0x8a: {  	s1 =	srdreg.scid  }
0x8b: {  	s0 =	sand.u32 $0x1, s1  }
0x8c: {  	s17 =	sshll.u32 s0, $0xA;
	s2 =	sadd.s32 s3, s2  }
0x8d: {  	s2 =	sadd.s32 s2, s17  }
0x8e: {  	[smem:$0x3FB8] =	sst s2  }
0x8f: {  	_ = 	snop  }
0x90: {  	s2 =	sld [smem:$0x3FC9];
	(tm) =	ssettm $0x1  }
0x91: {  	s18 =	sld [smem:$0x3FFB];
	_ =	sdelay $0x3  }
0x92: {  	_ =	strace s18  }
0x93: {  	s3 =	sld [smem:$0x3FFC];
	_ =	sdelay $0x3  }
0x94: {  	_ =	strace s3  }
0x95: {  	s3 =	sld [smem:$0x3FFD];
	_ =	sdelay $0x3  }
0x96: {  	_ =	strace s3  }
0x97: {  	_ =	strace $0x8FFFFFFF  }
0x98: {  	s19 =	sld [smem:$0x3FDB];
	_ =	sdelay $0x1  }
0x99: {  	s4 =	simm.s32 $_scs_section_size  }
0x9a: {  	s5 =	simm.s32 $_size__tile_overlayer_lowered;
	s6 =	simm.s32 $_tile_overlayer_lowered  }
0x9b: {  	s22 =	simm.s32 $0x1BFF;
	s21 =	sshll.u32 s6, $0x1;
	s3 =	sadd.s32 s4, s19  }
0x9c: {  	s7 =	simm.s32 $0x0;
	s20 =	sshll.u32 s5, $0x1;
	s5 =	sadd.s32 s21, s3  }
0x9d: {  	[timem:s7], [sflag:s22] =	dma.local [hbm:s5], s20  }
0x9e: {  	_ =	swait.ge [sflag:s22], s20  }
0x9f: {  	s4 =	ssub.s32 $0x0, s20;
	[sflag:s22] =	ssyncset.done $0x0  }
0xa0: {  	[sflag:s22] =	ssyncadd.s32 s4;
	_ =	sdelay $0x1  }
0xa1: {  	s23 =	simm.s32 $0x1B8B  }
0xa2: {  	_ =	swait.ge [sflag:s23], $0x1  }
0xa3: {  	[sflag:s23] =	ssyncset.done $0x0  }
0xa4: {  	s25 =	simm.s32 $0x1B8E;
	s24 =	sld [smem:$0x3FFE];
	[sflag:s23] =	ssyncadd.s32 $0xFFFFFFFF  }
0xa5: {  	s26 =	simm.s32 $execute0_lowered;
	[smem:$0x3FD2] =	sst s25  }
0xa6: {  	s5 =	sshll.u32 s26, $0x1;
	_ =	strace $0x80000046;
	[dreg:$0x1] =	wrdreg $0xFFFFFFFF  }
0xa7: {  	s28 =	simm.s32 $_size_execute0_lowered;
	s3 =	sadd.s32 s3, s5;
	[dreg:$0x0] =	wrdreg $0x0  }
0xa8: {  	s5 =	sshll.u32 s28, $0x1;
	[dreg:$0x2] =	wrdreg s3  }
0xa9: {  	[dreg:$0x3] =	wrdreg s5  }
0xaa: {  	[dreg:$0x4] =	wrdreg $0xC0  }
0xab: {  	_ =	task [dreg:s7], $0x5FFFF  }
0xac: {  	[dreg:$0x1] =	wrdreg $0xFFFFFFFF  }
0xad: {  	[dreg:$0x0] =	wrdreg $0x60  }
0xae: {  	[dreg:$0x2] =	wrdreg s2  }
0xaf: {  	[dreg:$0x3] =	wrdreg s24  }
0xb0: {  	[dreg:$0x4] =	wrdreg $0x9  }
0xb1: {  	_ =	task.clear_ibuf [dreg:s7], $0x5FFFF;
	_ =	strace $0x90000046  }
0xb2: {  	s29 =	simm.s32 $0x9;
	_ =	strace $0x80000048  }
0xb3: {  	_ =	swait.ge [sflag:s29], $0x1  }
0xb4: {  	[sflag:s29] =	ssyncadd.s32 $0xFFFFFFFF  }
0xb5: {  	_ =	strace $0x90000048  }
0xb6: {  	_ =	sfence  }
0xb7: {  	s30 =	sld [smem:$0x0];
	_ =	sdelay $0x2  }
0xb8: {  	s31 =	sshll.u32 s1, $0xD;
	s1 =	sshrl.u32 s1, $0x2  }
0xb9: {  	s3 =	sand.u32 $0x4000, s31;
	s1 =	sadd.s32 s1, s30  }
0xba: {  	s0 =	sor.u32 s3, s0;
	s1 =	sshll.u32 s1, $0x11  }
0xbb: {  	s0 =	sor.u32 s1, s0  }
0xbc: {  	s0 =	sadd.s32 $0x8F2B, s0  }
0xbd: {  	[sflag:s0] =	ssyncadd.remote.s32 $0x1  }
0xbe: {  	_ =	sfence.sel $0xFFFF  }
0xbf: {  	[dreg:$0x0] =	wrdreg $0xFFFFFFFF;
	(pc) =	sbr.abs _section_cstart, $3  }
0xc0: {  	[dreg:$0x1] =	wrdreg $0xFFFFFFFF  }
0xc1: {  	_ =	task.clear_ibuf [dreg:s7], $0x2FFFF;
	_ =	strace $0x9FFFFFFF  }
0xc2: {  	(tm) =	ssettm $0x7FFFFFFF  }
0xc3: {  	_ =	shalt  }
tec
execute0_lowered:
.L_overlay_start_1:
0x0: {  	(tag) =	ssettag $0x1  }
0x1: {  	s5 =	rddreg [dreg:$0x0]  }
0x2: {  	s4 =	rddreg [dreg:$0x1]  }
0x3: {  	s0 =	rddreg [dreg:$0x2];
	s2 =	simm.s32 $0x0;
	s3 =	srdreg.scid  }
0x4: {  	s1 =	stileid.u32;
	s9 =	simm.s32 $0x3;
	s10 =	simm.s32 $0x12C00  }
0x5: {  	s11 =	simm.s32 $0x18C00;
	s12 =	simm.s32 $0x1;
	s13 =	simm.s32 $0x2  }
0x6: {  	s14 =	simm.s32 $0x0;
	[smem:$0x7FF] =	sst s2;
	s3 =	sand.u32 $0x1, s3  }
0x7: {  	v3 =	vlaneseq.u32;
	s7 =	sshll.u32 s1, $0x8;
	s4 =	sadd.s32 $0x2A00, s4;
	s6 =	ssub.s32 $0x2, s3  }
0x8: {  	v0 =	vand.u32 $0x7, v3;
	s3 =	sshll.u32 s3, $0x7;
	_ =	strace $0x80000047;
	s8 =	sshrl.u32 s6, $0x1  }
0x9: {  	v1 =	vimm.f32 $0.0e+00;
	v4 =	vshrl.u32 v3, $0x3;
	v2 =	vor.u32 $0x6400, v0;
	s3 =	sor.u32 s3, s7;
	s7 =	simm.s32 $0x400;
	s6 =	ssub.s32 s6, s8  }
0xa: {  	v3 =	vor.u32 $0xC800, v0;
	v4 =	vmul.u32 $0x80, v4;
	v5 =	vmul.u32 $0x80, v0;
	s5 =	sadd.s32 s5, s3;
	s8 =	simm.s32 $0x8000;
	s6 =	smax.u32 s6, $0x1  }
.LBB2_1:
0xb: {  	[tilespmem:s2], [sflag:$0x3] =	stream.strided.gather [hbm4b:s5+s7], $0x12C00, s8, s7, $0x38;
	[tilespmem:$0x1EC00] =	vst v63  }
0xc: {  	_ =	swait.ge [sflag:s9], $0x12C00  }
0xd: {  	[sflag:s9] =	ssyncset.done $0x0  }
0xe: {  	s15 =	simm.s32 $0x0;
	[sflag:s9] =	ssyncadd.s32 $0xFFFED400  }
.LBB2_2:
0xf: {  	p0 =	seq.s32 s15, $0x0  }
0x10: {  	s16 =	simm.s32 @!p0 $0x1  }
0x11: {  	_ =	swait.ge @!p0 [sflag:s16], $0x6000  }
0x12: {  	[sflag:s16] =	ssyncset.done @!p0 $0x0  }
0x13: {  	[sflag:s16] =	ssyncadd.s32 @!p0 $0xFFFFA000;
	s16 =	simm.s32 $0x12E00  }
0x14: {  	[tilespmem:s16+$0xFFFFFE00] =	vst v1  }
0x15: {  	[tilespmem:s16+$0x1F0] =	vst v1  }
0x16: {  	[tilespmem:s16+$0x170] =	vst v1  }
0x17: {  	[tilespmem:s16+$0xF0] =	vst v1  }
0x18: {  	[tilespmem:s16+$0x70] =	vst v1  }
0x19: {  	[tilespmem:s16+$0xFFFFFFF0] =	vst v1  }
0x1a: {  	[tilespmem:s16+$0xFFFFFF70] =	vst v1  }
0x1b: {  	[tilespmem:s16+$0xFFFFFEF0] =	vst v1  }
0x1c: {  	[tilespmem:s16+$0xFFFFFE70] =	vst v1  }
0x1d: {  	[tilespmem:s16+$0x1E0] =	vst v1  }
0x1e: {  	[tilespmem:s16+$0x160] =	vst v1  }
0x1f: {  	[tilespmem:s16+$0xE0] =	vst v1  }
0x20: {  	[tilespmem:s16+$0x60] =	vst v1  }
0x21: {  	[tilespmem:s16+$0xFFFFFFE0] =	vst v1  }
0x22: {  	[tilespmem:s16+$0xFFFFFF60] =	vst v1  }
0x23: {  	[tilespmem:s16+$0xFFFFFEE0] =	vst v1  }
0x24: {  	[tilespmem:s16+$0xFFFFFE60] =	vst v1  }
0x25: {  	[tilespmem:s16+$0x1D0] =	vst v1  }
0x26: {  	[tilespmem:s16+$0x150] =	vst v1  }
0x27: {  	[tilespmem:s16+$0xD0] =	vst v1  }
0x28: {  	[tilespmem:s16+$0x50] =	vst v1  }
0x29: {  	[tilespmem:s16+$0xFFFFFFD0] =	vst v1  }
0x2a: {  	[tilespmem:s16+$0xFFFFFF50] =	vst v1  }
0x2b: {  	[tilespmem:s16+$0xFFFFFED0] =	vst v1  }
0x2c: {  	[tilespmem:s16+$0xFFFFFE50] =	vst v1  }
0x2d: {  	[tilespmem:s16+$0x1C0] =	vst v1  }
0x2e: {  	[tilespmem:s16+$0x140] =	vst v1  }
0x2f: {  	[tilespmem:s16+$0xC0] =	vst v1  }
0x30: {  	[tilespmem:s16+$0x40] =	vst v1  }
0x31: {  	[tilespmem:s16+$0xFFFFFFC0] =	vst v1  }
0x32: {  	[tilespmem:s16+$0xFFFFFF40] =	vst v1  }
0x33: {  	[tilespmem:s16+$0xFFFFFEC0] =	vst v1  }
0x34: {  	[tilespmem:s16+$0xFFFFFE40] =	vst v1  }
0x35: {  	[tilespmem:s16+$0x1B0] =	vst v1  }
0x36: {  	[tilespmem:s16+$0x130] =	vst v1  }
0x37: {  	[tilespmem:s16+$0xB0] =	vst v1  }
0x38: {  	[tilespmem:s16+$0x30] =	vst v1  }
0x39: {  	[tilespmem:s16+$0xFFFFFFB0] =	vst v1  }
0x3a: {  	[tilespmem:s16+$0xFFFFFF30] =	vst v1  }
0x3b: {  	[tilespmem:s16+$0xFFFFFEB0] =	vst v1  }
0x3c: {  	[tilespmem:s16+$0xFFFFFE30] =	vst v1  }
0x3d: {  	[tilespmem:s16+$0x1A0] =	vst v1  }
0x3e: {  	[tilespmem:s16+$0x120] =	vst v1  }
0x3f: {  	[tilespmem:s16+$0xA0] =	vst v1  }
0x40: {  	[tilespmem:s16+$0x20] =	vst v1  }
0x41: {  	[tilespmem:s16+$0xFFFFFFA0] =	vst v1  }
0x42: {  	[tilespmem:s16+$0xFFFFFF20] =	vst v1  }
0x43: {  	[tilespmem:s16+$0xFFFFFEA0] =	vst v1  }
0x44: {  	[tilespmem:s16+$0xFFFFFE20] =	vst v1  }
0x45: {  	[tilespmem:s16+$0x190] =	vst v1  }
0x46: {  	[tilespmem:s16+$0x110] =	vst v1  }
0x47: {  	[tilespmem:s16+$0x90] =	vst v1  }
0x48: {  	[tilespmem:s16+$0x10] =	vst v1  }
0x49: {  	[tilespmem:s16+$0xFFFFFF90] =	vst v1  }
0x4a: {  	[tilespmem:s16+$0xFFFFFF10] =	vst v1  }
0x4b: {  	[tilespmem:s16+$0xFFFFFE90] =	vst v1  }
0x4c: {  	[tilespmem:s16+$0xFFFFFE10] =	vst v1  }
0x4d: {  	[tilespmem:s16+$0x180] =	vst v1  }
0x4e: {  	[tilespmem:s16+$0x100] =	vst v1  }
0x4f: {  	[tilespmem:s16+$0x80] =	vst v1  }
0x50: {  	[tilespmem:s16+$0x0] =	vst v1  }
0x51: {  	[tilespmem:s16+$0xFFFFFF80] =	vst v1  }
0x52: {  	s17 =	simm.s32 $0x0;
	[tilespmem:s16+$0xFFFFFF00] =	vst v1  }
.LBB2_3:
0x53: {  	s17 =	sadd.s32 $0x8, s17;
	[tilespmem:s16+$0xFFFFFE80] =	vst v1;
	s16 =	sadd.s32 $0x400, s16  }
0x54: {  	[tilespmem:s16+$0xFFFFFE00] =	vst v1;
	p0 =	slt.u32 s17, $0xB8  }
0x55: {  	[tilespmem:s16+$0x1F0] =	vst v1  }
0x56: {  	[tilespmem:s16+$0x170] =	vst v1  }
0x57: {  	[tilespmem:s16+$0xF0] =	vst v1  }
0x58: {  	[tilespmem:s16+$0x70] =	vst v1  }
0x59: {  	[tilespmem:s16+$0xFFFFFFF0] =	vst v1  }
0x5a: {  	[tilespmem:s16+$0xFFFFFF70] =	vst v1  }
0x5b: {  	[tilespmem:s16+$0xFFFFFEF0] =	vst v1  }
0x5c: {  	[tilespmem:s16+$0xFFFFFE70] =	vst v1  }
0x5d: {  	[tilespmem:s16+$0x1E0] =	vst v1  }
0x5e: {  	[tilespmem:s16+$0x160] =	vst v1  }
0x5f: {  	[tilespmem:s16+$0xE0] =	vst v1  }
0x60: {  	[tilespmem:s16+$0x60] =	vst v1  }
0x61: {  	[tilespmem:s16+$0xFFFFFFE0] =	vst v1  }
0x62: {  	[tilespmem:s16+$0xFFFFFF60] =	vst v1  }
0x63: {  	[tilespmem:s16+$0xFFFFFEE0] =	vst v1  }
0x64: {  	[tilespmem:s16+$0xFFFFFE60] =	vst v1  }
0x65: {  	[tilespmem:s16+$0x1D0] =	vst v1  }
0x66: {  	[tilespmem:s16+$0x150] =	vst v1  }
0x67: {  	[tilespmem:s16+$0xD0] =	vst v1  }
0x68: {  	[tilespmem:s16+$0x50] =	vst v1  }
0x69: {  	[tilespmem:s16+$0xFFFFFFD0] =	vst v1  }
0x6a: {  	[tilespmem:s16+$0xFFFFFF50] =	vst v1  }
0x6b: {  	[tilespmem:s16+$0xFFFFFED0] =	vst v1  }
0x6c: {  	[tilespmem:s16+$0xFFFFFE50] =	vst v1  }
0x6d: {  	[tilespmem:s16+$0x1C0] =	vst v1  }
0x6e: {  	[tilespmem:s16+$0x140] =	vst v1  }
0x6f: {  	[tilespmem:s16+$0xC0] =	vst v1  }
0x70: {  	[tilespmem:s16+$0x40] =	vst v1  }
0x71: {  	[tilespmem:s16+$0xFFFFFFC0] =	vst v1  }
0x72: {  	[tilespmem:s16+$0xFFFFFF40] =	vst v1  }
0x73: {  	[tilespmem:s16+$0xFFFFFEC0] =	vst v1  }
0x74: {  	[tilespmem:s16+$0xFFFFFE40] =	vst v1  }
0x75: {  	[tilespmem:s16+$0x1B0] =	vst v1  }
0x76: {  	[tilespmem:s16+$0x130] =	vst v1  }
0x77: {  	[tilespmem:s16+$0xB0] =	vst v1  }
0x78: {  	[tilespmem:s16+$0x30] =	vst v1  }
0x79: {  	[tilespmem:s16+$0xFFFFFFB0] =	vst v1  }
0x7a: {  	[tilespmem:s16+$0xFFFFFF30] =	vst v1  }
0x7b: {  	[tilespmem:s16+$0xFFFFFEB0] =	vst v1  }
0x7c: {  	[tilespmem:s16+$0xFFFFFE30] =	vst v1  }
0x7d: {  	[tilespmem:s16+$0x1A0] =	vst v1  }
0x7e: {  	[tilespmem:s16+$0x120] =	vst v1  }
0x7f: {  	[tilespmem:s16+$0xA0] =	vst v1  }
0x80: {  	[tilespmem:s16+$0x20] =	vst v1  }
0x81: {  	[tilespmem:s16+$0xFFFFFFA0] =	vst v1  }
0x82: {  	[tilespmem:s16+$0xFFFFFF20] =	vst v1  }
0x83: {  	[tilespmem:s16+$0xFFFFFEA0] =	vst v1  }
0x84: {  	[tilespmem:s16+$0xFFFFFE20] =	vst v1  }
0x85: {  	[tilespmem:s16+$0x190] =	vst v1  }
0x86: {  	[tilespmem:s16+$0x110] =	vst v1  }
0x87: {  	[tilespmem:s16+$0x90] =	vst v1  }
0x88: {  	[tilespmem:s16+$0x10] =	vst v1  }
0x89: {  	[tilespmem:s16+$0xFFFFFF90] =	vst v1  }
0x8a: {  	[tilespmem:s16+$0xFFFFFF10] =	vst v1  }
0x8b: {  	[tilespmem:s16+$0xFFFFFE90] =	vst v1  }
0x8c: {  	[tilespmem:s16+$0xFFFFFE10] =	vst v1  }
0x8d: {  	[tilespmem:s16+$0x180] =	vst v1  }
.Ltmp0:
0x8e: {  	[tilespmem:s16+$0x100] =	vst v1;
	(pc) =	sbr.rel @p0 .LBB2_3-.Ltmp0, $4  }
0x8f: {  	[tilespmem:s16+$0x80] =	vst v1  }
0x90: {  	[tilespmem:s16+$0x0] =	vst v1  }
0x91: {  	[tilespmem:s16+$0xFFFFFF80] =	vst v1  }
0x92: {  	[tilespmem:s16+$0xFFFFFF00] =	vst v1  }
0x93: {  	s17 =	sshll.u32 s15, $0x4  }
0x94: {  	[tilespmem:s16+$0xFFFFFE80] =	vst v1;
	s16 =	simm.s32 $0xFFFFFFFC;
	s18 =	simm.s32 $0x6;
	v6 =	vor.u32 s17, v0;
	v7 =	vadd.s32 s17, v2;
	v8 =	vadd.s32 s17, v3  }
.LBB2_5:
0x95: {  	s19 =	sadd.s32 $0xFFFFFFFA, s18  }
0x96: {  	v9 =	vmov s19  }
0x97: {  	v9 =	vshll.u32 v9, $0x7  }
0x98: {  	v9 =	vor.u32 v4, v9  }
0x99: {  	v10 =	vor.u32 v6, v9  }
0x9a: {  	v11 =	vadd.s32 v7, v9;
	_ =	sdelay $0x3  }
0x9b: {  	v10 =	vld.idx.msk [tilespmem:v10+s2+$0x0], $0xffff  }
0x9c: {  	v11 =	vld.idx.msk [tilespmem:v11+s2+$0x0], $0xffff;
	_ =	sdelay $0x3  }
0x9d: {  	vm0 =	veq.s32 v10, $0xFF  }
0x9e: {  	vm6 =	veq.s32 v11, $0xFF;
	v10 =	vsel vm0, $0x0, v10  }
0x9f: {  	v9 =	vadd.s32 v8, v9;
	v11 =	vsel vm6, $0x0, v11;
	v12 =	vshrl.u32 v10, $0x4  }
0xa0: {  	v10 =	vand.u32 $0xF, v10;
	v13 =	vshll.u32 v11, $0x7;
	v12 =	vand.u32 $0xF, v12  }
0xa1: {  	vm1 =	vlt.u32 v10, $0xB;
	vm7 =	vlt.u32 v12, $0xB;
	v12 =	vmul.u32 $0xB, v12  }
0xa2: {  	vm8 =	vlt.s32 v11, $0x18;
	v10 =	vor.u32 v10, v13;
	vm0 =	vmand vm1, vm7  }
0xa3: {  	vm0 =	vmand vm8, vm0;
	v10 =	vadd.s32 v12, v10  }
0xa4: {  	v9 =	vld.idx.msk [tilespmem:v9+s2+$0x0], $0xffff;
	v10 =	vnsel vm0, $0x0, v10  }
0xa5: {  	s30 =	sadd.s32 $0xFFFFFFFC, s18;
	v11 =	vshll.u32 v10, $0x3  }
0xa6: {  	v49 =	vmov s30;
	v10 =	vand.u32 $0x7F, v10;
	v11 =	vand.u32 $0xFFFFFC00, v11  }
0xa7: {  	v10 =	vor.u32 v11, v10;
	v11 =	vshll.u32 v49, $0x7  }
0xa8: {  	v10 =	vor.u32 v5, v10;
	v11 =	vor.u32 v4, v11  }
0xa9: {  	vm9 =	veq.s32 v9, $0xFF;
	v50 =	vor.u32 v6, v11  }
0xaa: {  	v9 =	vsel vm9, $0x0, v9;
	v51 =	vadd.s32 v7, v11  }
0xab: {  	v9 =	vcvt.s32.f32 v9;
	_ =	sdelay $0x1  }
0xac: {  	[tilespmem:v10+s10+$0x0] =	vst.idx.msk vm0, v9  }
0xad: {  	v9 =	vld.idx.msk [tilespmem:v50+s2+$0x0], $0xffff  }
0xae: {  	v10 =	vld.idx.msk [tilespmem:v51+s2+$0x0], $0xffff;
	_ =	sdelay $0x3  }
0xaf: {  	vm10 =	veq.s32 v9, $0xFF  }
0xb0: {  	vm11 =	veq.s32 v10, $0xFF;
	v9 =	vsel vm10, $0x0, v9  }
0xb1: {  	v11 =	vadd.s32 v8, v11;
	v10 =	vsel vm11, $0x0, v10;
	v52 =	vshrl.u32 v9, $0x4  }
0xb2: {  	v9 =	vand.u32 $0xF, v9;
	v53 =	vshll.u32 v10, $0x7;
	v12 =	vand.u32 $0xF, v52  }
0xb3: {  	vm13 =	vlt.u32 v9, $0xB;
	vm12 =	vlt.u32 v12, $0xB;
	v12 =	vmul.u32 $0xB, v12  }
0xb4: {  	vm14 =	vlt.s32 v10, $0x18;
	v9 =	vor.u32 v9, v53;
	vm0 =	vmand vm13, vm12  }
0xb5: {  	vm0 =	vmand vm14, vm0;
	v9 =	vadd.s32 v12, v9  }
0xb6: {  	v10 =	vld.idx.msk [tilespmem:v11+s2+$0x0], $0xffff;
	v9 =	vnsel vm0, $0x0, v9  }
0xb7: {  	s31 =	sadd.s32 $0xFFFFFFFE, s18;
	v11 =	vshll.u32 v9, $0x3  }
0xb8: {  	v54 =	vmov s31;
	v9 =	vand.u32 $0x7F, v9;
	v11 =	vand.u32 $0xFFFFFC00, v11  }
0xb9: {  	v9 =	vor.u32 v11, v9;
	v11 =	vshll.u32 v54, $0x7  }
0xba: {  	v9 =	vor.u32 v5, v9;
	v11 =	vor.u32 v4, v11  }
0xbb: {  	vm15 =	veq.s32 v10, $0xFF;
	v55 =	vor.u32 v6, v11  }
0xbc: {  	v10 =	vsel vm15, $0x0, v10;
	v56 =	vadd.s32 v7, v11  }
0xbd: {  	v10 =	vcvt.s32.f32 v10;
	_ =	sdelay $0x1  }
0xbe: {  	[tilespmem:v9+s10+$0x0] =	vst.idx.msk vm0, v10  }
0xbf: {  	v9 =	vld.idx.msk [tilespmem:v55+s2+$0x0], $0xffff  }
0xc0: {  	v10 =	vld.idx.msk [tilespmem:v56+s2+$0x0], $0xffff;
	_ =	sdelay $0x3  }
0xc1: {  	vm4 =	veq.s32 v9, $0xFF  }
0xc2: {  	vm5 =	veq.s32 v10, $0xFF;
	v9 =	vsel vm4, $0x0, v9  }
0xc3: {  	v11 =	vadd.s32 v8, v11;
	v10 =	vsel vm5, $0x0, v10;
	v57 =	vshrl.u32 v9, $0x4  }
0xc4: {  	v9 =	vand.u32 $0xF, v9;
	v58 =	vshll.u32 v10, $0x7;
	v12 =	vand.u32 $0xF, v57  }
0xc5: {  	vm7 =	vlt.u32 v9, $0xB;
	vm6 =	vlt.u32 v12, $0xB;
	v12 =	vmul.u32 $0xB, v12  }
0xc6: {  	vm8 =	vlt.s32 v10, $0x18;
	v9 =	vor.u32 v9, v58;
	vm0 =	vmand vm7, vm6  }
0xc7: {  	vm0 =	vmand vm8, vm0;
	v9 =	vadd.s32 v12, v9  }
0xc8: {  	v10 =	vld.idx.msk [tilespmem:v11+s2+$0x0], $0xffff;
	v9 =	vnsel vm0, $0x0, v9  }
0xc9: {  	v11 =	vshll.u32 v9, $0x3  }
0xca: {  	v59 =	vmov s18;
	v9 =	vand.u32 $0x7F, v9;
	v11 =	vand.u32 $0xFFFFFC00, v11  }
0xcb: {  	v9 =	vor.u32 v11, v9;
	v11 =	vshll.u32 v59, $0x7  }
0xcc: {  	v9 =	vor.u32 v5, v9;
	v11 =	vor.u32 v4, v11  }
0xcd: {  	vm9 =	veq.s32 v10, $0xFF;
	v60 =	vor.u32 v6, v11  }
0xce: {  	v10 =	vsel vm9, $0x0, v10;
	v61 =	vadd.s32 v7, v11  }
0xcf: {  	v10 =	vcvt.s32.f32 v10;
	_ =	sdelay $0x1  }
0xd0: {  	[tilespmem:v9+s10+$0x0] =	vst.idx.msk vm0, v10  }
0xd1: {  	v9 =	vld.idx.msk [tilespmem:v60+s2+$0x0], $0xffff  }
0xd2: {  	v10 =	vld.idx.msk [tilespmem:v61+s2+$0x0], $0xffff;
	_ =	sdelay $0x3  }
0xd3: {  	vm10 =	veq.s32 v9, $0xFF  }
0xd4: {  	vm11 =	veq.s32 v10, $0xFF;
	v9 =	vsel vm10, $0x0, v9  }
0xd5: {  	v11 =	vadd.s32 v8, v11;
	v10 =	vsel vm11, $0x0, v10;
	v62 =	vshrl.u32 v9, $0x4  }
0xd6: {  	v9 =	vand.u32 $0xF, v9;
	v63 =	vshll.u32 v10, $0x7;
	v12 =	vand.u32 $0xF, v62  }
0xd7: {  	vm13 =	vlt.u32 v9, $0xB;
	vm12 =	vlt.u32 v12, $0xB;
	v12 =	vmul.u32 $0xB, v12  }
0xd8: {  	vm14 =	vlt.s32 v10, $0x18;
	v9 =	vor.u32 v9, v63;
	vm0 =	vmand vm13, vm12  }
0xd9: {  	vm0 =	vmand vm14, vm0;
	v9 =	vadd.s32 v12, v9  }
0xda: {  	v10 =	vld.idx.msk [tilespmem:v11+s2+$0x0], $0xffff;
	v9 =	vnsel vm0, $0x0, v9  }
0xdb: {  	v11 =	vshll.u32 v9, $0x3  }
0xdc: {  	v9 =	vand.u32 $0x7F, v9;
	v11 =	vand.u32 $0xFFFFFC00, v11  }
0xdd: {  	s16 =	sadd.s32 $0x4, s16;
	v9 =	vor.u32 v11, v9  }
0xde: {  	p0 =	slt.u32 s16, $0x60;
	v9 =	vor.u32 v5, v9  }
.Ltmp1:
0xdf: {  	vm15 =	veq.s32 v10, $0xFF;
	(pc) =	sbr.rel @p0 .LBB2_5-.Ltmp1, $3  }
0xe0: {  	v10 =	vsel vm15, $0x0, v10  }
0xe1: {  	v10 =	vcvt.s32.f32 v10;
	_ =	sdelay $0x1  }
0xe2: {  	s18 =	sadd.s32 $0x8, s18;
	[tilespmem:v9+s10+$0x0] =	vst.idx.msk vm0, v10  }
0xe3: {  	s16 =	sor.u32 s3, s17  }
0xe4: {  	s16 =	sshrl.u32 s16, $0x3  }
0xe5: {  	s16 =	smul.u32 $0xC00, s16  }
0xe6: {  	p0 =	sne.s32 s15, $0x0  }
0xe7: {  	s18 =	simm.s32 @p0 $0x2;
	s16 =	sadd.s32 s4, s16  }
0xe8: {  	[hbm4b:s16+s2] =	stream.linear.scatter [tilespmem:s10], [sflag:$0x1], $0x6000, $0x38;
	[tilespmem:$0x1EC00] =	vst v63  }
0xe9: {  	_ =	swait.ge @p0 [sflag:s18], $0x6000  }
0xea: {  	[sflag:s18] =	ssyncset.done @p0 $0x0  }
0xeb: {  	s16 =	sor.u32 $0x8, s17;
	s17 =	simm.s32 $0x18C00;
	[sflag:s18] =	ssyncadd.s32 @p0 $0xFFFFA000  }
0xec: {  	[tilespmem:s17+$0x0] =	vst v1  }
0xed: {  	[tilespmem:s17+$0x3F0] =	vst v1  }
0xee: {  	[tilespmem:s17+$0x370] =	vst v1  }
0xef: {  	[tilespmem:s17+$0x2F0] =	vst v1  }
0xf0: {  	[tilespmem:s17+$0x270] =	vst v1  }
0xf1: {  	[tilespmem:s17+$0x1F0] =	vst v1  }
0xf2: {  	[tilespmem:s17+$0x170] =	vst v1  }
0xf3: {  	[tilespmem:s17+$0xF0] =	vst v1  }
0xf4: {  	[tilespmem:s17+$0x70] =	vst v1  }
0xf5: {  	[tilespmem:s17+$0x3E0] =	vst v1  }
0xf6: {  	[tilespmem:s17+$0x360] =	vst v1  }
0xf7: {  	[tilespmem:s17+$0x2E0] =	vst v1  }
0xf8: {  	[tilespmem:s17+$0x260] =	vst v1  }
0xf9: {  	[tilespmem:s17+$0x1E0] =	vst v1  }
0xfa: {  	[tilespmem:s17+$0x160] =	vst v1  }
0xfb: {  	[tilespmem:s17+$0xE0] =	vst v1  }
0xfc: {  	[tilespmem:s17+$0x60] =	vst v1  }
0xfd: {  	[tilespmem:s17+$0x3D0] =	vst v1  }
0xfe: {  	[tilespmem:s17+$0x350] =	vst v1  }
0xff: {  	[tilespmem:s17+$0x2D0] =	vst v1  }
0x100: {  	[tilespmem:s17+$0x250] =	vst v1  }
0x101: {  	[tilespmem:s17+$0x1D0] =	vst v1  }
0x102: {  	[tilespmem:s17+$0x150] =	vst v1  }
0x103: {  	[tilespmem:s17+$0xD0] =	vst v1  }
0x104: {  	[tilespmem:s17+$0x50] =	vst v1  }
0x105: {  	[tilespmem:s17+$0x3C0] =	vst v1  }
0x106: {  	[tilespmem:s17+$0x340] =	vst v1  }
0x107: {  	[tilespmem:s17+$0x2C0] =	vst v1  }
0x108: {  	[tilespmem:s17+$0x240] =	vst v1  }
0x109: {  	[tilespmem:s17+$0x1C0] =	vst v1  }
0x10a: {  	[tilespmem:s17+$0x140] =	vst v1  }
0x10b: {  	[tilespmem:s17+$0xC0] =	vst v1  }
0x10c: {  	[tilespmem:s17+$0x40] =	vst v1  }
0x10d: {  	[tilespmem:s17+$0x3B0] =	vst v1  }
0x10e: {  	[tilespmem:s17+$0x330] =	vst v1  }
0x10f: {  	[tilespmem:s17+$0x2B0] =	vst v1  }
0x110: {  	[tilespmem:s17+$0x230] =	vst v1  }
0x111: {  	[tilespmem:s17+$0x1B0] =	vst v1  }
0x112: {  	[tilespmem:s17+$0x130] =	vst v1  }
0x113: {  	[tilespmem:s17+$0xB0] =	vst v1  }
0x114: {  	[tilespmem:s17+$0x30] =	vst v1  }
0x115: {  	[tilespmem:s17+$0x3A0] =	vst v1  }
0x116: {  	[tilespmem:s17+$0x320] =	vst v1  }
0x117: {  	[tilespmem:s17+$0x2A0] =	vst v1  }
0x118: {  	[tilespmem:s17+$0x220] =	vst v1  }
0x119: {  	[tilespmem:s17+$0x1A0] =	vst v1  }
0x11a: {  	[tilespmem:s17+$0x120] =	vst v1  }
0x11b: {  	[tilespmem:s17+$0xA0] =	vst v1  }
0x11c: {  	[tilespmem:s17+$0x20] =	vst v1  }
0x11d: {  	[tilespmem:s17+$0x390] =	vst v1  }
0x11e: {  	[tilespmem:s17+$0x310] =	vst v1  }
0x11f: {  	[tilespmem:s17+$0x290] =	vst v1  }
0x120: {  	[tilespmem:s17+$0x210] =	vst v1  }
0x121: {  	[tilespmem:s17+$0x190] =	vst v1  }
0x122: {  	[tilespmem:s17+$0x110] =	vst v1  }
0x123: {  	[tilespmem:s17+$0x90] =	vst v1  }
0x124: {  	[tilespmem:s17+$0x10] =	vst v1  }
0x125: {  	[tilespmem:s17+$0x380] =	vst v1  }
0x126: {  	[tilespmem:s17+$0x300] =	vst v1  }
0x127: {  	[tilespmem:s17+$0x280] =	vst v1  }
0x128: {  	[tilespmem:s17+$0x200] =	vst v1  }
0x129: {  	[tilespmem:s17+$0x180] =	vst v1  }
0x12a: {  	s18 =	simm.s32 $0x0;
	[tilespmem:s17+$0x100] =	vst v1  }
.LBB2_7:
0x12b: {  	s18 =	sadd.s32 $0x8, s18;
	[tilespmem:s17+$0x80] =	vst v1;
	s17 =	sadd.s32 $0x400, s17  }
0x12c: {  	[tilespmem:s17+$0x0] =	vst v1;
	p0 =	slt.u32 s18, $0xB8  }
0x12d: {  	[tilespmem:s17+$0x3F0] =	vst v1  }
0x12e: {  	[tilespmem:s17+$0x370] =	vst v1  }
0x12f: {  	[tilespmem:s17+$0x2F0] =	vst v1  }
0x130: {  	[tilespmem:s17+$0x270] =	vst v1  }
0x131: {  	[tilespmem:s17+$0x1F0] =	vst v1  }
0x132: {  	[tilespmem:s17+$0x170] =	vst v1  }
0x133: {  	[tilespmem:s17+$0xF0] =	vst v1  }
0x134: {  	[tilespmem:s17+$0x70] =	vst v1  }
0x135: {  	[tilespmem:s17+$0x3E0] =	vst v1  }
0x136: {  	[tilespmem:s17+$0x360] =	vst v1  }
0x137: {  	[tilespmem:s17+$0x2E0] =	vst v1  }
0x138: {  	[tilespmem:s17+$0x260] =	vst v1  }
0x139: {  	[tilespmem:s17+$0x1E0] =	vst v1  }
0x13a: {  	[tilespmem:s17+$0x160] =	vst v1  }
0x13b: {  	[tilespmem:s17+$0xE0] =	vst v1  }
0x13c: {  	[tilespmem:s17+$0x60] =	vst v1  }
0x13d: {  	[tilespmem:s17+$0x3D0] =	vst v1  }
0x13e: {  	[tilespmem:s17+$0x350] =	vst v1  }
0x13f: {  	[tilespmem:s17+$0x2D0] =	vst v1  }
0x140: {  	[tilespmem:s17+$0x250] =	vst v1  }
0x141: {  	[tilespmem:s17+$0x1D0] =	vst v1  }
0x142: {  	[tilespmem:s17+$0x150] =	vst v1  }
0x143: {  	[tilespmem:s17+$0xD0] =	vst v1  }
0x144: {  	[tilespmem:s17+$0x50] =	vst v1  }
0x145: {  	[tilespmem:s17+$0x3C0] =	vst v1  }
0x146: {  	[tilespmem:s17+$0x340] =	vst v1  }
0x147: {  	[tilespmem:s17+$0x2C0] =	vst v1  }
0x148: {  	[tilespmem:s17+$0x240] =	vst v1  }
0x149: {  	[tilespmem:s17+$0x1C0] =	vst v1  }
0x14a: {  	[tilespmem:s17+$0x140] =	vst v1  }
0x14b: {  	[tilespmem:s17+$0xC0] =	vst v1  }
0x14c: {  	[tilespmem:s17+$0x40] =	vst v1  }
0x14d: {  	[tilespmem:s17+$0x3B0] =	vst v1  }
0x14e: {  	[tilespmem:s17+$0x330] =	vst v1  }
0x14f: {  	[tilespmem:s17+$0x2B0] =	vst v1  }
0x150: {  	[tilespmem:s17+$0x230] =	vst v1  }
0x151: {  	[tilespmem:s17+$0x1B0] =	vst v1  }
0x152: {  	[tilespmem:s17+$0x130] =	vst v1  }
0x153: {  	[tilespmem:s17+$0xB0] =	vst v1  }
0x154: {  	[tilespmem:s17+$0x30] =	vst v1  }
0x155: {  	[tilespmem:s17+$0x3A0] =	vst v1  }
0x156: {  	[tilespmem:s17+$0x320] =	vst v1  }
0x157: {  	[tilespmem:s17+$0x2A0] =	vst v1  }
0x158: {  	[tilespmem:s17+$0x220] =	vst v1  }
0x159: {  	[tilespmem:s17+$0x1A0] =	vst v1  }
0x15a: {  	[tilespmem:s17+$0x120] =	vst v1  }
0x15b: {  	[tilespmem:s17+$0xA0] =	vst v1  }
0x15c: {  	[tilespmem:s17+$0x20] =	vst v1  }
0x15d: {  	[tilespmem:s17+$0x390] =	vst v1  }
0x15e: {  	[tilespmem:s17+$0x310] =	vst v1  }
0x15f: {  	[tilespmem:s17+$0x290] =	vst v1  }
0x160: {  	[tilespmem:s17+$0x210] =	vst v1  }
0x161: {  	[tilespmem:s17+$0x190] =	vst v1  }
0x162: {  	[tilespmem:s17+$0x110] =	vst v1  }
0x163: {  	[tilespmem:s17+$0x90] =	vst v1  }
0x164: {  	[tilespmem:s17+$0x10] =	vst v1  }
0x165: {  	[tilespmem:s17+$0x380] =	vst v1  }
.Ltmp2:
0x166: {  	[tilespmem:s17+$0x300] =	vst v1;
	(pc) =	sbr.rel @p0 .LBB2_7-.Ltmp2, $4  }
0x167: {  	[tilespmem:s17+$0x280] =	vst v1  }
0x168: {  	[tilespmem:s17+$0x200] =	vst v1  }
0x169: {  	[tilespmem:s17+$0x180] =	vst v1  }
0x16a: {  	[tilespmem:s17+$0x100] =	vst v1  }
0x16b: {  	[tilespmem:s17+$0x80] =	vst v1;
	v6 =	vor.u32 s16, v0;
	v7 =	vadd.s32 s16, v2;
	v8 =	vadd.s32 s16, v3;
	s17 =	simm.s32 $0xFFFFFFFC;
	s18 =	simm.s32 $0x6  }
.LBB2_9:
0x16c: {  	s19 =	sadd.s32 $0xFFFFFFFA, s18  }
0x16d: {  	v9 =	vmov s19  }
0x16e: {  	v9 =	vshll.u32 v9, $0x7  }
0x16f: {  	v9 =	vor.u32 v4, v9  }
0x170: {  	v10 =	vor.u32 v6, v9  }
0x171: {  	v11 =	vadd.s32 v7, v9;
	_ =	sdelay $0x3  }
0x172: {  	v10 =	vld.idx.msk [tilespmem:v10+s2+$0x0], $0xffff  }
0x173: {  	v11 =	vld.idx.msk [tilespmem:v11+s2+$0x0], $0xffff;
	_ =	sdelay $0x3  }
0x174: {  	vm0 =	veq.s32 v10, $0xFF  }
0x175: {  	vm6 =	veq.s32 v11, $0xFF;
	v10 =	vsel vm0, $0x0, v10  }
0x176: {  	v9 =	vadd.s32 v8, v9;
	v11 =	vsel vm6, $0x0, v11;
	v12 =	vshrl.u32 v10, $0x4  }
0x177: {  	v10 =	vand.u32 $0xF, v10;
	v13 =	vshll.u32 v11, $0x7;
	v12 =	vand.u32 $0xF, v12  }
0x178: {  	vm1 =	vlt.u32 v10, $0xB;
	vm7 =	vlt.u32 v12, $0xB;
	v12 =	vmul.u32 $0xB, v12  }
0x179: {  	vm8 =	vlt.s32 v11, $0x18;
	v10 =	vor.u32 v10, v13;
	vm0 =	vmand vm1, vm7  }
0x17a: {  	vm0 =	vmand vm8, vm0;
	v10 =	vadd.s32 v12, v10  }
0x17b: {  	v9 =	vld.idx.msk [tilespmem:v9+s2+$0x0], $0xffff;
	v10 =	vnsel vm0, $0x0, v10  }
0x17c: {  	s30 =	sadd.s32 $0xFFFFFFFC, s18;
	v11 =	vshll.u32 v10, $0x3  }
0x17d: {  	v49 =	vmov s30;
	v10 =	vand.u32 $0x7F, v10;
	v11 =	vand.u32 $0xFFFFFC00, v11  }
0x17e: {  	v10 =	vor.u32 v11, v10;
	v11 =	vshll.u32 v49, $0x7  }
0x17f: {  	v10 =	vor.u32 v5, v10;
	v11 =	vor.u32 v4, v11  }
0x180: {  	vm9 =	veq.s32 v9, $0xFF;
	v50 =	vor.u32 v6, v11  }
0x181: {  	v9 =	vsel vm9, $0x0, v9;
	v51 =	vadd.s32 v7, v11  }
0x182: {  	v9 =	vcvt.s32.f32 v9;
	_ =	sdelay $0x1  }
0x183: {  	[tilespmem:v10+s11+$0x0] =	vst.idx.msk vm0, v9  }
0x184: {  	v9 =	vld.idx.msk [tilespmem:v50+s2+$0x0], $0xffff  }
0x185: {  	v10 =	vld.idx.msk [tilespmem:v51+s2+$0x0], $0xffff;
	_ =	sdelay $0x3  }
0x186: {  	vm10 =	veq.s32 v9, $0xFF  }
0x187: {  	vm11 =	veq.s32 v10, $0xFF;
	v9 =	vsel vm10, $0x0, v9  }
0x188: {  	v11 =	vadd.s32 v8, v11;
	v10 =	vsel vm11, $0x0, v10;
	v52 =	vshrl.u32 v9, $0x4  }
0x189: {  	v9 =	vand.u32 $0xF, v9;
	v53 =	vshll.u32 v10, $0x7;
	v12 =	vand.u32 $0xF, v52  }
0x18a: {  	vm13 =	vlt.u32 v9, $0xB;
	vm12 =	vlt.u32 v12, $0xB;
	v12 =	vmul.u32 $0xB, v12  }
0x18b: {  	vm14 =	vlt.s32 v10, $0x18;
	v9 =	vor.u32 v9, v53;
	vm0 =	vmand vm13, vm12  }
0x18c: {  	vm0 =	vmand vm14, vm0;
	v9 =	vadd.s32 v12, v9  }
0x18d: {  	v10 =	vld.idx.msk [tilespmem:v11+s2+$0x0], $0xffff;
	v9 =	vnsel vm0, $0x0, v9  }
0x18e: {  	s31 =	sadd.s32 $0xFFFFFFFE, s18;
	v11 =	vshll.u32 v9, $0x3  }
0x18f: {  	v54 =	vmov s31;
	v9 =	vand.u32 $0x7F, v9;
	v11 =	vand.u32 $0xFFFFFC00, v11  }
0x190: {  	v9 =	vor.u32 v11, v9;
	v11 =	vshll.u32 v54, $0x7  }
0x191: {  	v9 =	vor.u32 v5, v9;
	v11 =	vor.u32 v4, v11  }
0x192: {  	vm15 =	veq.s32 v10, $0xFF;
	v55 =	vor.u32 v6, v11  }
0x193: {  	v10 =	vsel vm15, $0x0, v10;
	v56 =	vadd.s32 v7, v11  }
0x194: {  	v10 =	vcvt.s32.f32 v10;
	_ =	sdelay $0x1  }
0x195: {  	[tilespmem:v9+s11+$0x0] =	vst.idx.msk vm0, v10  }
0x196: {  	v9 =	vld.idx.msk [tilespmem:v55+s2+$0x0], $0xffff  }
0x197: {  	v10 =	vld.idx.msk [tilespmem:v56+s2+$0x0], $0xffff;
	_ =	sdelay $0x3  }
0x198: {  	vm4 =	veq.s32 v9, $0xFF  }
0x199: {  	vm5 =	veq.s32 v10, $0xFF;
	v9 =	vsel vm4, $0x0, v9  }
0x19a: {  	v11 =	vadd.s32 v8, v11;
	v10 =	vsel vm5, $0x0, v10;
	v57 =	vshrl.u32 v9, $0x4  }
0x19b: {  	v9 =	vand.u32 $0xF, v9;
	v58 =	vshll.u32 v10, $0x7;
	v12 =	vand.u32 $0xF, v57  }
0x19c: {  	vm7 =	vlt.u32 v9, $0xB;
	vm6 =	vlt.u32 v12, $0xB;
	v12 =	vmul.u32 $0xB, v12  }
0x19d: {  	vm8 =	vlt.s32 v10, $0x18;
	v9 =	vor.u32 v9, v58;
	vm0 =	vmand vm7, vm6  }
0x19e: {  	vm0 =	vmand vm8, vm0;
	v9 =	vadd.s32 v12, v9  }
0x19f: {  	v10 =	vld.idx.msk [tilespmem:v11+s2+$0x0], $0xffff;
	v9 =	vnsel vm0, $0x0, v9  }
0x1a0: {  	v11 =	vshll.u32 v9, $0x3  }
0x1a1: {  	v59 =	vmov s18;
	v9 =	vand.u32 $0x7F, v9;
	v11 =	vand.u32 $0xFFFFFC00, v11  }
0x1a2: {  	v9 =	vor.u32 v11, v9;
	v11 =	vshll.u32 v59, $0x7  }
0x1a3: {  	v9 =	vor.u32 v5, v9;
	v11 =	vor.u32 v4, v11  }
0x1a4: {  	vm9 =	veq.s32 v10, $0xFF;
	v60 =	vor.u32 v6, v11  }
0x1a5: {  	v10 =	vsel vm9, $0x0, v10;
	v61 =	vadd.s32 v7, v11  }
0x1a6: {  	v10 =	vcvt.s32.f32 v10;
	_ =	sdelay $0x1  }
0x1a7: {  	[tilespmem:v9+s11+$0x0] =	vst.idx.msk vm0, v10  }
0x1a8: {  	v9 =	vld.idx.msk [tilespmem:v60+s2+$0x0], $0xffff  }
0x1a9: {  	v10 =	vld.idx.msk [tilespmem:v61+s2+$0x0], $0xffff;
	_ =	sdelay $0x3  }
0x1aa: {  	vm10 =	veq.s32 v9, $0xFF  }
0x1ab: {  	vm11 =	veq.s32 v10, $0xFF;
	v9 =	vsel vm10, $0x0, v9  }
0x1ac: {  	v11 =	vadd.s32 v8, v11;
	v10 =	vsel vm11, $0x0, v10;
	v62 =	vshrl.u32 v9, $0x4  }
0x1ad: {  	v9 =	vand.u32 $0xF, v9;
	v63 =	vshll.u32 v10, $0x7;
	v12 =	vand.u32 $0xF, v62  }
0x1ae: {  	vm13 =	vlt.u32 v9, $0xB;
	vm12 =	vlt.u32 v12, $0xB;
	v12 =	vmul.u32 $0xB, v12  }
0x1af: {  	vm14 =	vlt.s32 v10, $0x18;
	v9 =	vor.u32 v9, v63;
	vm0 =	vmand vm13, vm12  }
0x1b0: {  	vm0 =	vmand vm14, vm0;
	v9 =	vadd.s32 v12, v9  }
0x1b1: {  	v10 =	vld.idx.msk [tilespmem:v11+s2+$0x0], $0xffff;
	v9 =	vnsel vm0, $0x0, v9  }
0x1b2: {  	v11 =	vshll.u32 v9, $0x3  }
0x1b3: {  	v9 =	vand.u32 $0x7F, v9;
	v11 =	vand.u32 $0xFFFFFC00, v11  }
0x1b4: {  	s17 =	sadd.s32 $0x4, s17;
	v9 =	vor.u32 v11, v9  }
0x1b5: {  	p0 =	slt.u32 s17, $0x60;
	v9 =	vor.u32 v5, v9  }
.Ltmp3:
0x1b6: {  	vm15 =	veq.s32 v10, $0xFF;
	(pc) =	sbr.rel @p0 .LBB2_9-.Ltmp3, $3  }
0x1b7: {  	v10 =	vsel vm15, $0x0, v10  }
0x1b8: {  	v10 =	vcvt.s32.f32 v10;
	_ =	sdelay $0x1  }
0x1b9: {  	s18 =	sadd.s32 $0x8, s18;
	[tilespmem:v9+s11+$0x0] =	vst.idx.msk vm0, v10  }
0x1ba: {  	s15 =	sadd.s32 $0x1, s15  }
0x1bb: {  	s16 =	sor.u32 s3, s16;
	p0 =	sne.s32 s15, $0x8  }
.Ltmp4:
0x1bc: {  	s16 =	sshrl.u32 s16, $0x3;
	(pc) =	sbr.rel @p0 .LBB2_2-.Ltmp4, $3  }
0x1bd: {  	s16 =	smul.u32 $0xC00, s16;
	_ =	sdelay $0x1  }
0x1be: {  	s16 =	sadd.s32 s4, s16  }
0x1bf: {  	[hbm4b:s16+s2] =	stream.linear.scatter [tilespmem:s11], [sflag:$0x2], $0x6000, $0x38;
	[tilespmem:$0x1EC00] =	vst v63  }
0x1c0: {  	s14 =	sadd.s32 $0x1, s14  }
0x1c1: {  	_ =	swait.ge [sflag:s12], $0x6000;
	p0 =	sne.s32 s14, s6  }
.Ltmp5:
0x1c2: {  	[sflag:s12] =	ssyncset.done $0x0;
	(pc) =	sbr.rel @p0 .LBB2_1-.Ltmp5, $4  }
0x1c3: {  	[sflag:s12] =	ssyncadd.s32 $0xFFFFA000  }
0x1c4: {  	_ =	swait.ge [sflag:s13], $0x6000  }
0x1c5: {  	[sflag:s13] =	ssyncset.done $0x0  }
0x1c6: {  	[sflag:s13] =	ssyncadd.s32 $0xFFFFA000  }
0x1c7: {  	_ =	sfence.sel $0x180000  }
0x1c8: {  	[bflag:$0x0] =	sbarrier.arrive $0xFFFF  }
0x1c9: {  	p0 =	sne.s32 s1, $0x0;
	_ =	strace $0x90000047  }
0x1ca: {  	s0 =	sadd.s32 @!p0 $0x100000, s0;
	[bflag:$0x2] =	sbarrier.arrive $0xFFFF  }
0x1cb: {  	[sflag:s0] =	ssyncadd.tile.s32 @!p0 $0x1;
	_ =	shalt  }
.Lfunc_end2:
_tile_overlayer_lowered:
.L_overlay_start_2:
0x1cc: {  	(tag) =	ssettag $0x2  }
0x1cd: {  	s0 =	rddreg [dreg:$0x0];
	s2 =	stileid.u32  }
0x1ce: {  	s1 =	rddreg [dreg:$0x1];
	p0 =	sne.s32 s2, $0x0  }
0x1cf: {  	s3 =	rddreg [dreg:$0x2];
	[bflag:$0x3] =	sbarrier.arrive $0xFFFF;
	s2 =	simm.s32 @!p0 $0x1C03  }
0x1d0: {  	[timem:s3], [sflag:s2] =	dma.local @!p0 [hbm:s0], s1  }
0x1d1: {  	s0 =	simm.s32 @!p0 $0x3  }
0x1d2: {  	_ =	swait.ge @!p0 [sflag:s0], s1  }
0x1d3: {  	s1 =	ssub.s32 @!p0 $0x0, s1;
	[sflag:s0] =	ssyncset.done @!p0 $0x0  }
0x1d4: {  	[sflag:s0] =	ssyncadd.s32 @!p0 s1  }
0x1d5: {  	[bflag:$0x3] =	sbarrier.arrive $0xFFFF  }
0x1d6: {  	_ =	shalt  }

</sc_bundles>
